<compile_context>
chip_gen: v7x
topology: tpu7x:2x2x1
jax: 0.10.2.dev20260603
libtpu: 0.0.44.dev20260713+nightly
codegen_flags: <defaults>
</compile_context>

<pallas_src>
import functools

import jax
import jax.numpy as jnp
from jax import lax
from jax.experimental import pallas as pl
from jax.experimental.pallas import tpu as pltpu
from jax.experimental.pallas import tpu_sc as plsc

DT = 0.03

_NC = 2
_NS = 16
_NW = _NC * _NS


def _gather_body(h_hbm, row_hbm, col_hbm, hcat_hbm,
                 ridx, cidx, ra0, ca0, ra1, ca1,
                 gsa, gsb, wsa, wsb, *, epw, ch, d):
    c = lax.axis_index("c")
    s = lax.axis_index("s")
    wid = s * _NC + c
    base = wid * epw
    npairs = epw // ch

    pltpu.sync_copy(row_hbm.at[pl.ds(base, epw)], ridx)
    pltpu.sync_copy(col_hbm.at[pl.ds(base, epw)], cidx)

    def fire_gather(p, bufs, sem):
        ra, ca = bufs
        gr = pltpu.async_copy(h_hbm.at[ridx.at[pl.ds(p * ch, ch)]], ra, sem)
        gc = pltpu.async_copy(h_hbm.at[cidx.at[pl.ds(p * ch, ch)]], ca, sem)
        return gr, gc

    def drain_gather(p, bufs, sem):
        ra, ca = bufs
        pltpu.make_async_copy(h_hbm.at[ridx.at[pl.ds(p * ch, ch)]], ra,
                              sem).wait()
        pltpu.make_async_copy(h_hbm.at[cidx.at[pl.ds(p * ch, ch)]], ca,
                              sem).wait()

    def fire_write(p, bufs, sem):
        ra, ca = bufs
        off = base + p * ch
        pltpu.async_copy(ra, hcat_hbm.at[pl.ds(off, ch), pl.ds(0, d)], sem)
        pltpu.async_copy(ca, hcat_hbm.at[pl.ds(off, ch), pl.ds(d, d)], sem)

    def drain_write(p, bufs, sem):
        ra, ca = bufs
        off = base + p * ch
        pltpu.make_async_copy(ra, hcat_hbm.at[pl.ds(off, ch), pl.ds(0, d)],
                              sem).wait()
        pltpu.make_async_copy(ca, hcat_hbm.at[pl.ds(off, ch), pl.ds(d, d)],
                              sem).wait()

    bufs0 = (ra0, ca0)
    bufs1 = (ra1, ca1)

    def body(i, _):
        pa = 2 * i
        pb = 2 * i + 1
        fire_gather(pa, bufs0, gsa)
        fire_gather(pb, bufs1, gsb)
        drain_gather(pa, bufs0, gsa)
        drain_gather(pb, bufs1, gsb)
        fire_write(pa, bufs0, wsa)
        fire_write(pb, bufs1, wsb)
        drain_write(pa, bufs0, wsa)
        drain_write(pb, bufs1, wsb)
        return 0

    lax.fori_loop(0, npairs // 2, body, 0)


def _sc_gather(h, row1, col1, ch):
    e = row1.shape[0]
    d = h.shape[1]
    epw = e // _NW
    mesh = plsc.VectorSubcoreMesh(core_axis_name="c", subcore_axis_name="s")
    kern = pl.kernel(
        functools.partial(_gather_body, epw=epw, ch=ch, d=d),
        out_type=jax.ShapeDtypeStruct((e, 2 * d), h.dtype),
        mesh=mesh,
        scratch_types=[
            pltpu.VMEM((epw,), jnp.int32),
            pltpu.VMEM((epw,), jnp.int32),
            pltpu.VMEM((ch, d), h.dtype),
            pltpu.VMEM((ch, d), h.dtype),
            pltpu.VMEM((ch, d), h.dtype),
            pltpu.VMEM((ch, d), h.dtype),
            pltpu.SemaphoreType.DMA,
            pltpu.SemaphoreType.DMA,
            pltpu.SemaphoreType.DMA,
            pltpu.SemaphoreType.DMA,
        ],
    )
    return kern(h, row1, col1)


def _scatter_body(*refs, epc, ch, nps, nchunks, chunk0):
    msgs = refs[:nchunks]
    row_hbm, zeros_hbm, out_hbm, idx_v, msg_v, shared, sem = refs[nchunks:]
    c = lax.axis_index("c")
    s = lax.axis_index("s")
    wid = s * _NC + c

    pltpu.sync_copy(zeros_hbm, shared.at[pl.ds(s * nps, nps)])
    plsc.subcore_barrier()

    for q0, mref in enumerate(msgs):
        q = q0 + chunk0
        base = wid * epc

        def body(i, _):
            off = base + i * ch
            d0 = pltpu.async_copy(row_hbm.at[pl.ds(q * epc * _NW + off, ch)],
                                  idx_v, sem)
            d1 = pltpu.async_copy(mref.at[pl.ds(off, ch)], msg_v, sem)
            d0.wait(); d1.wait()
            pltpu.sync_copy(msg_v, shared.at[idx_v], add=True)
            return 0

        lax.fori_loop(0, epc // ch, body, 0)

    plsc.subcore_barrier()

    npad = nps * _NS
    pltpu.sync_copy(shared.at[pl.ds(s * nps, nps)],
                    out_hbm.at[pl.ds(c * npad + s * nps, nps)])


def _sc_scatter(msgs, row, n_pad, chunk0):
    ec, d = msgs[0].shape
    epc = ec // _NW
    ch = 200
    nps = n_pad // _NS
    zeros = jnp.zeros((nps, d), msgs[0].dtype)
    mesh = plsc.VectorSubcoreMesh(core_axis_name="c", subcore_axis_name="s")
    kern = pl.kernel(
        functools.partial(_scatter_body, epc=epc, ch=ch, nps=nps,
                          nchunks=len(msgs), chunk0=chunk0),
        out_type=jax.ShapeDtypeStruct((_NC * n_pad, d), msgs[0].dtype),
        mesh=mesh,
        scratch_types=[
            pltpu.VMEM((ch,), jnp.int32),
            pltpu.VMEM((ch, d), msgs[0].dtype),
            pltpu.VMEM_SHARED((n_pad, d), msgs[0].dtype),
            pltpu.SemaphoreType.DMA,
        ],
    )
    return kern(*msgs, row, zeros)


def _mlp_body(x_ref, w1, b1, vw2t, vb2, w2f, w2p, c2, out_ref):
    f32 = jnp.float32
    bf = jnp.bfloat16
    d = x_ref.shape[1] // 2
    x = x_ref[...]
    xb = x.astype(bf)
    z = jnp.dot(xb, w1[...], preferred_element_type=f32) + b1[...]
    tv = jnp.tanh(z[:, :d])
    tf = jax.nn.relu(z[:, d:2 * d])
    tp = jnp.tanh(z[:, 2 * d:])
    s = (jnp.dot(tf.astype(bf), w2f[...], preferred_element_type=f32)
         + jnp.dot(tp.astype(bf), w2p[...], preferred_element_type=f32)
         + c2[...])
    nu = jnp.dot(tv.astype(bf), vw2t[...], preferred_element_type=f32) + vb2[...]
    out_ref[...] = s + nu * (x[:, d:] - x[:, :d])


def _tc_mlp(hcat, weights, d):
    e = hcat.shape[0]
    be = 4000
    grid = e // be
    in_spec = pl.BlockSpec((be, 2 * d), lambda i: (i, 0))
    out_spec = pl.BlockSpec((be, d), lambda i: (i, 0))
    full = lambda a: pl.BlockSpec(a.shape, lambda i: tuple(0 for _ in a.shape))
    return pl.pallas_call(
        _mlp_body,
        out_shape=jax.ShapeDtypeStruct((e, d), jnp.float32),
        grid=(grid,),
        in_specs=[in_spec] + [full(w) for w in weights],
        out_specs=out_spec,
    )(hcat, *weights)


def _combine_body(h_ref, a0_ref, a1_ref, b0_ref, b1_ref, out_ref):
    out_ref[...] = h_ref[...] + DT * ((a0_ref[...] + a1_ref[...])
                                      + (b0_ref[...] + b1_ref[...]))


def _tc_combine(h, pa, pb, n_pad):
    n, d = h.shape
    bn = 80
    spec = pl.BlockSpec((bn, d), lambda i: (i, 0))
    p1_spec = pl.BlockSpec((bn, d), lambda i: (i + n_pad // bn, 0))
    return pl.pallas_call(
        _combine_body,
        out_shape=jax.ShapeDtypeStruct((n, d), jnp.float32),
        grid=(n // bn,),
        in_specs=[spec, spec, p1_spec, spec, p1_spec],
        out_specs=spec,
    )(h, pa, pa, pb, pb)


def kernel(h, edge_index, vw1, vb1, vw2, vb2, pw1, pb1, pw2, pb2,
           fw1, fb1, fw2, fb2):
    n, d = h.shape
    f32 = jnp.float32
    bf = jnp.bfloat16
    row = edge_index[0]
    col = edge_index[1]

    w1 = jnp.concatenate([
        jnp.concatenate([vw1[:d], fw1[:d], pw1], axis=1),
        jnp.concatenate([vw1[d:], fw1[d:], -pw1], axis=1),
    ], axis=0).astype(bf)
    b1 = jnp.concatenate([vb1, fb1, pb1]).reshape(1, 3 * d).astype(f32)
    weights = (
        w1, b1,
        jnp.tile(vw2, (1, d)).astype(bf),
        vb2.reshape(1, 1).astype(f32),
        fw2.astype(bf), (-pw2).astype(bf),
        (fb2 - pb2).reshape(1, d).astype(f32),
    )
    e = row.shape[0]
    nchunks = 5
    ec = e // nchunks
    msgs = []
    ch = 200
    for k in range(nchunks):
        sl = slice(k * ec, (k + 1) * ec)
        hcat_k = _sc_gather(h, row[sl], col[sl], ch)
        msgs.append(_tc_mlp(hcat_k, weights, d))

    n_pad = ((n + _NW * 8 - 1) // (_NW * 8)) * (_NW * 8)
    pa = _sc_scatter(msgs[:3], row, n_pad, 0)
    pb = _sc_scatter(msgs[3:], row, n_pad, 3)

    return _tc_combine(h, pa, pb, n_pad)

# --- scband reference (transcript-rebuilt; emitter-appended) ---
"""Pipeline reference for scband-edge-navier-stokes-layer-41128606827044 (READ-ONLY COPY).

The authoritative reference and input builder live on the scoring server;
editing this copy changes nothing except your own understanding.
"""

import jax, jax.numpy as jnp
import numpy as np

N = 10000
E = 320000
D = 128
DT = 0.03


def _lin(k, fin, fout):
    return jax.random.normal(k, (fin, fout), dtype=jnp.float32) * (1.0 / np.sqrt(fin))


def setup_inputs(seed: int = 0) -> dict:
    key = jax.random.key(seed)
    ks = jax.random.split(key, 16)
    h = jax.random.normal(ks[0], (N, D), dtype=jnp.float32)
    edge_index = jax.random.randint(ks[1], (2, E), 0, N, dtype=jnp.int32)
    # viscosity_mlp: Linear(2D, D) -> Tanh -> Linear(D, 1)
    vw1 = _lin(ks[2], 2 * D, D); vb1 = jnp.zeros((D,), jnp.float32)
    vw2 = _lin(ks[3], D, 1); vb2 = jnp.zeros((1,), jnp.float32)
    # pressure_mlp: Linear(D, D) -> Tanh -> Linear(D, D)
    pw1 = _lin(ks[4], D, D); pb1 = jnp.zeros((D,), jnp.float32)
    pw2 = _lin(ks[5], D, D); pb2 = jnp.zeros((D,), jnp.float32)
    # force_mlp: Linear(2D, D) -> ReLU -> Linear(D, D)
    fw1 = _lin(ks[6], 2 * D, D); fb1 = jnp.zeros((D,), jnp.float32)
    fw2 = _lin(ks[7], D, D); fb2 = jnp.zeros((D,), jnp.float32)
    return {"h": h, "edge_index": edge_index,
            "vw1": vw1, "vb1": vb1, "vw2": vw2, "vb2": vb2,
            "pw1": pw1, "pb1": pb1, "pw2": pw2, "pb2": pb2,
            "fw1": fw1, "fb1": fb1, "fw2": fw2, "fb2": fb2}


def reference(h, edge_index, vw1, vb1, vw2, vb2, pw1, pb1, pw2, pb2, fw1, fb1, fw2, fb2):
    row = edge_index[0]
    col = edge_index[1]
    hi = jnp.take(h, row, axis=0)
    hj = jnp.take(h, col, axis=0)
    edge_input = jnp.concatenate([hi, hj], axis=1)
    nu = jnp.tanh(edge_input @ vw1 + vb1) @ vw2 + vb2
    diffusion = nu * (hj - hi)
    force = jax.nn.relu(edge_input @ fw1 + fb1) @ fw2 + fb2
    pressure = jnp.tanh((hi - hj) @ pw1 + pb1) @ pw2 + pb2
    message = diffusion + force - pressure
    agg = jnp.zeros_like(h).at[row].add(message)
    return h + DT * agg

if __name__ == "__main__":
    import jax
    _d = setup_inputs()
    print(jax.jit(kernel)(*tuple(_d.values())))

</pallas_src>

<mosaic_0001>
#map = affine_map<(d0, d1) -> (0, 0)>
#map1 = affine_map<(d0, d1) -> (0)>
module attributes {stable_mosaic.version = 14 : i64} {
  func.func @_gather_body(%arg0: i32, %arg1: i32, %arg2: memref<10000x128xf32, #tpu.memory_space<hbm>>, %arg3: memref<64000xi32, #tpu.memory_space<hbm>>, %arg4: memref<64000xi32, #tpu.memory_space<hbm>>, %arg5: memref<64000x256xf32, #tpu.memory_space<hbm>>, %arg6: memref<2000xi32, #tpu.memory_space<vmem>>, %arg7: memref<2000xi32, #tpu.memory_space<vmem>>, %arg8: memref<200x128xf32, #tpu.memory_space<vmem>>, %arg9: memref<200x128xf32, #tpu.memory_space<vmem>>, %arg10: memref<200x128xf32, #tpu.memory_space<vmem>>, %arg11: memref<200x128xf32, #tpu.memory_space<vmem>>, %arg12: memref<!tpu.dma_semaphore, #tpu.memory_space<semaphore_mem>>, %arg13: memref<!tpu.dma_semaphore, #tpu.memory_space<semaphore_mem>>, %arg14: memref<!tpu.dma_semaphore, #tpu.memory_space<semaphore_mem>>, %arg15: memref<!tpu.dma_semaphore, #tpu.memory_space<semaphore_mem>>) attributes {dimension_semantics = [#tpu.dimension_semantics<core_parallel>, #tpu.dimension_semantics<subcore_parallel>], iteration_bounds = array<i64: 2, 16>, scalar_prefetch = 0 : i64, scratch_operands = 10 : i64, tpu.core_type = #tpu.core_type<sc_vector_subcore>, window_params = [{transform_indices = #map}, {transform_indices = #map1}, {transform_indices = #map1}, {transform_indices = #map}]} {
    %mul3A = arith.constant 2 : i32
    %mul3A_0 = arith.muli %arg1, %mul3A : i32
    %add3A = arith.addi %mul3A_0, %arg0 : i32
    %mul3A_1 = arith.constant 2000 : i32
    %mul3A_2 = arith.muli %add3A, %mul3A_1 : i32
    "tpu.region"() ({
      %run_scoped3A = tpu.sem_alloc : memref<!tpu.dma_semaphore, #tpu.memory_space<semaphore_mem>>
      %dma_start3A = tpu.memref_slice %arg3[%mul3A_2] : memref<64000xi32, #tpu.memory_space<hbm>> -> memref<2000xi32, #tpu.memory_space<hbm>>
      %dma_start3A_9 = tpu.memref_slice %arg3[%mul3A_2] : memref<64000xi32, #tpu.memory_space<hbm>> -> memref<2000xi32, #tpu.memory_space<hbm>>
      tpu.enqueue_dma source(%dma_start3A_9 : memref<2000xi32, #tpu.memory_space<hbm>>) target(%arg6 : memref<2000xi32, #tpu.memory_space<vmem>>) target_semaphore(%run_scoped3A : memref<!tpu.dma_semaphore, #tpu.memory_space<semaphore_mem>>)
      %dma_wait3A = tpu.memref_slice %arg3[%mul3A_2] : memref<64000xi32, #tpu.memory_space<hbm>> -> memref<2000xi32, #tpu.memory_space<hbm>>
      %dma_wait3A_10 = tpu.memref_slice %arg3[%mul3A_2] : memref<64000xi32, #tpu.memory_space<hbm>> -> memref<2000xi32, #tpu.memory_space<hbm>>
      tpu.wait_dma2 semaphore(%run_scoped3A : memref<!tpu.dma_semaphore, #tpu.memory_space<semaphore_mem>>) src(%dma_wait3A_10 : memref<2000xi32, #tpu.memory_space<hbm>>) dst(%arg6 : memref<2000xi32, #tpu.memory_space<vmem>>)
      tpu.yield
    }) : () -> ()
    "tpu.region"() ({
      %run_scoped3A = tpu.sem_alloc : memref<!tpu.dma_semaphore, #tpu.memory_space<semaphore_mem>>
      %dma_start3A = tpu.memref_slice %arg4[%mul3A_2] : memref<64000xi32, #tpu.memory_space<hbm>> -> memref<2000xi32, #tpu.memory_space<hbm>>
      %dma_start3A_9 = tpu.memref_slice %arg4[%mul3A_2] : memref<64000xi32, #tpu.memory_space<hbm>> -> memref<2000xi32, #tpu.memory_space<hbm>>
      tpu.enqueue_dma source(%dma_start3A_9 : memref<2000xi32, #tpu.memory_space<hbm>>) target(%arg7 : memref<2000xi32, #tpu.memory_space<vmem>>) target_semaphore(%run_scoped3A : memref<!tpu.dma_semaphore, #tpu.memory_space<semaphore_mem>>)
      %dma_wait3A = tpu.memref_slice %arg4[%mul3A_2] : memref<64000xi32, #tpu.memory_space<hbm>> -> memref<2000xi32, #tpu.memory_space<hbm>>
      %dma_wait3A_10 = tpu.memref_slice %arg4[%mul3A_2] : memref<64000xi32, #tpu.memory_space<hbm>> -> memref<2000xi32, #tpu.memory_space<hbm>>
      tpu.wait_dma2 semaphore(%run_scoped3A : memref<!tpu.dma_semaphore, #tpu.memory_space<semaphore_mem>>) src(%dma_wait3A_10 : memref<2000xi32, #tpu.memory_space<hbm>>) dst(%arg7 : memref<2000xi32, #tpu.memory_space<vmem>>)
      tpu.yield
    }) : () -> ()
    %scan3A = arith.constant 0 : i32
    %scan3A_3 = arith.constant 0 : i32
    %scan3A_4 = arith.constant 5 : i32
    %scan3A_5 = arith.addi %scan3A_3, %scan3A_4 : i32
    %scan3A_6 = arith.constant 1 : i32
    %scan3A_7 = scf.for %scan3A_9 = %scan3A_3 to %scan3A_5 step %scan3A_6 iter_args(%scan3A_10 = %scan3A) -> (i32)  : i32 {
      %mul3A_11 = arith.constant 2 : i32
      %mul3A_12 = arith.muli %mul3A_11, %scan3A_9 : i32
      %mul3A_13 = arith.constant 2 : i32
      %mul3A_14 = arith.muli %mul3A_13, %scan3A_9 : i32
      %add3A_15 = arith.constant 1 : i32
      %add3A_16 = arith.addi %mul3A_14, %add3A_15 : i32
      %mul3A_17 = arith.constant 200 : i32
      %mul3A_18 = arith.muli %mul3A_12, %mul3A_17 : i32
      %dma_start3A = tpu.memref_slice %arg6[%mul3A_18] : memref<2000xi32, #tpu.memory_space<vmem>> -> memref<200xi32, #tpu.memory_space<vmem>>
      %dma_start3A_19 = arith.constant 0 : i32
      %dma_start3A_20 = arith.constant 0 : i32
      %dma_start3A_21 = tpu.memref_slice %arg2[%dma_start3A_19, %dma_start3A_20] : memref<10000x128xf32, #tpu.memory_space<hbm>> -> memref<10000x128xf32, #tpu.memory_space<hbm>>
      tpu.enqueue_indirect_dma source(%dma_start3A_21 : memref<10000x128xf32, #tpu.memory_space<hbm>>) target(%arg8 : memref<200x128xf32, #tpu.memory_space<vmem>>) offsets(%dma_start3A : memref<200xi32, #tpu.memory_space<vmem>>) semaphore(%arg12 : memref<!tpu.dma_semaphore, #tpu.memory_space<semaphore_mem>>)
      %mul3A_22 = arith.constant 200 : i32
      %mul3A_23 = arith.muli %mul3A_12, %mul3A_22 : i32
      %dma_start3A_24 = tpu.memref_slice %arg7[%mul3A_23] : memref<2000xi32, #tpu.memory_space<vmem>> -> memref<200xi32, #tpu.memory_space<vmem>>
      %dma_start3A_25 = arith.constant 0 : i32
      %dma_start3A_26 = arith.constant 0 : i32
      %dma_start3A_27 = tpu.memref_slice %arg2[%dma_start3A_25, %dma_start3A_26] : memref<10000x128xf32, #tpu.memory_space<hbm>> -> memref<10000x128xf32, #tpu.memory_space<hbm>>
      tpu.enqueue_indirect_dma source(%dma_start3A_27 : memref<10000x128xf32, #tpu.memory_space<hbm>>) target(%arg9 : memref<200x128xf32, #tpu.memory_space<vmem>>) offsets(%dma_start3A_24 : memref<200xi32, #tpu.memory_space<vmem>>) semaphore(%arg12 : memref<!tpu.dma_semaphore, #tpu.memory_space<semaphore_mem>>)
      %mul3A_28 = arith.constant 200 : i32
      %mul3A_29 = arith.muli %add3A_16, %mul3A_28 : i32
      %dma_start3A_30 = tpu.memref_slice %arg6[%mul3A_29] : memref<2000xi32, #tpu.memory_space<vmem>> -> memref<200xi32, #tpu.memory_space<vmem>>
      %dma_start3A_31 = arith.constant 0 : i32
      %dma_start3A_32 = arith.constant 0 : i32
      %dma_start3A_33 = tpu.memref_slice %arg2[%dma_start3A_31, %dma_start3A_32] : memref<10000x128xf32, #tpu.memory_space<hbm>> -> memref<10000x128xf32, #tpu.memory_space<hbm>>
      tpu.enqueue_indirect_dma source(%dma_start3A_33 : memref<10000x128xf32, #tpu.memory_space<hbm>>) target(%arg10 : memref<200x128xf32, #tpu.memory_space<vmem>>) offsets(%dma_start3A_30 : memref<200xi32, #tpu.memory_space<vmem>>) semaphore(%arg13 : memref<!tpu.dma_semaphore, #tpu.memory_space<semaphore_mem>>)
      %mul3A_34 = arith.constant 200 : i32
      %mul3A_35 = arith.muli %add3A_16, %mul3A_34 : i32
      %dma_start3A_36 = tpu.memref_slice %arg7[%mul3A_35] : memref<2000xi32, #tpu.memory_space<vmem>> -> memref<200xi32, #tpu.memory_space<vmem>>
      %dma_start3A_37 = arith.constant 0 : i32
      %dma_start3A_38 = arith.constant 0 : i32
      %dma_start3A_39 = tpu.memref_slice %arg2[%dma_start3A_37, %dma_start3A_38] : memref<10000x128xf32, #tpu.memory_space<hbm>> -> memref<10000x128xf32, #tpu.memory_space<hbm>>
      tpu.enqueue_indirect_dma source(%dma_start3A_39 : memref<10000x128xf32, #tpu.memory_space<hbm>>) target(%arg11 : memref<200x128xf32, #tpu.memory_space<vmem>>) offsets(%dma_start3A_36 : memref<200xi32, #tpu.memory_space<vmem>>) semaphore(%arg13 : memref<!tpu.dma_semaphore, #tpu.memory_space<semaphore_mem>>)
      %mul3A_40 = arith.constant 200 : i32
      %mul3A_41 = arith.muli %mul3A_12, %mul3A_40 : i32
      %dma_wait3A = tpu.memref_slice %arg6[%mul3A_41] : memref<2000xi32, #tpu.memory_space<vmem>> -> memref<200xi32, #tpu.memory_space<vmem>>
      %dma_wait3A_42 = arith.constant 0 : i32
      %dma_wait3A_43 = arith.constant 0 : i32
      %dma_wait3A_44 = tpu.memref_slice %arg2[%dma_wait3A_42, %dma_wait3A_43] : memref<10000x128xf32, #tpu.memory_space<hbm>> -> memref<10000x128xf32, #tpu.memory_space<hbm>>
      tpu.wait_indirect_dma semaphore(%arg12 : memref<!tpu.dma_semaphore, #tpu.memory_space<semaphore_mem>>) src(%dma_wait3A_44 : memref<10000x128xf32, #tpu.memory_space<hbm>>) dst(%arg8 : memref<200x128xf32, #tpu.memory_space<vmem>>)
      %mul3A_45 = arith.constant 200 : i32
      %mul3A_46 = arith.muli %mul3A_12, %mul3A_45 : i32
      %dma_wait3A_47 = tpu.memref_slice %arg7[%mul3A_46] : memref<2000xi32, #tpu.memory_space<vmem>> -> memref<200xi32, #tpu.memory_space<vmem>>
      %dma_wait3A_48 = arith.constant 0 : i32
      %dma_wait3A_49 = arith.constant 0 : i32
      %dma_wait3A_50 = tpu.memref_slice %arg2[%dma_wait3A_48, %dma_wait3A_49] : memref<10000x128xf32, #tpu.memory_space<hbm>> -> memref<10000x128xf32, #tpu.memory_space<hbm>>
      tpu.wait_indirect_dma semaphore(%arg12 : memref<!tpu.dma_semaphore, #tpu.memory_space<semaphore_mem>>) src(%dma_wait3A_50 : memref<10000x128xf32, #tpu.memory_space<hbm>>) dst(%arg9 : memref<200x128xf32, #tpu.memory_space<vmem>>)
      %mul3A_51 = arith.constant 200 : i32
      %mul3A_52 = arith.muli %add3A_16, %mul3A_51 : i32
      %dma_wait3A_53 = tpu.memref_slice %arg6[%mul3A_52] : memref<2000xi32, #tpu.memory_space<vmem>> -> memref<200xi32, #tpu.memory_space<vmem>>
      %dma_wait3A_54 = arith.constant 0 : i32
      %dma_wait3A_55 = arith.constant 0 : i32
      %dma_wait3A_56 = tpu.memref_slice %arg2[%dma_wait3A_54, %dma_wait3A_55] : memref<10000x128xf32, #tpu.memory_space<hbm>> -> memref<10000x128xf32, #tpu.memory_space<hbm>>
      tpu.wait_indirect_dma semaphore(%arg13 : memref<!tpu.dma_semaphore, #tpu.memory_space<semaphore_mem>>) src(%dma_wait3A_56 : memref<10000x128xf32, #tpu.memory_space<hbm>>) dst(%arg10 : memref<200x128xf32, #tpu.memory_space<vmem>>)
      %mul3A_57 = arith.constant 200 : i32
      %mul3A_58 = arith.muli %add3A_16, %mul3A_57 : i32
      %dma_wait3A_59 = tpu.memref_slice %arg7[%mul3A_58] : memref<2000xi32, #tpu.memory_space<vmem>> -> memref<200xi32, #tpu.memory_space<vmem>>
      %dma_wait3A_60 = arith.constant 0 : i32
      %dma_wait3A_61 = arith.constant 0 : i32
      %dma_wait3A_62 = tpu.memref_slice %arg2[%dma_wait3A_60, %dma_wait3A_61] : memref<10000x128xf32, #tpu.memory_space<hbm>> -> memref<10000x128xf32, #tpu.memory_space<hbm>>
      tpu.wait_indirect_dma semaphore(%arg13 : memref<!tpu.dma_semaphore, #tpu.memory_space<semaphore_mem>>) src(%dma_wait3A_62 : memref<10000x128xf32, #tpu.memory_space<hbm>>) dst(%arg11 : memref<200x128xf32, #tpu.memory_space<vmem>>)
      %mul3A_63 = arith.constant 200 : i32
      %mul3A_64 = arith.muli %mul3A_12, %mul3A_63 : i32
      %add3A_65 = arith.addi %mul3A_2, %mul3A_64 : i32
      %dma_start3A_66 = arith.constant 0 : i32
      %dma_start3A_67 = tpu.memref_slice %arg5[%add3A_65, %dma_start3A_66] : memref<64000x256xf32, #tpu.memory_space<hbm>> -> memref<200x128xf32, #tpu.memory_space<hbm>>
      %dma_start3A_68 = arith.constant 0 : i32
      %dma_start3A_69 = tpu.memref_slice %arg5[%add3A_65, %dma_start3A_68] : memref<64000x256xf32, #tpu.memory_space<hbm>> -> memref<200x128xf32, #tpu.memory_space<hbm>>
      tpu.enqueue_dma source(%arg8 : memref<200x128xf32, #tpu.memory_space<vmem>>) target(%dma_start3A_69 : memref<200x128xf32, #tpu.memory_space<hbm>>) target_semaphore(%arg14 : memref<!tpu.dma_semaphore, #tpu.memory_space<semaphore_mem>>)
      %dma_start3A_70 = arith.constant 128 : i32
      %dma_start3A_71 = tpu.memref_slice %arg5[%add3A_65, %dma_start3A_70] : memref<64000x256xf32, #tpu.memory_space<hbm>> -> memref<200x128xf32, #tpu.memory_space<hbm>>
      %dma_start3A_72 = arith.constant 128 : i32
      %dma_start3A_73 = tpu.memref_slice %arg5[%add3A_65, %dma_start3A_72] : memref<64000x256xf32, #tpu.memory_space<hbm>> -> memref<200x128xf32, #tpu.memory_space<hbm>>
      tpu.enqueue_dma source(%arg9 : memref<200x128xf32, #tpu.memory_space<vmem>>) target(%dma_start3A_73 : memref<200x128xf32, #tpu.memory_space<hbm>>) target_semaphore(%arg14 : memref<!tpu.dma_semaphore, #tpu.memory_space<semaphore_mem>>)
      %mul3A_74 = arith.constant 200 : i32
      %mul3A_75 = arith.muli %add3A_16, %mul3A_74 : i32
      %add3A_76 = arith.addi %mul3A_2, %mul3A_75 : i32
      %dma_start3A_77 = arith.constant 0 : i32
      %dma_start3A_78 = tpu.memref_slice %arg5[%add3A_76, %dma_start3A_77] : memref<64000x256xf32, #tpu.memory_space<hbm>> -> memref<200x128xf32, #tpu.memory_space<hbm>>
      %dma_start3A_79 = arith.constant 0 : i32
      %dma_start3A_80 = tpu.memref_slice %arg5[%add3A_76, %dma_start3A_79] : memref<64000x256xf32, #tpu.memory_space<hbm>> -> memref<200x128xf32, #tpu.memory_space<hbm>>
      tpu.enqueue_dma source(%arg10 : memref<200x128xf32, #tpu.memory_space<vmem>>) target(%dma_start3A_80 : memref<200x128xf32, #tpu.memory_space<hbm>>) target_semaphore(%arg15 : memref<!tpu.dma_semaphore, #tpu.memory_space<semaphore_mem>>)
      %dma_start3A_81 = arith.constant 128 : i32
      %dma_start3A_82 = tpu.memref_slice %arg5[%add3A_76, %dma_start3A_81] : memref<64000x256xf32, #tpu.memory_space<hbm>> -> memref<200x128xf32, #tpu.memory_space<hbm>>
      %dma_start3A_83 = arith.constant 128 : i32
      %dma_start3A_84 = tpu.memref_slice %arg5[%add3A_76, %dma_start3A_83] : memref<64000x256xf32, #tpu.memory_space<hbm>> -> memref<200x128xf32, #tpu.memory_space<hbm>>
      tpu.enqueue_dma source(%arg11 : memref<200x128xf32, #tpu.memory_space<vmem>>) target(%dma_start3A_84 : memref<200x128xf32, #tpu.memory_space<hbm>>) target_semaphore(%arg15 : memref<!tpu.dma_semaphore, #tpu.memory_space<semaphore_mem>>)
      %mul3A_85 = arith.constant 200 : i32
      %mul3A_86 = arith.muli %mul3A_12, %mul3A_85 : i32
      %add3A_87 = arith.addi %mul3A_2, %mul3A_86 : i32
      %dma_wait3A_88 = arith.constant 0 : i32
      %dma_wait3A_89 = tpu.memref_slice %arg5[%add3A_87, %dma_wait3A_88] : memref<64000x256xf32, #tpu.memory_space<hbm>> -> memref<200x128xf32, #tpu.memory_space<hbm>>
      %dma_wait3A_90 = arith.constant 0 : i32
      %dma_wait3A_91 = tpu.memref_slice %arg5[%add3A_87, %dma_wait3A_90] : memref<64000x256xf32, #tpu.memory_space<hbm>> -> memref<200x128xf32, #tpu.memory_space<hbm>>
      tpu.wait_dma2 semaphore(%arg14 : memref<!tpu.dma_semaphore, #tpu.memory_space<semaphore_mem>>) src(%arg8 : memref<200x128xf32, #tpu.memory_space<vmem>>) dst(%dma_wait3A_91 : memref<200x128xf32, #tpu.memory_space<hbm>>)
      %dma_wait3A_92 = arith.constant 128 : i32
      %dma_wait3A_93 = tpu.memref_slice %arg5[%add3A_87, %dma_wait3A_92] : memref<64000x256xf32, #tpu.memory_space<hbm>> -> memref<200x128xf32, #tpu.memory_space<hbm>>
      %dma_wait3A_94 = arith.constant 128 : i32
      %dma_wait3A_95 = tpu.memref_slice %arg5[%add3A_87, %dma_wait3A_94] : memref<64000x256xf32, #tpu.memory_space<hbm>> -> memref<200x128xf32, #tpu.memory_space<hbm>>
      tpu.wait_dma2 semaphore(%arg14 : memref<!tpu.dma_semaphore, #tpu.memory_space<semaphore_mem>>) src(%arg9 : memref<200x128xf32, #tpu.memory_space<vmem>>) dst(%dma_wait3A_95 : memref<200x128xf32, #tpu.memory_space<hbm>>)
      %mul3A_96 = arith.constant 200 : i32
      %mul3A_97 = arith.muli %add3A_16, %mul3A_96 : i32
      %add3A_98 = arith.addi %mul3A_2, %mul3A_97 : i32
      %dma_wait3A_99 = arith.constant 0 : i32
      %dma_wait3A_100 = tpu.memref_slice %arg5[%add3A_98, %dma_wait3A_99] : memref<64000x256xf32, #tpu.memory_space<hbm>> -> memref<200x128xf32, #tpu.memory_space<hbm>>
      %dma_wait3A_101 = arith.constant 0 : i32
      %dma_wait3A_102 = tpu.memref_slice %arg5[%add3A_98, %dma_wait3A_101] : memref<64000x256xf32, #tpu.memory_space<hbm>> -> memref<200x128xf32, #tpu.memory_space<hbm>>
      tpu.wait_dma2 semaphore(%arg15 : memref<!tpu.dma_semaphore, #tpu.memory_space<semaphore_mem>>) src(%arg10 : memref<200x128xf32, #tpu.memory_space<vmem>>) dst(%dma_wait3A_102 : memref<200x128xf32, #tpu.memory_space<hbm>>)
      %dma_wait3A_103 = arith.constant 128 : i32
      %dma_wait3A_104 = tpu.memref_slice %arg5[%add3A_98, %dma_wait3A_103] : memref<64000x256xf32, #tpu.memory_space<hbm>> -> memref<200x128xf32, #tpu.memory_space<hbm>>
      %dma_wait3A_105 = arith.constant 128 : i32
      %dma_wait3A_106 = tpu.memref_slice %arg5[%add3A_98, %dma_wait3A_105] : memref<64000x256xf32, #tpu.memory_space<hbm>> -> memref<200x128xf32, #tpu.memory_space<hbm>>
      tpu.wait_dma2 semaphore(%arg15 : memref<!tpu.dma_semaphore, #tpu.memory_space<semaphore_mem>>) src(%arg11 : memref<200x128xf32, #tpu.memory_space<vmem>>) dst(%dma_wait3A_106 : memref<200x128xf32, #tpu.memory_space<hbm>>)
      %scan3A_107 = arith.constant 0 : i32
      scf.yield %scan3A_107 : i32
    }
    %scan3A_8 = arith.constant 5 : i32
    return
  }
}

#map = affine_map<(d0, d1) -> (0, 0)>
#map1 = affine_map<(d0, d1) -> (0)>
module attributes {stable_mosaic.version = 14 : i64} {
  func.func @_gather_body(%arg0: i32, %arg1: i32, %arg2: memref<10000x128xf32, #tpu.memory_space<hbm>>, %arg3: memref<64000xi32, #tpu.memory_space<hbm>>, %arg4: memref<64000xi32, #tpu.memory_space<hbm>>, %arg5: memref<64000x256xf32, #tpu.memory_space<hbm>>, %arg6: memref<2000xi32, #tpu.memory_space<vmem>>, %arg7: memref<2000xi32, #tpu.memory_space<vmem>>, %arg8: memref<200x128xf32, #tpu.memory_space<vmem>>, %arg9: memref<200x128xf32, #tpu.memory_space<vmem>>, %arg10: memref<200x128xf32, #tpu.memory_space<vmem>>, %arg11: memref<200x128xf32, #tpu.memory_space<vmem>>, %arg12: memref<!tpu.dma_semaphore, #tpu.memory_space<semaphore_mem>>, %arg13: memref<!tpu.dma_semaphore, #tpu.memory_space<semaphore_mem>>, %arg14: memref<!tpu.dma_semaphore, #tpu.memory_space<semaphore_mem>>, %arg15: memref<!tpu.dma_semaphore, #tpu.memory_space<semaphore_mem>>) attributes {dimension_semantics = [#tpu.dimension_semantics<core_parallel>, #tpu.dimension_semantics<subcore_parallel>], iteration_bounds = array<i64: 2, 16>, scalar_prefetch = 0 : i64, scratch_operands = 10 : i64, tpu.core_type = #tpu.core_type<sc_vector_subcore>, window_params = [{transform_indices = #map}, {transform_indices = #map1}, {transform_indices = #map1}, {transform_indices = #map}]} {
    %mul3A = arith.constant 2 : i32
    %mul3A_0 = arith.muli %arg1, %mul3A : i32
    %add3A = arith.addi %mul3A_0, %arg0 : i32
    %mul3A_1 = arith.constant 2000 : i32
    %mul3A_2 = arith.muli %add3A, %mul3A_1 : i32
    "tpu.region"() ({
      %run_scoped3A = tpu.sem_alloc : memref<!tpu.dma_semaphore, #tpu.memory_space<semaphore_mem>>
      %dma_start3A = tpu.memref_slice %arg3[%mul3A_2] : memref<64000xi32, #tpu.memory_space<hbm>> -> memref<2000xi32, #tpu.memory_space<hbm>>
      %dma_start3A_9 = tpu.memref_slice %arg3[%mul3A_2] : memref<64000xi32, #tpu.memory_space<hbm>> -> memref<2000xi32, #tpu.memory_space<hbm>>
      tpu.enqueue_dma source(%dma_start3A_9 : memref<2000xi32, #tpu.memory_space<hbm>>) target(%arg6 : memref<2000xi32, #tpu.memory_space<vmem>>) target_semaphore(%run_scoped3A : memref<!tpu.dma_semaphore, #tpu.memory_space<semaphore_mem>>)
      %dma_wait3A = tpu.memref_slice %arg3[%mul3A_2] : memref<64000xi32, #tpu.memory_space<hbm>> -> memref<2000xi32, #tpu.memory_space<hbm>>
      %dma_wait3A_10 = tpu.memref_slice %arg3[%mul3A_2] : memref<64000xi32, #tpu.memory_space<hbm>> -> memref<2000xi32, #tpu.memory_space<hbm>>
      tpu.wait_dma2 semaphore(%run_scoped3A : memref<!tpu.dma_semaphore, #tpu.memory_space<semaphore_mem>>) src(%dma_wait3A_10 : memref<2000xi32, #tpu.memory_space<hbm>>) dst(%arg6 : memref<2000xi32, #tpu.memory_space<vmem>>)
      tpu.yield
    }) : () -> ()
    "tpu.region"() ({
      %run_scoped3A = tpu.sem_alloc : memref<!tpu.dma_semaphore, #tpu.memory_space<semaphore_mem>>
      %dma_start3A = tpu.memref_slice %arg4[%mul3A_2] : memref<64000xi32, #tpu.memory_space<hbm>> -> memref<2000xi32, #tpu.memory_space<hbm>>
      %dma_start3A_9 = tpu.memref_slice %arg4[%mul3A_2] : memref<64000xi32, #tpu.memory_space<hbm>> -> memref<2000xi32, #tpu.memory_space<hbm>>
      tpu.enqueue_dma source(%dma_start3A_9 : memref<2000xi32, #tpu.memory_space<hbm>>) target(%arg7 : memref<2000xi32, #tpu.memory_space<vmem>>) target_semaphore(%run_scoped3A : memref<!tpu.dma_semaphore, #tpu.memory_space<semaphore_mem>>)
      %dma_wait3A = tpu.memref_slice %arg4[%mul3A_2] : memref<64000xi32, #tpu.memory_space<hbm>> -> memref<2000xi32, #tpu.memory_space<hbm>>
      %dma_wait3A_10 = tpu.memref_slice %arg4[%mul3A_2] : memref<64000xi32, #tpu.memory_space<hbm>> -> memref<2000xi32, #tpu.memory_space<hbm>>
      tpu.wait_dma2 semaphore(%run_scoped3A : memref<!tpu.dma_semaphore, #tpu.memory_space<semaphore_mem>>) src(%dma_wait3A_10 : memref<2000xi32, #tpu.memory_space<hbm>>) dst(%arg7 : memref<2000xi32, #tpu.memory_space<vmem>>)
      tpu.yield
    }) : () -> ()
    %scan3A = arith.constant 0 : i32
    %scan3A_3 = arith.constant 0 : i32
    %scan3A_4 = arith.constant 5 : i32
    %scan3A_5 = arith.addi %scan3A_3, %scan3A_4 : i32
    %scan3A_6 = arith.constant 1 : i32
    %scan3A_7 = scf.for %scan3A_9 = %scan3A_3 to %scan3A_5 step %scan3A_6 iter_args(%scan3A_10 = %scan3A) -> (i32)  : i32 {
      %mul3A_11 = arith.constant 2 : i32
      %mul3A_12 = arith.muli %mul3A_11, %scan3A_9 : i32
      %mul3A_13 = arith.constant 2 : i32
      %mul3A_14 = arith.muli %mul3A_13, %scan3A_9 : i32
      %add3A_15 = arith.constant 1 : i32
      %add3A_16 = arith.addi %mul3A_14, %add3A_15 : i32
      %mul3A_17 = arith.constant 200 : i32
      %mul3A_18 = arith.muli %mul3A_12, %mul3A_17 : i32
      %dma_start3A = tpu.memref_slice %arg6[%mul3A_18] : memref<2000xi32, #tpu.memory_space<vmem>> -> memref<200xi32, #tpu.memory_space<vmem>>
      %dma_start3A_19 = arith.constant 0 : i32
      %dma_start3A_20 = arith.constant 0 : i32
      %dma_start3A_21 = tpu.memref_slice %arg2[%dma_start3A_19, %dma_start3A_20] : memref<10000x128xf32, #tpu.memory_space<hbm>> -> memref<10000x128xf32, #tpu.memory_space<hbm>>
      tpu.enqueue_indirect_dma source(%dma_start3A_21 : memref<10000x128xf32, #tpu.memory_space<hbm>>) target(%arg8 : memref<200x128xf32, #tpu.memory_space<vmem>>) offsets(%dma_start3A : memref<200xi32, #tpu.memory_space<vmem>>) semaphore(%arg12 : memref<!tpu.dma_semaphore, #tpu.memory_space<semaphore_mem>>)
      %mul3A_22 = arith.constant 200 : i32
      %mul3A_23 = arith.muli %mul3A_12, %mul3A_22 : i32
      %dma_start3A_24 = tpu.memref_slice %arg7[%mul3A_23] : memref<2000xi32, #tpu.memory_space<vmem>> -> memref<200xi32, #tpu.memory_space<vmem>>
      %dma_start3A_25 = arith.constant 0 : i32
      %dma_start3A_26 = arith.constant 0 : i32
      %dma_start3A_27 = tpu.memref_slice %arg2[%dma_start3A_25, %dma_start3A_26] : memref<10000x128xf32, #tpu.memory_space<hbm>> -> memref<10000x128xf32, #tpu.memory_space<hbm>>
      tpu.enqueue_indirect_dma source(%dma_start3A_27 : memref<10000x128xf32, #tpu.memory_space<hbm>>) target(%arg9 : memref<200x128xf32, #tpu.memory_space<vmem>>) offsets(%dma_start3A_24 : memref<200xi32, #tpu.memory_space<vmem>>) semaphore(%arg12 : memref<!tpu.dma_semaphore, #tpu.memory_space<semaphore_mem>>)
      %mul3A_28 = arith.constant 200 : i32
      %mul3A_29 = arith.muli %add3A_16, %mul3A_28 : i32
      %dma_start3A_30 = tpu.memref_slice %arg6[%mul3A_29] : memref<2000xi32, #tpu.memory_space<vmem>> -> memref<200xi32, #tpu.memory_space<vmem>>
      %dma_start3A_31 = arith.constant 0 : i32
      %dma_start3A_32 = arith.constant 0 : i32
      %dma_start3A_33 = tpu.memref_slice %arg2[%dma_start3A_31, %dma_start3A_32] : memref<10000x128xf32, #tpu.memory_space<hbm>> -> memref<10000x128xf32, #tpu.memory_space<hbm>>
      tpu.enqueue_indirect_dma source(%dma_start3A_33 : memref<10000x128xf32, #tpu.memory_space<hbm>>) target(%arg10 : memref<200x128xf32, #tpu.memory_space<vmem>>) offsets(%dma_start3A_30 : memref<200xi32, #tpu.memory_space<vmem>>) semaphore(%arg13 : memref<!tpu.dma_semaphore, #tpu.memory_space<semaphore_mem>>)
      %mul3A_34 = arith.constant 200 : i32
      %mul3A_35 = arith.muli %add3A_16, %mul3A_34 : i32
      %dma_start3A_36 = tpu.memref_slice %arg7[%mul3A_35] : memref<2000xi32, #tpu.memory_space<vmem>> -> memref<200xi32, #tpu.memory_space<vmem>>
      %dma_start3A_37 = arith.constant 0 : i32
      %dma_start3A_38 = arith.constant 0 : i32
      %dma_start3A_39 = tpu.memref_slice %arg2[%dma_start3A_37, %dma_start3A_38] : memref<10000x128xf32, #tpu.memory_space<hbm>> -> memref<10000x128xf32, #tpu.memory_space<hbm>>
      tpu.enqueue_indirect_dma source(%dma_start3A_39 : memref<10000x128xf32, #tpu.memory_space<hbm>>) target(%arg11 : memref<200x128xf32, #tpu.memory_space<vmem>>) offsets(%dma_start3A_36 : memref<200xi32, #tpu.memory_space<vmem>>) semaphore(%arg13 : memref<!tpu.dma_semaphore, #tpu.memory_space<semaphore_mem>>)
      %mul3A_40 = arith.constant 200 : i32
      %mul3A_41 = arith.muli %mul3A_12, %mul3A_40 : i32
      %dma_wait3A = tpu.memref_slice %arg6[%mul3A_41] : memref<2000xi32, #tpu.memory_space<vmem>> -> memref<200xi32, #tpu.memory_space<vmem>>
      %dma_wait3A_42 = arith.constant 0 : i32
      %dma_wait3A_43 = arith.constant 0 : i32
      %dma_wait3A_44 = tpu.memref_slice %arg2[%dma_wait3A_42, %dma_wait3A_43] : memref<10000x128xf32, #tpu.memory_space<hbm>> -> memref<10000x128xf32, #tpu.memory_space<hbm>>
      tpu.wait_indirect_dma semaphore(%arg12 : memref<!tpu.dma_semaphore, #tpu.memory_space<semaphore_mem>>) src(%dma_wait3A_44 : memref<10000x128xf32, #tpu.memory_space<hbm>>) dst(%arg8 : memref<200x128xf32, #tpu.memory_space<vmem>>)
      %mul3A_45 = arith.constant 200 : i32
      %mul3A_46 = arith.muli %mul3A_12, %mul3A_45 : i32
      %dma_wait3A_47 = tpu.memref_slice %arg7[%mul3A_46] : memref<2000xi32, #tpu.memory_space<vmem>> -> memref<200xi32, #tpu.memory_space<vmem>>
      %dma_wait3A_48 = arith.constant 0 : i32
      %dma_wait3A_49 = arith.constant 0 : i32
      %dma_wait3A_50 = tpu.memref_slice %arg2[%dma_wait3A_48, %dma_wait3A_49] : memref<10000x128xf32, #tpu.memory_space<hbm>> -> memref<10000x128xf32, #tpu.memory_space<hbm>>
      tpu.wait_indirect_dma semaphore(%arg12 : memref<!tpu.dma_semaphore, #tpu.memory_space<semaphore_mem>>) src(%dma_wait3A_50 : memref<10000x128xf32, #tpu.memory_space<hbm>>) dst(%arg9 : memref<200x128xf32, #tpu.memory_space<vmem>>)
      %mul3A_51 = arith.constant 200 : i32
      %mul3A_52 = arith.muli %add3A_16, %mul3A_51 : i32
      %dma_wait3A_53 = tpu.memref_slice %arg6[%mul3A_52] : memref<2000xi32, #tpu.memory_space<vmem>> -> memref<200xi32, #tpu.memory_space<vmem>>
      %dma_wait3A_54 = arith.constant 0 : i32
      %dma_wait3A_55 = arith.constant 0 : i32
      %dma_wait3A_56 = tpu.memref_slice %arg2[%dma_wait3A_54, %dma_wait3A_55] : memref<10000x128xf32, #tpu.memory_space<hbm>> -> memref<10000x128xf32, #tpu.memory_space<hbm>>
      tpu.wait_indirect_dma semaphore(%arg13 : memref<!tpu.dma_semaphore, #tpu.memory_space<semaphore_mem>>) src(%dma_wait3A_56 : memref<10000x128xf32, #tpu.memory_space<hbm>>) dst(%arg10 : memref<200x128xf32, #tpu.memory_space<vmem>>)
      %mul3A_57 = arith.constant 200 : i32
      %mul3A_58 = arith.muli %add3A_16, %mul3A_57 : i32
      %dma_wait3A_59 = tpu.memref_slice %arg7[%mul3A_58] : memref<2000xi32, #tpu.memory_space<vmem>> -> memref<200xi32, #tpu.memory_space<vmem>>
      %dma_wait3A_60 = arith.constant 0 : i32
      %dma_wait3A_61 = arith.constant 0 : i32
      %dma_wait3A_62 = tpu.memref_slice %arg2[%dma_wait3A_60, %dma_wait3A_61] : memref<10000x128xf32, #tpu.memory_space<hbm>> -> memref<10000x128xf32, #tpu.memory_space<hbm>>
      tpu.wait_indirect_dma semaphore(%arg13 : memref<!tpu.dma_semaphore, #tpu.memory_space<semaphore_mem>>) src(%dma_wait3A_62 : memref<10000x128xf32, #tpu.memory_space<hbm>>) dst(%arg11 : memref<200x128xf32, #tpu.memory_space<vmem>>)
      %mul3A_63 = arith.constant 200 : i32
      %mul3A_64 = arith.muli %mul3A_12, %mul3A_63 : i32
      %add3A_65 = arith.addi %mul3A_2, %mul3A_64 : i32
      %dma_start3A_66 = arith.constant 0 : i32
      %dma_start3A_67 = tpu.memref_slice %arg5[%add3A_65, %dma_start3A_66] : memref<64000x256xf32, #tpu.memory_space<hbm>> -> memref<200x128xf32, #tpu.memory_space<hbm>>
      %dma_start3A_68 = arith.constant 0 : i32
      %dma_start3A_69 = tpu.memref_slice %arg5[%add3A_65, %dma_start3A_68] : memref<64000x256xf32, #tpu.memory_space<hbm>> -> memref<200x128xf32, #tpu.memory_space<hbm>>
      tpu.enqueue_dma source(%arg8 : memref<200x128xf32, #tpu.memory_space<vmem>>) target(%dma_start3A_69 : memref<200x128xf32, #tpu.memory_space<hbm>>) target_semaphore(%arg14 : memref<!tpu.dma_semaphore, #tpu.memory_space<semaphore_mem>>)
      %dma_start3A_70 = arith.constant 128 : i32
      %dma_start3A_71 = tpu.memref_slice %arg5[%add3A_65, %dma_start3A_70] : memref<64000x256xf32, #tpu.memory_space<hbm>> -> memref<200x128xf32, #tpu.memory_space<hbm>>
      %dma_start3A_72 = arith.constant 128 : i32
      %dma_start3A_73 = tpu.memref_slice %arg5[%add3A_65, %dma_start3A_72] : memref<64000x256xf32, #tpu.memory_space<hbm>> -> memref<200x128xf32, #tpu.memory_space<hbm>>
      tpu.enqueue_dma source(%arg9 : memref<200x128xf32, #tpu.memory_space<vmem>>) target(%dma_start3A_73 : memref<200x128xf32, #tpu.memory_space<hbm>>) target_semaphore(%arg14 : memref<!tpu.dma_semaphore, #tpu.memory_space<semaphore_mem>>)
      %mul3A_74 = arith.constant 200 : i32
      %mul3A_75 = arith.muli %add3A_16, %mul3A_74 : i32
      %add3A_76 = arith.addi %mul3A_2, %mul3A_75 : i32
      %dma_start3A_77 = arith.constant 0 : i32
      %dma_start3A_78 = tpu.memref_slice %arg5[%add3A_76, %dma_start3A_77] : memref<64000x256xf32, #tpu.memory_space<hbm>> -> memref<200x128xf32, #tpu.memory_space<hbm>>
      %dma_start3A_79 = arith.constant 0 : i32
      %dma_start3A_80 = tpu.memref_slice %arg5[%add3A_76, %dma_start3A_79] : memref<64000x256xf32, #tpu.memory_space<hbm>> -> memref<200x128xf32, #tpu.memory_space<hbm>>
      tpu.enqueue_dma source(%arg10 : memref<200x128xf32, #tpu.memory_space<vmem>>) target(%dma_start3A_80 : memref<200x128xf32, #tpu.memory_space<hbm>>) target_semaphore(%arg15 : memref<!tpu.dma_semaphore, #tpu.memory_space<semaphore_mem>>)
      %dma_start3A_81 = arith.constant 128 : i32
      %dma_start3A_82 = tpu.memref_slice %arg5[%add3A_76, %dma_start3A_81] : memref<64000x256xf32, #tpu.memory_space<hbm>> -> memref<200x128xf32, #tpu.memory_space<hbm>>
      %dma_start3A_83 = arith.constant 128 : i32
      %dma_start3A_84 = tpu.memref_slice %arg5[%add3A_76, %dma_start3A_83] : memref<64000x256xf32, #tpu.memory_space<hbm>> -> memref<200x128xf32, #tpu.memory_space<hbm>>
      tpu.enqueue_dma source(%arg11 : memref<200x128xf32, #tpu.memory_space<vmem>>) target(%dma_start3A_84 : memref<200x128xf32, #tpu.memory_space<hbm>>) target_semaphore(%arg15 : memref<!tpu.dma_semaphore, #tpu.memory_space<semaphore_mem>>)
      %mul3A_85 = arith.constant 200 : i32
      %mul3A_86 = arith.muli %mul3A_12, %mul3A_85 : i32
      %add3A_87 = arith.addi %mul3A_2, %mul3A_86 : i32
      %dma_wait3A_88 = arith.constant 0 : i32
      %dma_wait3A_89 = tpu.memref_slice %arg5[%add3A_87, %dma_wait3A_88] : memref<64000x256xf32, #tpu.memory_space<hbm>> -> memref<200x128xf32, #tpu.memory_space<hbm>>
      %dma_wait3A_90 = arith.constant 0 : i32
      %dma_wait3A_91 = tpu.memref_slice %arg5[%add3A_87, %dma_wait3A_90] : memref<64000x256xf32, #tpu.memory_space<hbm>> -> memref<200x128xf32, #tpu.memory_space<hbm>>
      tpu.wait_dma2 semaphore(%arg14 : memref<!tpu.dma_semaphore, #tpu.memory_space<semaphore_mem>>) src(%arg8 : memref<200x128xf32, #tpu.memory_space<vmem>>) dst(%dma_wait3A_91 : memref<200x128xf32, #tpu.memory_space<hbm>>)
      %dma_wait3A_92 = arith.constant 128 : i32
      %dma_wait3A_93 = tpu.memref_slice %arg5[%add3A_87, %dma_wait3A_92] : memref<64000x256xf32, #tpu.memory_space<hbm>> -> memref<200x128xf32, #tpu.memory_space<hbm>>
      %dma_wait3A_94 = arith.constant 128 : i32
      %dma_wait3A_95 = tpu.memref_slice %arg5[%add3A_87, %dma_wait3A_94] : memref<64000x256xf32, #tpu.memory_space<hbm>> -> memref<200x128xf32, #tpu.memory_space<hbm>>
      tpu.wait_dma2 semaphore(%arg14 : memref<!tpu.dma_semaphore, #tpu.memory_space<semaphore_mem>>) src(%arg9 : memref<200x128xf32, #tpu.memory_space<vmem>>) dst(%dma_wait3A_95 : memref<200x128xf32, #tpu.memory_space<hbm>>)
      %mul3A_96 = arith.constant 200 : i32
      %mul3A_97 = arith.muli %add3A_16, %mul3A_96 : i32
      %add3A_98 = arith.addi %mul3A_2, %mul3A_97 : i32
      %dma_wait3A_99 = arith.constant 0 : i32
      %dma_wait3A_100 = tpu.memref_slice %arg5[%add3A_98, %dma_wait3A_99] : memref<64000x256xf32, #tpu.memory_space<hbm>> -> memref<200x128xf32, #tpu.memory_space<hbm>>
      %dma_wait3A_101 = arith.constant 0 : i32
      %dma_wait3A_102 = tpu.memref_slice %arg5[%add3A_98, %dma_wait3A_101] : memref<64000x256xf32, #tpu.memory_space<hbm>> -> memref<200x128xf32, #tpu.memory_space<hbm>>
      tpu.wait_dma2 semaphore(%arg15 : memref<!tpu.dma_semaphore, #tpu.memory_space<semaphore_mem>>) src(%arg10 : memref<200x128xf32, #tpu.memory_space<vmem>>) dst(%dma_wait3A_102 : memref<200x128xf32, #tpu.memory_space<hbm>>)
      %dma_wait3A_103 = arith.constant 128 : i32
      %dma_wait3A_104 = tpu.memref_slice %arg5[%add3A_98, %dma_wait3A_103] : memref<64000x256xf32, #tpu.memory_space<hbm>> -> memref<200x128xf32, #tpu.memory_space<hbm>>
      %dma_wait3A_105 = arith.constant 128 : i32
      %dma_wait3A_106 = tpu.memref_slice %arg5[%add3A_98, %dma_wait3A_105] : memref<64000x256xf32, #tpu.memory_space<hbm>> -> memref<200x128xf32, #tpu.memory_space<hbm>>
      tpu.wait_dma2 semaphore(%arg15 : memref<!tpu.dma_semaphore, #tpu.memory_space<semaphore_mem>>) src(%arg11 : memref<200x128xf32, #tpu.memory_space<vmem>>) dst(%dma_wait3A_106 : memref<200x128xf32, #tpu.memory_space<hbm>>)
      %scan3A_107 = arith.constant 0 : i32
      scf.yield %scan3A_107 : i32
    }
    %scan3A_8 = arith.constant 5 : i32
    return
  }
}

#map = affine_map<(d0, d1) -> (0, 0)>
#map1 = affine_map<(d0, d1) -> (0)>
module attributes {stable_mosaic.version = 14 : i64} {
  func.func @_gather_body(%arg0: i32, %arg1: i32, %arg2: memref<10000x128xf32, #tpu.memory_space<hbm>>, %arg3: memref<64000xi32, #tpu.memory_space<hbm>>, %arg4: memref<64000xi32, #tpu.memory_space<hbm>>, %arg5: memref<64000x256xf32, #tpu.memory_space<hbm>>, %arg6: memref<2000xi32, #tpu.memory_space<vmem>>, %arg7: memref<2000xi32, #tpu.memory_space<vmem>>, %arg8: memref<200x128xf32, #tpu.memory_space<vmem>>, %arg9: memref<200x128xf32, #tpu.memory_space<vmem>>, %arg10: memref<200x128xf32, #tpu.memory_space<vmem>>, %arg11: memref<200x128xf32, #tpu.memory_space<vmem>>, %arg12: memref<!tpu.dma_semaphore, #tpu.memory_space<semaphore_mem>>, %arg13: memref<!tpu.dma_semaphore, #tpu.memory_space<semaphore_mem>>, %arg14: memref<!tpu.dma_semaphore, #tpu.memory_space<semaphore_mem>>, %arg15: memref<!tpu.dma_semaphore, #tpu.memory_space<semaphore_mem>>) attributes {dimension_semantics = [#tpu.dimension_semantics<core_parallel>, #tpu.dimension_semantics<subcore_parallel>], iteration_bounds = array<i64: 2, 16>, scalar_prefetch = 0 : i64, scratch_operands = 10 : i64, tpu.core_type = #tpu.core_type<sc_vector_subcore>, window_params = [{transform_indices = #map}, {transform_indices = #map1}, {transform_indices = #map1}, {transform_indices = #map}]} {
    %mul3A = arith.constant 2 : i32
    %mul3A_0 = arith.muli %arg1, %mul3A : i32
    %add3A = arith.addi %mul3A_0, %arg0 : i32
    %mul3A_1 = arith.constant 2000 : i32
    %mul3A_2 = arith.muli %add3A, %mul3A_1 : i32
    "tpu.region"() ({
      %run_scoped3A = tpu.sem_alloc : memref<!tpu.dma_semaphore, #tpu.memory_space<semaphore_mem>>
      %dma_start3A = tpu.memref_slice %arg3[%mul3A_2] : memref<64000xi32, #tpu.memory_space<hbm>> -> memref<2000xi32, #tpu.memory_space<hbm>>
      %dma_start3A_9 = tpu.memref_slice %arg3[%mul3A_2] : memref<64000xi32, #tpu.memory_space<hbm>> -> memref<2000xi32, #tpu.memory_space<hbm>>
      tpu.enqueue_dma source(%dma_start3A_9 : memref<2000xi32, #tpu.memory_space<hbm>>) target(%arg6 : memref<2000xi32, #tpu.memory_space<vmem>>) target_semaphore(%run_scoped3A : memref<!tpu.dma_semaphore, #tpu.memory_space<semaphore_mem>>)
      %dma_wait3A = tpu.memref_slice %arg3[%mul3A_2] : memref<64000xi32, #tpu.memory_space<hbm>> -> memref<2000xi32, #tpu.memory_space<hbm>>
      %dma_wait3A_10 = tpu.memref_slice %arg3[%mul3A_2] : memref<64000xi32, #tpu.memory_space<hbm>> -> memref<2000xi32, #tpu.memory_space<hbm>>
      tpu.wait_dma2 semaphore(%run_scoped3A : memref<!tpu.dma_semaphore, #tpu.memory_space<semaphore_mem>>) src(%dma_wait3A_10 : memref<2000xi32, #tpu.memory_space<hbm>>) dst(%arg6 : memref<2000xi32, #tpu.memory_space<vmem>>)
      tpu.yield
    }) : () -> ()
    "tpu.region"() ({
      %run_scoped3A = tpu.sem_alloc : memref<!tpu.dma_semaphore, #tpu.memory_space<semaphore_mem>>
      %dma_start3A = tpu.memref_slice %arg4[%mul3A_2] : memref<64000xi32, #tpu.memory_space<hbm>> -> memref<2000xi32, #tpu.memory_space<hbm>>
      %dma_start3A_9 = tpu.memref_slice %arg4[%mul3A_2] : memref<64000xi32, #tpu.memory_space<hbm>> -> memref<2000xi32, #tpu.memory_space<hbm>>
      tpu.enqueue_dma source(%dma_start3A_9 : memref<2000xi32, #tpu.memory_space<hbm>>) target(%arg7 : memref<2000xi32, #tpu.memory_space<vmem>>) target_semaphore(%run_scoped3A : memref<!tpu.dma_semaphore, #tpu.memory_space<semaphore_mem>>)
      %dma_wait3A = tpu.memref_slice %arg4[%mul3A_2] : memref<64000xi32, #tpu.memory_space<hbm>> -> memref<2000xi32, #tpu.memory_space<hbm>>
      %dma_wait3A_10 = tpu.memref_slice %arg4[%mul3A_2] : memref<64000xi32, #tpu.memory_space<hbm>> -> memref<2000xi32, #tpu.memory_space<hbm>>
      tpu.wait_dma2 semaphore(%run_scoped3A : memref<!tpu.dma_semaphore, #tpu.memory_space<semaphore_mem>>) src(%dma_wait3A_10 : memref<2000xi32, #tpu.memory_space<hbm>>) dst(%arg7 : memref<2000xi32, #tpu.memory_space<vmem>>)
      tpu.yield
    }) : () -> ()
    %scan3A = arith.constant 0 : i32
    %scan3A_3 = arith.constant 0 : i32
    %scan3A_4 = arith.constant 5 : i32
    %scan3A_5 = arith.addi %scan3A_3, %scan3A_4 : i32
    %scan3A_6 = arith.constant 1 : i32
    %scan3A_7 = scf.for %scan3A_9 = %scan3A_3 to %scan3A_5 step %scan3A_6 iter_args(%scan3A_10 = %scan3A) -> (i32)  : i32 {
      %mul3A_11 = arith.constant 2 : i32
      %mul3A_12 = arith.muli %mul3A_11, %scan3A_9 : i32
      %mul3A_13 = arith.constant 2 : i32
      %mul3A_14 = arith.muli %mul3A_13, %scan3A_9 : i32
      %add3A_15 = arith.constant 1 : i32
      %add3A_16 = arith.addi %mul3A_14, %add3A_15 : i32
      %mul3A_17 = arith.constant 200 : i32
      %mul3A_18 = arith.muli %mul3A_12, %mul3A_17 : i32
      %dma_start3A = tpu.memref_slice %arg6[%mul3A_18] : memref<2000xi32, #tpu.memory_space<vmem>> -> memref<200xi32, #tpu.memory_space<vmem>>
      %dma_start3A_19 = arith.constant 0 : i32
      %dma_start3A_20 = arith.constant 0 : i32
      %dma_start3A_21 = tpu.memref_slice %arg2[%dma_start3A_19, %dma_start3A_20] : memref<10000x128xf32, #tpu.memory_space<hbm>> -> memref<10000x128xf32, #tpu.memory_space<hbm>>
      tpu.enqueue_indirect_dma source(%dma_start3A_21 : memref<10000x128xf32, #tpu.memory_space<hbm>>) target(%arg8 : memref<200x128xf32, #tpu.memory_space<vmem>>) offsets(%dma_start3A : memref<200xi32, #tpu.memory_space<vmem>>) semaphore(%arg12 : memref<!tpu.dma_semaphore, #tpu.memory_space<semaphore_mem>>)
      %mul3A_22 = arith.constant 200 : i32
      %mul3A_23 = arith.muli %mul3A_12, %mul3A_22 : i32
      %dma_start3A_24 = tpu.memref_slice %arg7[%mul3A_23] : memref<2000xi32, #tpu.memory_space<vmem>> -> memref<200xi32, #tpu.memory_space<vmem>>
      %dma_start3A_25 = arith.constant 0 : i32
      %dma_start3A_26 = arith.constant 0 : i32
      %dma_start3A_27 = tpu.memref_slice %arg2[%dma_start3A_25, %dma_start3A_26] : memref<10000x128xf32, #tpu.memory_space<hbm>> -> memref<10000x128xf32, #tpu.memory_space<hbm>>
      tpu.enqueue_indirect_dma source(%dma_start3A_27 : memref<10000x128xf32, #tpu.memory_space<hbm>>) target(%arg9 : memref<200x128xf32, #tpu.memory_space<vmem>>) offsets(%dma_start3A_24 : memref<200xi32, #tpu.memory_space<vmem>>) semaphore(%arg12 : memref<!tpu.dma_semaphore, #tpu.memory_space<semaphore_mem>>)
      %mul3A_28 = arith.constant 200 : i32
      %mul3A_29 = arith.muli %add3A_16, %mul3A_28 : i32
      %dma_start3A_30 = tpu.memref_slice %arg6[%mul3A_29] : memref<2000xi32, #tpu.memory_space<vmem>> -> memref<200xi32, #tpu.memory_space<vmem>>
      %dma_start3A_31 = arith.constant 0 : i32
      %dma_start3A_32 = arith.constant 0 : i32
      %dma_start3A_33 = tpu.memref_slice %arg2[%dma_start3A_31, %dma_start3A_32] : memref<10000x128xf32, #tpu.memory_space<hbm>> -> memref<10000x128xf32, #tpu.memory_space<hbm>>
      tpu.enqueue_indirect_dma source(%dma_start3A_33 : memref<10000x128xf32, #tpu.memory_space<hbm>>) target(%arg10 : memref<200x128xf32, #tpu.memory_space<vmem>>) offsets(%dma_start3A_30 : memref<200xi32, #tpu.memory_space<vmem>>) semaphore(%arg13 : memref<!tpu.dma_semaphore, #tpu.memory_space<semaphore_mem>>)
      %mul3A_34 = arith.constant 200 : i32
      %mul3A_35 = arith.muli %add3A_16, %mul3A_34 : i32
      %dma_start3A_36 = tpu.memref_slice %arg7[%mul3A_35] : memref<2000xi32, #tpu.memory_space<vmem>> -> memref<200xi32, #tpu.memory_space<vmem>>
      %dma_start3A_37 = arith.constant 0 : i32
      %dma_start3A_38 = arith.constant 0 : i32
      %dma_start3A_39 = tpu.memref_slice %arg2[%dma_start3A_37, %dma_start3A_38] : memref<10000x128xf32, #tpu.memory_space<hbm>> -> memref<10000x128xf32, #tpu.memory_space<hbm>>
      tpu.enqueue_indirect_dma source(%dma_start3A_39 : memref<10000x128xf32, #tpu.memory_space<hbm>>) target(%arg11 : memref<200x128xf32, #tpu.memory_space<vmem>>) offsets(%dma_start3A_36 : memref<200xi32, #tpu.memory_space<vmem>>) semaphore(%arg13 : memref<!tpu.dma_semaphore, #tpu.memory_space<semaphore_mem>>)
      %mul3A_40 = arith.constant 200 : i32
      %mul3A_41 = arith.muli %mul3A_12, %mul3A_40 : i32
      %dma_wait3A = tpu.memref_slice %arg6[%mul3A_41] : memref<2000xi32, #tpu.memory_space<vmem>> -> memref<200xi32, #tpu.memory_space<vmem>>
      %dma_wait3A_42 = arith.constant 0 : i32
      %dma_wait3A_43 = arith.constant 0 : i32
      %dma_wait3A_44 = tpu.memref_slice %arg2[%dma_wait3A_42, %dma_wait3A_43] : memref<10000x128xf32, #tpu.memory_space<hbm>> -> memref<10000x128xf32, #tpu.memory_space<hbm>>
      tpu.wait_indirect_dma semaphore(%arg12 : memref<!tpu.dma_semaphore, #tpu.memory_space<semaphore_mem>>) src(%dma_wait3A_44 : memref<10000x128xf32, #tpu.memory_space<hbm>>) dst(%arg8 : memref<200x128xf32, #tpu.memory_space<vmem>>)
      %mul3A_45 = arith.constant 200 : i32
      %mul3A_46 = arith.muli %mul3A_12, %mul3A_45 : i32
      %dma_wait3A_47 = tpu.memref_slice %arg7[%mul3A_46] : memref<2000xi32, #tpu.memory_space<vmem>> -> memref<200xi32, #tpu.memory_space<vmem>>
      %dma_wait3A_48 = arith.constant 0 : i32
      %dma_wait3A_49 = arith.constant 0 : i32
      %dma_wait3A_50 = tpu.memref_slice %arg2[%dma_wait3A_48, %dma_wait3A_49] : memref<10000x128xf32, #tpu.memory_space<hbm>> -> memref<10000x128xf32, #tpu.memory_space<hbm>>
      tpu.wait_indirect_dma semaphore(%arg12 : memref<!tpu.dma_semaphore, #tpu.memory_space<semaphore_mem>>) src(%dma_wait3A_50 : memref<10000x128xf32, #tpu.memory_space<hbm>>) dst(%arg9 : memref<200x128xf32, #tpu.memory_space<vmem>>)
      %mul3A_51 = arith.constant 200 : i32
      %mul3A_52 = arith.muli %add3A_16, %mul3A_51 : i32
      %dma_wait3A_53 = tpu.memref_slice %arg6[%mul3A_52] : memref<2000xi32, #tpu.memory_space<vmem>> -> memref<200xi32, #tpu.memory_space<vmem>>
      %dma_wait3A_54 = arith.constant 0 : i32
      %dma_wait3A_55 = arith.constant 0 : i32
      %dma_wait3A_56 = tpu.memref_slice %arg2[%dma_wait3A_54, %dma_wait3A_55] : memref<10000x128xf32, #tpu.memory_space<hbm>> -> memref<10000x128xf32, #tpu.memory_space<hbm>>
      tpu.wait_indirect_dma semaphore(%arg13 : memref<!tpu.dma_semaphore, #tpu.memory_space<semaphore_mem>>) src(%dma_wait3A_56 : memref<10000x128xf32, #tpu.memory_space<hbm>>) dst(%arg10 : memref<200x128xf32, #tpu.memory_space<vmem>>)
      %mul3A_57 = arith.constant 200 : i32
      %mul3A_58 = arith.muli %add3A_16, %mul3A_57 : i32
      %dma_wait3A_59 = tpu.memref_slice %arg7[%mul3A_58] : memref<2000xi32, #tpu.memory_space<vmem>> -> memref<200xi32, #tpu.memory_space<vmem>>
      %dma_wait3A_60 = arith.constant 0 : i32
      %dma_wait3A_61 = arith.constant 0 : i32
      %dma_wait3A_62 = tpu.memref_slice %arg2[%dma_wait3A_60, %dma_wait3A_61] : memref<10000x128xf32, #tpu.memory_space<hbm>> -> memref<10000x128xf32, #tpu.memory_space<hbm>>
      tpu.wait_indirect_dma semaphore(%arg13 : memref<!tpu.dma_semaphore, #tpu.memory_space<semaphore_mem>>) src(%dma_wait3A_62 : memref<10000x128xf32, #tpu.memory_space<hbm>>) dst(%arg11 : memref<200x128xf32, #tpu.memory_space<vmem>>)
      %mul3A_63 = arith.constant 200 : i32
      %mul3A_64 = arith.muli %mul3A_12, %mul3A_63 : i32
      %add3A_65 = arith.addi %mul3A_2, %mul3A_64 : i32
      %dma_start3A_66 = arith.constant 0 : i32
      %dma_start3A_67 = tpu.memref_slice %arg5[%add3A_65, %dma_start3A_66] : memref<64000x256xf32, #tpu.memory_space<hbm>> -> memref<200x128xf32, #tpu.memory_space<hbm>>
      %dma_start3A_68 = arith.constant 0 : i32
      %dma_start3A_69 = tpu.memref_slice %arg5[%add3A_65, %dma_start3A_68] : memref<64000x256xf32, #tpu.memory_space<hbm>> -> memref<200x128xf32, #tpu.memory_space<hbm>>
      tpu.enqueue_dma source(%arg8 : memref<200x128xf32, #tpu.memory_space<vmem>>) target(%dma_start3A_69 : memref<200x128xf32, #tpu.memory_space<hbm>>) target_semaphore(%arg14 : memref<!tpu.dma_semaphore, #tpu.memory_space<semaphore_mem>>)
      %dma_start3A_70 = arith.constant 128 : i32
      %dma_start3A_71 = tpu.memref_slice %arg5[%add3A_65, %dma_start3A_70] : memref<64000x256xf32, #tpu.memory_space<hbm>> -> memref<200x128xf32, #tpu.memory_space<hbm>>
      %dma_start3A_72 = arith.constant 128 : i32
      %dma_start3A_73 = tpu.memref_slice %arg5[%add3A_65, %dma_start3A_72] : memref<64000x256xf32, #tpu.memory_space<hbm>> -> memref<200x128xf32, #tpu.memory_space<hbm>>
      tpu.enqueue_dma source(%arg9 : memref<200x128xf32, #tpu.memory_space<vmem>>) target(%dma_start3A_73 : memref<200x128xf32, #tpu.memory_space<hbm>>) target_semaphore(%arg14 : memref<!tpu.dma_semaphore, #tpu.memory_space<semaphore_mem>>)
      %mul3A_74 = arith.constant 200 : i32
      %mul3A_75 = arith.muli %add3A_16, %mul3A_74 : i32
      %add3A_76 = arith.addi %mul3A_2, %mul3A_75 : i32
      %dma_start3A_77 = arith.constant 0 : i32
      %dma_start3A_78 = tpu.memref_slice %arg5[%add3A_76, %dma_start3A_77] : memref<64000x256xf32, #tpu.memory_space<hbm>> -> memref<200x128xf32, #tpu.memory_space<hbm>>
      %dma_start3A_79 = arith.constant 0 : i32
      %dma_start3A_80 = tpu.memref_slice %arg5[%add3A_76, %dma_start3A_79] : memref<64000x256xf32, #tpu.memory_space<hbm>> -> memref<200x128xf32, #tpu.memory_space<hbm>>
      tpu.enqueue_dma source(%arg10 : memref<200x128xf32, #tpu.memory_space<vmem>>) target(%dma_start3A_80 : memref<200x128xf32, #tpu.memory_space<hbm>>) target_semaphore(%arg15 : memref<!tpu.dma_semaphore, #tpu.memory_space<semaphore_mem>>)
      %dma_start3A_81 = arith.constant 128 : i32
      %dma_start3A_82 = tpu.memref_slice %arg5[%add3A_76, %dma_start3A_81] : memref<64000x256xf32, #tpu.memory_space<hbm>> -> memref<200x128xf32, #tpu.memory_space<hbm>>
      %dma_start3A_83 = arith.constant 128 : i32
      %dma_start3A_84 = tpu.memref_slice %arg5[%add3A_76, %dma_start3A_83] : memref<64000x256xf32, #tpu.memory_space<hbm>> -> memref<200x128xf32, #tpu.memory_space<hbm>>
      tpu.enqueue_dma source(%arg11 : memref<200x128xf32, #tpu.memory_space<vmem>>) target(%dma_start3A_84 : memref<200x128xf32, #tpu.memory_space<hbm>>) target_semaphore(%arg15 : memref<!tpu.dma_semaphore, #tpu.memory_space<semaphore_mem>>)
      %mul3A_85 = arith.constant 200 : i32
      %mul3A_86 = arith.muli %mul3A_12, %mul3A_85 : i32
      %add3A_87 = arith.addi %mul3A_2, %mul3A_86 : i32
      %dma_wait3A_88 = arith.constant 0 : i32
      %dma_wait3A_89 = tpu.memref_slice %arg5[%add3A_87, %dma_wait3A_88] : memref<64000x256xf32, #tpu.memory_space<hbm>> -> memref<200x128xf32, #tpu.memory_space<hbm>>
      %dma_wait3A_90 = arith.constant 0 : i32
      %dma_wait3A_91 = tpu.memref_slice %arg5[%add3A_87, %dma_wait3A_90] : memref<64000x256xf32, #tpu.memory_space<hbm>> -> memref<200x128xf32, #tpu.memory_space<hbm>>
      tpu.wait_dma2 semaphore(%arg14 : memref<!tpu.dma_semaphore, #tpu.memory_space<semaphore_mem>>) src(%arg8 : memref<200x128xf32, #tpu.memory_space<vmem>>) dst(%dma_wait3A_91 : memref<200x128xf32, #tpu.memory_space<hbm>>)
      %dma_wait3A_92 = arith.constant 128 : i32
      %dma_wait3A_93 = tpu.memref_slice %arg5[%add3A_87, %dma_wait3A_92] : memref<64000x256xf32, #tpu.memory_space<hbm>> -> memref<200x128xf32, #tpu.memory_space<hbm>>
      %dma_wait3A_94 = arith.constant 128 : i32
      %dma_wait3A_95 = tpu.memref_slice %arg5[%add3A_87, %dma_wait3A_94] : memref<64000x256xf32, #tpu.memory_space<hbm>> -> memref<200x128xf32, #tpu.memory_space<hbm>>
      tpu.wait_dma2 semaphore(%arg14 : memref<!tpu.dma_semaphore, #tpu.memory_space<semaphore_mem>>) src(%arg9 : memref<200x128xf32, #tpu.memory_space<vmem>>) dst(%dma_wait3A_95 : memref<200x128xf32, #tpu.memory_space<hbm>>)
      %mul3A_96 = arith.constant 200 : i32
      %mul3A_97 = arith.muli %add3A_16, %mul3A_96 : i32
      %add3A_98 = arith.addi %mul3A_2, %mul3A_97 : i32
      %dma_wait3A_99 = arith.constant 0 : i32
      %dma_wait3A_100 = tpu.memref_slice %arg5[%add3A_98, %dma_wait3A_99] : memref<64000x256xf32, #tpu.memory_space<hbm>> -> memref<200x128xf32, #tpu.memory_space<hbm>>
      %dma_wait3A_101 = arith.constant 0 : i32
      %dma_wait3A_102 = tpu.memref_slice %arg5[%add3A_98, %dma_wait3A_101] : memref<64000x256xf32, #tpu.memory_space<hbm>> -> memref<200x128xf32, #tpu.memory_space<hbm>>
      tpu.wait_dma2 semaphore(%arg15 : memref<!tpu.dma_semaphore, #tpu.memory_space<semaphore_mem>>) src(%arg10 : memref<200x128xf32, #tpu.memory_space<vmem>>) dst(%dma_wait3A_102 : memref<200x128xf32, #tpu.memory_space<hbm>>)
      %dma_wait3A_103 = arith.constant 128 : i32
      %dma_wait3A_104 = tpu.memref_slice %arg5[%add3A_98, %dma_wait3A_103] : memref<64000x256xf32, #tpu.memory_space<hbm>> -> memref<200x128xf32, #tpu.memory_space<hbm>>
      %dma_wait3A_105 = arith.constant 128 : i32
      %dma_wait3A_106 = tpu.memref_slice %arg5[%add3A_98, %dma_wait3A_105] : memref<64000x256xf32, #tpu.memory_space<hbm>> -> memref<200x128xf32, #tpu.memory_space<hbm>>
      tpu.wait_dma2 semaphore(%arg15 : memref<!tpu.dma_semaphore, #tpu.memory_space<semaphore_mem>>) src(%arg11 : memref<200x128xf32, #tpu.memory_space<vmem>>) dst(%dma_wait3A_106 : memref<200x128xf32, #tpu.memory_space<hbm>>)
      %scan3A_107 = arith.constant 0 : i32
      scf.yield %scan3A_107 : i32
    }
    %scan3A_8 = arith.constant 5 : i32
    return
  }
}

#map = affine_map<(d0, d1) -> (0, 0)>
#map1 = affine_map<(d0, d1) -> (0)>
module attributes {stable_mosaic.version = 14 : i64} {
  func.func @_gather_body(%arg0: i32, %arg1: i32, %arg2: memref<10000x128xf32, #tpu.memory_space<hbm>>, %arg3: memref<64000xi32, #tpu.memory_space<hbm>>, %arg4: memref<64000xi32, #tpu.memory_space<hbm>>, %arg5: memref<64000x256xf32, #tpu.memory_space<hbm>>, %arg6: memref<2000xi32, #tpu.memory_space<vmem>>, %arg7: memref<2000xi32, #tpu.memory_space<vmem>>, %arg8: memref<200x128xf32, #tpu.memory_space<vmem>>, %arg9: memref<200x128xf32, #tpu.memory_space<vmem>>, %arg10: memref<200x128xf32, #tpu.memory_space<vmem>>, %arg11: memref<200x128xf32, #tpu.memory_space<vmem>>, %arg12: memref<!tpu.dma_semaphore, #tpu.memory_space<semaphore_mem>>, %arg13: memref<!tpu.dma_semaphore, #tpu.memory_space<semaphore_mem>>, %arg14: memref<!tpu.dma_semaphore, #tpu.memory_space<semaphore_mem>>, %arg15: memref<!tpu.dma_semaphore, #tpu.memory_space<semaphore_mem>>) attributes {dimension_semantics = [#tpu.dimension_semantics<core_parallel>, #tpu.dimension_semantics<subcore_parallel>], iteration_bounds = array<i64: 2, 16>, scalar_prefetch = 0 : i64, scratch_operands = 10 : i64, tpu.core_type = #tpu.core_type<sc_vector_subcore>, window_params = [{transform_indices = #map}, {transform_indices = #map1}, {transform_indices = #map1}, {transform_indices = #map}]} {
    %mul3A = arith.constant 2 : i32
    %mul3A_0 = arith.muli %arg1, %mul3A : i32
    %add3A = arith.addi %mul3A_0, %arg0 : i32
    %mul3A_1 = arith.constant 2000 : i32
    %mul3A_2 = arith.muli %add3A, %mul3A_1 : i32
    "tpu.region"() ({
      %run_scoped3A = tpu.sem_alloc : memref<!tpu.dma_semaphore, #tpu.memory_space<semaphore_mem>>
      %dma_start3A = tpu.memref_slice %arg3[%mul3A_2] : memref<64000xi32, #tpu.memory_space<hbm>> -> memref<2000xi32, #tpu.memory_space<hbm>>
      %dma_start3A_9 = tpu.memref_slice %arg3[%mul3A_2] : memref<64000xi32, #tpu.memory_space<hbm>> -> memref<2000xi32, #tpu.memory_space<hbm>>
      tpu.enqueue_dma source(%dma_start3A_9 : memref<2000xi32, #tpu.memory_space<hbm>>) target(%arg6 : memref<2000xi32, #tpu.memory_space<vmem>>) target_semaphore(%run_scoped3A : memref<!tpu.dma_semaphore, #tpu.memory_space<semaphore_mem>>)
      %dma_wait3A = tpu.memref_slice %arg3[%mul3A_2] : memref<64000xi32, #tpu.memory_space<hbm>> -> memref<2000xi32, #tpu.memory_space<hbm>>
      %dma_wait3A_10 = tpu.memref_slice %arg3[%mul3A_2] : memref<64000xi32, #tpu.memory_space<hbm>> -> memref<2000xi32, #tpu.memory_space<hbm>>
      tpu.wait_dma2 semaphore(%run_scoped3A : memref<!tpu.dma_semaphore, #tpu.memory_space<semaphore_mem>>) src(%dma_wait3A_10 : memref<2000xi32, #tpu.memory_space<hbm>>) dst(%arg6 : memref<2000xi32, #tpu.memory_space<vmem>>)
      tpu.yield
    }) : () -> ()
    "tpu.region"() ({
      %run_scoped3A = tpu.sem_alloc : memref<!tpu.dma_semaphore, #tpu.memory_space<semaphore_mem>>
      %dma_start3A = tpu.memref_slice %arg4[%mul3A_2] : memref<64000xi32, #tpu.memory_space<hbm>> -> memref<2000xi32, #tpu.memory_space<hbm>>
      %dma_start3A_9 = tpu.memref_slice %arg4[%mul3A_2] : memref<64000xi32, #tpu.memory_space<hbm>> -> memref<2000xi32, #tpu.memory_space<hbm>>
      tpu.enqueue_dma source(%dma_start3A_9 : memref<2000xi32, #tpu.memory_space<hbm>>) target(%arg7 : memref<2000xi32, #tpu.memory_space<vmem>>) target_semaphore(%run_scoped3A : memref<!tpu.dma_semaphore, #tpu.memory_space<semaphore_mem>>)
      %dma_wait3A = tpu.memref_slice %arg4[%mul3A_2] : memref<64000xi32, #tpu.memory_space<hbm>> -> memref<2000xi32, #tpu.memory_space<hbm>>
      %dma_wait3A_10 = tpu.memref_slice %arg4[%mul3A_2] : memref<64000xi32, #tpu.memory_space<hbm>> -> memref<2000xi32, #tpu.memory_space<hbm>>
      tpu.wait_dma2 semaphore(%run_scoped3A : memref<!tpu.dma_semaphore, #tpu.memory_space<semaphore_mem>>) src(%dma_wait3A_10 : memref<2000xi32, #tpu.memory_space<hbm>>) dst(%arg7 : memref<2000xi32, #tpu.memory_space<vmem>>)
      tpu.yield
    }) : () -> ()
    %scan3A = arith.constant 0 : i32
    %scan3A_3 = arith.constant 0 : i32
    %scan3A_4 = arith.constant 5 : i32
    %scan3A_5 = arith.addi %scan3A_3, %scan3A_4 : i32
    %scan3A_6 = arith.constant 1 : i32
    %scan3A_7 = scf.for %scan3A_9 = %scan3A_3 to %scan3A_5 step %scan3A_6 iter_args(%scan3A_10 = %scan3A) -> (i32)  : i32 {
      %mul3A_11 = arith.constant 2 : i32
      %mul3A_12 = arith.muli %mul3A_11, %scan3A_9 : i32
      %mul3A_13 = arith.constant 2 : i32
      %mul3A_14 = arith.muli %mul3A_13, %scan3A_9 : i32
      %add3A_15 = arith.constant 1 : i32
      %add3A_16 = arith.addi %mul3A_14, %add3A_15 : i32
      %mul3A_17 = arith.constant 200 : i32
      %mul3A_18 = arith.muli %mul3A_12, %mul3A_17 : i32
      %dma_start3A = tpu.memref_slice %arg6[%mul3A_18] : memref<2000xi32, #tpu.memory_space<vmem>> -> memref<200xi32, #tpu.memory_space<vmem>>
      %dma_start3A_19 = arith.constant 0 : i32
      %dma_start3A_20 = arith.constant 0 : i32
      %dma_start3A_21 = tpu.memref_slice %arg2[%dma_start3A_19, %dma_start3A_20] : memref<10000x128xf32, #tpu.memory_space<hbm>> -> memref<10000x128xf32, #tpu.memory_space<hbm>>
      tpu.enqueue_indirect_dma source(%dma_start3A_21 : memref<10000x128xf32, #tpu.memory_space<hbm>>) target(%arg8 : memref<200x128xf32, #tpu.memory_space<vmem>>) offsets(%dma_start3A : memref<200xi32, #tpu.memory_space<vmem>>) semaphore(%arg12 : memref<!tpu.dma_semaphore, #tpu.memory_space<semaphore_mem>>)
      %mul3A_22 = arith.constant 200 : i32
      %mul3A_23 = arith.muli %mul3A_12, %mul3A_22 : i32
      %dma_start3A_24 = tpu.memref_slice %arg7[%mul3A_23] : memref<2000xi32, #tpu.memory_space<vmem>> -> memref<200xi32, #tpu.memory_space<vmem>>
      %dma_start3A_25 = arith.constant 0 : i32
      %dma_start3A_26 = arith.constant 0 : i32
      %dma_start3A_27 = tpu.memref_slice %arg2[%dma_start3A_25, %dma_start3A_26] : memref<10000x128xf32, #tpu.memory_space<hbm>> -> memref<10000x128xf32, #tpu.memory_space<hbm>>
      tpu.enqueue_indirect_dma source(%dma_start3A_27 : memref<10000x128xf32, #tpu.memory_space<hbm>>) target(%arg9 : memref<200x128xf32, #tpu.memory_space<vmem>>) offsets(%dma_start3A_24 : memref<200xi32, #tpu.memory_space<vmem>>) semaphore(%arg12 : memref<!tpu.dma_semaphore, #tpu.memory_space<semaphore_mem>>)
      %mul3A_28 = arith.constant 200 : i32
      %mul3A_29 = arith.muli %add3A_16, %mul3A_28 : i32
      %dma_start3A_30 = tpu.memref_slice %arg6[%mul3A_29] : memref<2000xi32, #tpu.memory_space<vmem>> -> memref<200xi32, #tpu.memory_space<vmem>>
      %dma_start3A_31 = arith.constant 0 : i32
      %dma_start3A_32 = arith.constant 0 : i32
      %dma_start3A_33 = tpu.memref_slice %arg2[%dma_start3A_31, %dma_start3A_32] : memref<10000x128xf32, #tpu.memory_space<hbm>> -> memref<10000x128xf32, #tpu.memory_space<hbm>>
      tpu.enqueue_indirect_dma source(%dma_start3A_33 : memref<10000x128xf32, #tpu.memory_space<hbm>>) target(%arg10 : memref<200x128xf32, #tpu.memory_space<vmem>>) offsets(%dma_start3A_30 : memref<200xi32, #tpu.memory_space<vmem>>) semaphore(%arg13 : memref<!tpu.dma_semaphore, #tpu.memory_space<semaphore_mem>>)
      %mul3A_34 = arith.constant 200 : i32
      %mul3A_35 = arith.muli %add3A_16, %mul3A_34 : i32
      %dma_start3A_36 = tpu.memref_slice %arg7[%mul3A_35] : memref<2000xi32, #tpu.memory_space<vmem>> -> memref<200xi32, #tpu.memory_space<vmem>>
      %dma_start3A_37 = arith.constant 0 : i32
      %dma_start3A_38 = arith.constant 0 : i32
      %dma_start3A_39 = tpu.memref_slice %arg2[%dma_start3A_37, %dma_start3A_38] : memref<10000x128xf32, #tpu.memory_space<hbm>> -> memref<10000x128xf32, #tpu.memory_space<hbm>>
      tpu.enqueue_indirect_dma source(%dma_start3A_39 : memref<10000x128xf32, #tpu.memory_space<hbm>>) target(%arg11 : memref<200x128xf32, #tpu.memory_space<vmem>>) offsets(%dma_start3A_36 : memref<200xi32, #tpu.memory_space<vmem>>) semaphore(%arg13 : memref<!tpu.dma_semaphore, #tpu.memory_space<semaphore_mem>>)
      %mul3A_40 = arith.constant 200 : i32
      %mul3A_41 = arith.muli %mul3A_12, %mul3A_40 : i32
      %dma_wait3A = tpu.memref_slice %arg6[%mul3A_41] : memref<2000xi32, #tpu.memory_space<vmem>> -> memref<200xi32, #tpu.memory_space<vmem>>
      %dma_wait3A_42 = arith.constant 0 : i32
      %dma_wait3A_43 = arith.constant 0 : i32
      %dma_wait3A_44 = tpu.memref_slice %arg2[%dma_wait3A_42, %dma_wait3A_43] : memref<10000x128xf32, #tpu.memory_space<hbm>> -> memref<10000x128xf32, #tpu.memory_space<hbm>>
      tpu.wait_indirect_dma semaphore(%arg12 : memref<!tpu.dma_semaphore, #tpu.memory_space<semaphore_mem>>) src(%dma_wait3A_44 : memref<10000x128xf32, #tpu.memory_space<hbm>>) dst(%arg8 : memref<200x128xf32, #tpu.memory_space<vmem>>)
      %mul3A_45 = arith.constant 200 : i32
      %mul3A_46 = arith.muli %mul3A_12, %mul3A_45 : i32
      %dma_wait3A_47 = tpu.memref_slice %arg7[%mul3A_46] : memref<2000xi32, #tpu.memory_space<vmem>> -> memref<200xi32, #tpu.memory_space<vmem>>
      %dma_wait3A_48 = arith.constant 0 : i32
      %dma_wait3A_49 = arith.constant 0 : i32
      %dma_wait3A_50 = tpu.memref_slice %arg2[%dma_wait3A_48, %dma_wait3A_49] : memref<10000x128xf32, #tpu.memory_space<hbm>> -> memref<10000x128xf32, #tpu.memory_space<hbm>>
      tpu.wait_indirect_dma semaphore(%arg12 : memref<!tpu.dma_semaphore, #tpu.memory_space<semaphore_mem>>) src(%dma_wait3A_50 : memref<10000x128xf32, #tpu.memory_space<hbm>>) dst(%arg9 : memref<200x128xf32, #tpu.memory_space<vmem>>)
      %mul3A_51 = arith.constant 200 : i32
      %mul3A_52 = arith.muli %add3A_16, %mul3A_51 : i32
      %dma_wait3A_53 = tpu.memref_slice %arg6[%mul3A_52] : memref<2000xi32, #tpu.memory_space<vmem>> -> memref<200xi32, #tpu.memory_space<vmem>>
      %dma_wait3A_54 = arith.constant 0 : i32
      %dma_wait3A_55 = arith.constant 0 : i32
      %dma_wait3A_56 = tpu.memref_slice %arg2[%dma_wait3A_54, %dma_wait3A_55] : memref<10000x128xf32, #tpu.memory_space<hbm>> -> memref<10000x128xf32, #tpu.memory_space<hbm>>
      tpu.wait_indirect_dma semaphore(%arg13 : memref<!tpu.dma_semaphore, #tpu.memory_space<semaphore_mem>>) src(%dma_wait3A_56 : memref<10000x128xf32, #tpu.memory_space<hbm>>) dst(%arg10 : memref<200x128xf32, #tpu.memory_space<vmem>>)
      %mul3A_57 = arith.constant 200 : i32
      %mul3A_58 = arith.muli %add3A_16, %mul3A_57 : i32
      %dma_wait3A_59 = tpu.memref_slice %arg7[%mul3A_58] : memref<2000xi32, #tpu.memory_space<vmem>> -> memref<200xi32, #tpu.memory_space<vmem>>
      %dma_wait3A_60 = arith.constant 0 : i32
      %dma_wait3A_61 = arith.constant 0 : i32
      %dma_wait3A_62 = tpu.memref_slice %arg2[%dma_wait3A_60, %dma_wait3A_61] : memref<10000x128xf32, #tpu.memory_space<hbm>> -> memref<10000x128xf32, #tpu.memory_space<hbm>>
      tpu.wait_indirect_dma semaphore(%arg13 : memref<!tpu.dma_semaphore, #tpu.memory_space<semaphore_mem>>) src(%dma_wait3A_62 : memref<10000x128xf32, #tpu.memory_space<hbm>>) dst(%arg11 : memref<200x128xf32, #tpu.memory_space<vmem>>)
      %mul3A_63 = arith.constant 200 : i32
      %mul3A_64 = arith.muli %mul3A_12, %mul3A_63 : i32
      %add3A_65 = arith.addi %mul3A_2, %mul3A_64 : i32
      %dma_start3A_66 = arith.constant 0 : i32
      %dma_start3A_67 = tpu.memref_slice %arg5[%add3A_65, %dma_start3A_66] : memref<64000x256xf32, #tpu.memory_space<hbm>> -> memref<200x128xf32, #tpu.memory_space<hbm>>
      %dma_start3A_68 = arith.constant 0 : i32
      %dma_start3A_69 = tpu.memref_slice %arg5[%add3A_65, %dma_start3A_68] : memref<64000x256xf32, #tpu.memory_space<hbm>> -> memref<200x128xf32, #tpu.memory_space<hbm>>
      tpu.enqueue_dma source(%arg8 : memref<200x128xf32, #tpu.memory_space<vmem>>) target(%dma_start3A_69 : memref<200x128xf32, #tpu.memory_space<hbm>>) target_semaphore(%arg14 : memref<!tpu.dma_semaphore, #tpu.memory_space<semaphore_mem>>)
      %dma_start3A_70 = arith.constant 128 : i32
      %dma_start3A_71 = tpu.memref_slice %arg5[%add3A_65, %dma_start3A_70] : memref<64000x256xf32, #tpu.memory_space<hbm>> -> memref<200x128xf32, #tpu.memory_space<hbm>>
      %dma_start3A_72 = arith.constant 128 : i32
      %dma_start3A_73 = tpu.memref_slice %arg5[%add3A_65, %dma_start3A_72] : memref<64000x256xf32, #tpu.memory_space<hbm>> -> memref<200x128xf32, #tpu.memory_space<hbm>>
      tpu.enqueue_dma source(%arg9 : memref<200x128xf32, #tpu.memory_space<vmem>>) target(%dma_start3A_73 : memref<200x128xf32, #tpu.memory_space<hbm>>) target_semaphore(%arg14 : memref<!tpu.dma_semaphore, #tpu.memory_space<semaphore_mem>>)
      %mul3A_74 = arith.constant 200 : i32
      %mul3A_75 = arith.muli %add3A_16, %mul3A_74 : i32
      %add3A_76 = arith.addi %mul3A_2, %mul3A_75 : i32
      %dma_start3A_77 = arith.constant 0 : i32
      %dma_start3A_78 = tpu.memref_slice %arg5[%add3A_76, %dma_start3A_77] : memref<64000x256xf32, #tpu.memory_space<hbm>> -> memref<200x128xf32, #tpu.memory_space<hbm>>
      %dma_start3A_79 = arith.constant 0 : i32
      %dma_start3A_80 = tpu.memref_slice %arg5[%add3A_76, %dma_start3A_79] : memref<64000x256xf32, #tpu.memory_space<hbm>> -> memref<200x128xf32, #tpu.memory_space<hbm>>
      tpu.enqueue_dma source(%arg10 : memref<200x128xf32, #tpu.memory_space<vmem>>) target(%dma_start3A_80 : memref<200x128xf32, #tpu.memory_space<hbm>>) target_semaphore(%arg15 : memref<!tpu.dma_semaphore, #tpu.memory_space<semaphore_mem>>)
      %dma_start3A_81 = arith.constant 128 : i32
      %dma_start3A_82 = tpu.memref_slice %arg5[%add3A_76, %dma_start3A_81] : memref<64000x256xf32, #tpu.memory_space<hbm>> -> memref<200x128xf32, #tpu.memory_space<hbm>>
      %dma_start3A_83 = arith.constant 128 : i32
      %dma_start3A_84 = tpu.memref_slice %arg5[%add3A_76, %dma_start3A_83] : memref<64000x256xf32, #tpu.memory_space<hbm>> -> memref<200x128xf32, #tpu.memory_space<hbm>>
      tpu.enqueue_dma source(%arg11 : memref<200x128xf32, #tpu.memory_space<vmem>>) target(%dma_start3A_84 : memref<200x128xf32, #tpu.memory_space<hbm>>) target_semaphore(%arg15 : memref<!tpu.dma_semaphore, #tpu.memory_space<semaphore_mem>>)
      %mul3A_85 = arith.constant 200 : i32
      %mul3A_86 = arith.muli %mul3A_12, %mul3A_85 : i32
      %add3A_87 = arith.addi %mul3A_2, %mul3A_86 : i32
      %dma_wait3A_88 = arith.constant 0 : i32
      %dma_wait3A_89 = tpu.memref_slice %arg5[%add3A_87, %dma_wait3A_88] : memref<64000x256xf32, #tpu.memory_space<hbm>> -> memref<200x128xf32, #tpu.memory_space<hbm>>
      %dma_wait3A_90 = arith.constant 0 : i32
      %dma_wait3A_91 = tpu.memref_slice %arg5[%add3A_87, %dma_wait3A_90] : memref<64000x256xf32, #tpu.memory_space<hbm>> -> memref<200x128xf32, #tpu.memory_space<hbm>>
      tpu.wait_dma2 semaphore(%arg14 : memref<!tpu.dma_semaphore, #tpu.memory_space<semaphore_mem>>) src(%arg8 : memref<200x128xf32, #tpu.memory_space<vmem>>) dst(%dma_wait3A_91 : memref<200x128xf32, #tpu.memory_space<hbm>>)
      %dma_wait3A_92 = arith.constant 128 : i32
      %dma_wait3A_93 = tpu.memref_slice %arg5[%add3A_87, %dma_wait3A_92] : memref<64000x256xf32, #tpu.memory_space<hbm>> -> memref<200x128xf32, #tpu.memory_space<hbm>>
      %dma_wait3A_94 = arith.constant 128 : i32
      %dma_wait3A_95 = tpu.memref_slice %arg5[%add3A_87, %dma_wait3A_94] : memref<64000x256xf32, #tpu.memory_space<hbm>> -> memref<200x128xf32, #tpu.memory_space<hbm>>
      tpu.wait_dma2 semaphore(%arg14 : memref<!tpu.dma_semaphore, #tpu.memory_space<semaphore_mem>>) src(%arg9 : memref<200x128xf32, #tpu.memory_space<vmem>>) dst(%dma_wait3A_95 : memref<200x128xf32, #tpu.memory_space<hbm>>)
      %mul3A_96 = arith.constant 200 : i32
      %mul3A_97 = arith.muli %add3A_16, %mul3A_96 : i32
      %add3A_98 = arith.addi %mul3A_2, %mul3A_97 : i32
      %dma_wait3A_99 = arith.constant 0 : i32
      %dma_wait3A_100 = tpu.memref_slice %arg5[%add3A_98, %dma_wait3A_99] : memref<64000x256xf32, #tpu.memory_space<hbm>> -> memref<200x128xf32, #tpu.memory_space<hbm>>
      %dma_wait3A_101 = arith.constant 0 : i32
      %dma_wait3A_102 = tpu.memref_slice %arg5[%add3A_98, %dma_wait3A_101] : memref<64000x256xf32, #tpu.memory_space<hbm>> -> memref<200x128xf32, #tpu.memory_space<hbm>>
      tpu.wait_dma2 semaphore(%arg15 : memref<!tpu.dma_semaphore, #tpu.memory_space<semaphore_mem>>) src(%arg10 : memref<200x128xf32, #tpu.memory_space<vmem>>) dst(%dma_wait3A_102 : memref<200x128xf32, #tpu.memory_space<hbm>>)
      %dma_wait3A_103 = arith.constant 128 : i32
      %dma_wait3A_104 = tpu.memref_slice %arg5[%add3A_98, %dma_wait3A_103] : memref<64000x256xf32, #tpu.memory_space<hbm>> -> memref<200x128xf32, #tpu.memory_space<hbm>>
      %dma_wait3A_105 = arith.constant 128 : i32
      %dma_wait3A_106 = tpu.memref_slice %arg5[%add3A_98, %dma_wait3A_105] : memref<64000x256xf32, #tpu.memory_space<hbm>> -> memref<200x128xf32, #tpu.memory_space<hbm>>
      tpu.wait_dma2 semaphore(%arg15 : memref<!tpu.dma_semaphore, #tpu.memory_space<semaphore_mem>>) src(%arg11 : memref<200x128xf32, #tpu.memory_space<vmem>>) dst(%dma_wait3A_106 : memref<200x128xf32, #tpu.memory_space<hbm>>)
      %scan3A_107 = arith.constant 0 : i32
      scf.yield %scan3A_107 : i32
    }
    %scan3A_8 = arith.constant 5 : i32
    return
  }
}

#map = affine_map<(d0, d1) -> (0, 0)>
#map1 = affine_map<(d0, d1) -> (0)>
module attributes {stable_mosaic.version = 14 : i64} {
  func.func @_gather_body(%arg0: i32, %arg1: i32, %arg2: memref<10000x128xf32, #tpu.memory_space<hbm>>, %arg3: memref<64000xi32, #tpu.memory_space<hbm>>, %arg4: memref<64000xi32, #tpu.memory_space<hbm>>, %arg5: memref<64000x256xf32, #tpu.memory_space<hbm>>, %arg6: memref<2000xi32, #tpu.memory_space<vmem>>, %arg7: memref<2000xi32, #tpu.memory_space<vmem>>, %arg8: memref<200x128xf32, #tpu.memory_space<vmem>>, %arg9: memref<200x128xf32, #tpu.memory_space<vmem>>, %arg10: memref<200x128xf32, #tpu.memory_space<vmem>>, %arg11: memref<200x128xf32, #tpu.memory_space<vmem>>, %arg12: memref<!tpu.dma_semaphore, #tpu.memory_space<semaphore_mem>>, %arg13: memref<!tpu.dma_semaphore, #tpu.memory_space<semaphore_mem>>, %arg14: memref<!tpu.dma_semaphore, #tpu.memory_space<semaphore_mem>>, %arg15: memref<!tpu.dma_semaphore, #tpu.memory_space<semaphore_mem>>) attributes {dimension_semantics = [#tpu.dimension_semantics<core_parallel>, #tpu.dimension_semantics<subcore_parallel>], iteration_bounds = array<i64: 2, 16>, scalar_prefetch = 0 : i64, scratch_operands = 10 : i64, tpu.core_type = #tpu.core_type<sc_vector_subcore>, window_params = [{transform_indices = #map}, {transform_indices = #map1}, {transform_indices = #map1}, {transform_indices = #map}]} {
    %mul3A = arith.constant 2 : i32
    %mul3A_0 = arith.muli %arg1, %mul3A : i32
    %add3A = arith.addi %mul3A_0, %arg0 : i32
    %mul3A_1 = arith.constant 2000 : i32
    %mul3A_2 = arith.muli %add3A, %mul3A_1 : i32
    "tpu.region"() ({
      %run_scoped3A = tpu.sem_alloc : memref<!tpu.dma_semaphore, #tpu.memory_space<semaphore_mem>>
      %dma_start3A = tpu.memref_slice %arg3[%mul3A_2] : memref<64000xi32, #tpu.memory_space<hbm>> -> memref<2000xi32, #tpu.memory_space<hbm>>
      %dma_start3A_9 = tpu.memref_slice %arg3[%mul3A_2] : memref<64000xi32, #tpu.memory_space<hbm>> -> memref<2000xi32, #tpu.memory_space<hbm>>
      tpu.enqueue_dma source(%dma_start3A_9 : memref<2000xi32, #tpu.memory_space<hbm>>) target(%arg6 : memref<2000xi32, #tpu.memory_space<vmem>>) target_semaphore(%run_scoped3A : memref<!tpu.dma_semaphore, #tpu.memory_space<semaphore_mem>>)
      %dma_wait3A = tpu.memref_slice %arg3[%mul3A_2] : memref<64000xi32, #tpu.memory_space<hbm>> -> memref<2000xi32, #tpu.memory_space<hbm>>
      %dma_wait3A_10 = tpu.memref_slice %arg3[%mul3A_2] : memref<64000xi32, #tpu.memory_space<hbm>> -> memref<2000xi32, #tpu.memory_space<hbm>>
      tpu.wait_dma2 semaphore(%run_scoped3A : memref<!tpu.dma_semaphore, #tpu.memory_space<semaphore_mem>>) src(%dma_wait3A_10 : memref<2000xi32, #tpu.memory_space<hbm>>) dst(%arg6 : memref<2000xi32, #tpu.memory_space<vmem>>)
      tpu.yield
    }) : () -> ()
    "tpu.region"() ({
      %run_scoped3A = tpu.sem_alloc : memref<!tpu.dma_semaphore, #tpu.memory_space<semaphore_mem>>
      %dma_start3A = tpu.memref_slice %arg4[%mul3A_2] : memref<64000xi32, #tpu.memory_space<hbm>> -> memref<2000xi32, #tpu.memory_space<hbm>>
      %dma_start3A_9 = tpu.memref_slice %arg4[%mul3A_2] : memref<64000xi32, #tpu.memory_space<hbm>> -> memref<2000xi32, #tpu.memory_space<hbm>>
      tpu.enqueue_dma source(%dma_start3A_9 : memref<2000xi32, #tpu.memory_space<hbm>>) target(%arg7 : memref<2000xi32, #tpu.memory_space<vmem>>) target_semaphore(%run_scoped3A : memref<!tpu.dma_semaphore, #tpu.memory_space<semaphore_mem>>)
      %dma_wait3A = tpu.memref_slice %arg4[%mul3A_2] : memref<64000xi32, #tpu.memory_space<hbm>> -> memref<2000xi32, #tpu.memory_space<hbm>>
      %dma_wait3A_10 = tpu.memref_slice %arg4[%mul3A_2] : memref<64000xi32, #tpu.memory_space<hbm>> -> memref<2000xi32, #tpu.memory_space<hbm>>
      tpu.wait_dma2 semaphore(%run_scoped3A : memref<!tpu.dma_semaphore, #tpu.memory_space<semaphore_mem>>) src(%dma_wait3A_10 : memref<2000xi32, #tpu.memory_space<hbm>>) dst(%arg7 : memref<2000xi32, #tpu.memory_space<vmem>>)
      tpu.yield
    }) : () -> ()
    %scan3A = arith.constant 0 : i32
    %scan3A_3 = arith.constant 0 : i32
    %scan3A_4 = arith.constant 5 : i32
    %scan3A_5 = arith.addi %scan3A_3, %scan3A_4 : i32
    %scan3A_6 = arith.constant 1 : i32
    %scan3A_7 = scf.for %scan3A_9 = %scan3A_3 to %scan3A_5 step %scan3A_6 iter_args(%scan3A_10 = %scan3A) -> (i32)  : i32 {
      %mul3A_11 = arith.constant 2 : i32
      %mul3A_12 = arith.muli %mul3A_11, %scan3A_9 : i32
      %mul3A_13 = arith.constant 2 : i32
      %mul3A_14 = arith.muli %mul3A_13, %scan3A_9 : i32
      %add3A_15 = arith.constant 1 : i32
      %add3A_16 = arith.addi %mul3A_14, %add3A_15 : i32
      %mul3A_17 = arith.constant 200 : i32
      %mul3A_18 = arith.muli %mul3A_12, %mul3A_17 : i32
      %dma_start3A = tpu.memref_slice %arg6[%mul3A_18] : memref<2000xi32, #tpu.memory_space<vmem>> -> memref<200xi32, #tpu.memory_space<vmem>>
      %dma_start3A_19 = arith.constant 0 : i32
      %dma_start3A_20 = arith.constant 0 : i32
      %dma_start3A_21 = tpu.memref_slice %arg2[%dma_start3A_19, %dma_start3A_20] : memref<10000x128xf32, #tpu.memory_space<hbm>> -> memref<10000x128xf32, #tpu.memory_space<hbm>>
      tpu.enqueue_indirect_dma source(%dma_start3A_21 : memref<10000x128xf32, #tpu.memory_space<hbm>>) target(%arg8 : memref<200x128xf32, #tpu.memory_space<vmem>>) offsets(%dma_start3A : memref<200xi32, #tpu.memory_space<vmem>>) semaphore(%arg12 : memref<!tpu.dma_semaphore, #tpu.memory_space<semaphore_mem>>)
      %mul3A_22 = arith.constant 200 : i32
      %mul3A_23 = arith.muli %mul3A_12, %mul3A_22 : i32
      %dma_start3A_24 = tpu.memref_slice %arg7[%mul3A_23] : memref<2000xi32, #tpu.memory_space<vmem>> -> memref<200xi32, #tpu.memory_space<vmem>>
      %dma_start3A_25 = arith.constant 0 : i32
      %dma_start3A_26 = arith.constant 0 : i32
      %dma_start3A_27 = tpu.memref_slice %arg2[%dma_start3A_25, %dma_start3A_26] : memref<10000x128xf32, #tpu.memory_space<hbm>> -> memref<10000x128xf32, #tpu.memory_space<hbm>>
      tpu.enqueue_indirect_dma source(%dma_start3A_27 : memref<10000x128xf32, #tpu.memory_space<hbm>>) target(%arg9 : memref<200x128xf32, #tpu.memory_space<vmem>>) offsets(%dma_start3A_24 : memref<200xi32, #tpu.memory_space<vmem>>) semaphore(%arg12 : memref<!tpu.dma_semaphore, #tpu.memory_space<semaphore_mem>>)
      %mul3A_28 = arith.constant 200 : i32
      %mul3A_29 = arith.muli %add3A_16, %mul3A_28 : i32
      %dma_start3A_30 = tpu.memref_slice %arg6[%mul3A_29] : memref<2000xi32, #tpu.memory_space<vmem>> -> memref<200xi32, #tpu.memory_space<vmem>>
      %dma_start3A_31 = arith.constant 0 : i32
      %dma_start3A_32 = arith.constant 0 : i32
      %dma_start3A_33 = tpu.memref_slice %arg2[%dma_start3A_31, %dma_start3A_32] : memref<10000x128xf32, #tpu.memory_space<hbm>> -> memref<10000x128xf32, #tpu.memory_space<hbm>>
      tpu.enqueue_indirect_dma source(%dma_start3A_33 : memref<10000x128xf32, #tpu.memory_space<hbm>>) target(%arg10 : memref<200x128xf32, #tpu.memory_space<vmem>>) offsets(%dma_start3A_30 : memref<200xi32, #tpu.memory_space<vmem>>) semaphore(%arg13 : memref<!tpu.dma_semaphore, #tpu.memory_space<semaphore_mem>>)
      %mul3A_34 = arith.constant 200 : i32
      %mul3A_35 = arith.muli %add3A_16, %mul3A_34 : i32
      %dma_start3A_36 = tpu.memref_slice %arg7[%mul3A_35] : memref<2000xi32, #tpu.memory_space<vmem>> -> memref<200xi32, #tpu.memory_space<vmem>>
      %dma_start3A_37 = arith.constant 0 : i32
      %dma_start3A_38 = arith.constant 0 : i32
      %dma_start3A_39 = tpu.memref_slice %arg2[%dma_start3A_37, %dma_start3A_38] : memref<10000x128xf32, #tpu.memory_space<hbm>> -> memref<10000x128xf32, #tpu.memory_space<hbm>>
      tpu.enqueue_indirect_dma source(%dma_start3A_39 : memref<10000x128xf32, #tpu.memory_space<hbm>>) target(%arg11 : memref<200x128xf32, #tpu.memory_space<vmem>>) offsets(%dma_start3A_36 : memref<200xi32, #tpu.memory_space<vmem>>) semaphore(%arg13 : memref<!tpu.dma_semaphore, #tpu.memory_space<semaphore_mem>>)
      %mul3A_40 = arith.constant 200 : i32
      %mul3A_41 = arith.muli %mul3A_12, %mul3A_40 : i32
      %dma_wait3A = tpu.memref_slice %arg6[%mul3A_41] : memref<2000xi32, #tpu.memory_space<vmem>> -> memref<200xi32, #tpu.memory_space<vmem>>
      %dma_wait3A_42 = arith.constant 0 : i32
      %dma_wait3A_43 = arith.constant 0 : i32
      %dma_wait3A_44 = tpu.memref_slice %arg2[%dma_wait3A_42, %dma_wait3A_43] : memref<10000x128xf32, #tpu.memory_space<hbm>> -> memref<10000x128xf32, #tpu.memory_space<hbm>>
      tpu.wait_indirect_dma semaphore(%arg12 : memref<!tpu.dma_semaphore, #tpu.memory_space<semaphore_mem>>) src(%dma_wait3A_44 : memref<10000x128xf32, #tpu.memory_space<hbm>>) dst(%arg8 : memref<200x128xf32, #tpu.memory_space<vmem>>)
      %mul3A_45 = arith.constant 200 : i32
      %mul3A_46 = arith.muli %mul3A_12, %mul3A_45 : i32
      %dma_wait3A_47 = tpu.memref_slice %arg7[%mul3A_46] : memref<2000xi32, #tpu.memory_space<vmem>> -> memref<200xi32, #tpu.memory_space<vmem>>
      %dma_wait3A_48 = arith.constant 0 : i32
      %dma_wait3A_49 = arith.constant 0 : i32
      %dma_wait3A_50 = tpu.memref_slice %arg2[%dma_wait3A_48, %dma_wait3A_49] : memref<10000x128xf32, #tpu.memory_space<hbm>> -> memref<10000x128xf32, #tpu.memory_space<hbm>>
      tpu.wait_indirect_dma semaphore(%arg12 : memref<!tpu.dma_semaphore, #tpu.memory_space<semaphore_mem>>) src(%dma_wait3A_50 : memref<10000x128xf32, #tpu.memory_space<hbm>>) dst(%arg9 : memref<200x128xf32, #tpu.memory_space<vmem>>)
      %mul3A_51 = arith.constant 200 : i32
      %mul3A_52 = arith.muli %add3A_16, %mul3A_51 : i32
      %dma_wait3A_53 = tpu.memref_slice %arg6[%mul3A_52] : memref<2000xi32, #tpu.memory_space<vmem>> -> memref<200xi32, #tpu.memory_space<vmem>>
      %dma_wait3A_54 = arith.constant 0 : i32
      %dma_wait3A_55 = arith.constant 0 : i32
      %dma_wait3A_56 = tpu.memref_slice %arg2[%dma_wait3A_54, %dma_wait3A_55] : memref<10000x128xf32, #tpu.memory_space<hbm>> -> memref<10000x128xf32, #tpu.memory_space<hbm>>
      tpu.wait_indirect_dma semaphore(%arg13 : memref<!tpu.dma_semaphore, #tpu.memory_space<semaphore_mem>>) src(%dma_wait3A_56 : memref<10000x128xf32, #tpu.memory_space<hbm>>) dst(%arg10 : memref<200x128xf32, #tpu.memory_space<vmem>>)
      %mul3A_57 = arith.constant 200 : i32
      %mul3A_58 = arith.muli %add3A_16, %mul3A_57 : i32
      %dma_wait3A_59 = tpu.memref_slice %arg7[%mul3A_58] : memref<2000xi32, #tpu.memory_space<vmem>> -> memref<200xi32, #tpu.memory_space<vmem>>
      %dma_wait3A_60 = arith.constant 0 : i32
      %dma_wait3A_61 = arith.constant 0 : i32
      %dma_wait3A_62 = tpu.memref_slice %arg2[%dma_wait3A_60, %dma_wait3A_61] : memref<10000x128xf32, #tpu.memory_space<hbm>> -> memref<10000x128xf32, #tpu.memory_space<hbm>>
      tpu.wait_indirect_dma semaphore(%arg13 : memref<!tpu.dma_semaphore, #tpu.memory_space<semaphore_mem>>) src(%dma_wait3A_62 : memref<10000x128xf32, #tpu.memory_space<hbm>>) dst(%arg11 : memref<200x128xf32, #tpu.memory_space<vmem>>)
      %mul3A_63 = arith.constant 200 : i32
      %mul3A_64 = arith.muli %mul3A_12, %mul3A_63 : i32
      %add3A_65 = arith.addi %mul3A_2, %mul3A_64 : i32
      %dma_start3A_66 = arith.constant 0 : i32
      %dma_start3A_67 = tpu.memref_slice %arg5[%add3A_65, %dma_start3A_66] : memref<64000x256xf32, #tpu.memory_space<hbm>> -> memref<200x128xf32, #tpu.memory_space<hbm>>
      %dma_start3A_68 = arith.constant 0 : i32
      %dma_start3A_69 = tpu.memref_slice %arg5[%add3A_65, %dma_start3A_68] : memref<64000x256xf32, #tpu.memory_space<hbm>> -> memref<200x128xf32, #tpu.memory_space<hbm>>
      tpu.enqueue_dma source(%arg8 : memref<200x128xf32, #tpu.memory_space<vmem>>) target(%dma_start3A_69 : memref<200x128xf32, #tpu.memory_space<hbm>>) target_semaphore(%arg14 : memref<!tpu.dma_semaphore, #tpu.memory_space<semaphore_mem>>)
      %dma_start3A_70 = arith.constant 128 : i32
      %dma_start3A_71 = tpu.memref_slice %arg5[%add3A_65, %dma_start3A_70] : memref<64000x256xf32, #tpu.memory_space<hbm>> -> memref<200x128xf32, #tpu.memory_space<hbm>>
      %dma_start3A_72 = arith.constant 128 : i32
      %dma_start3A_73 = tpu.memref_slice %arg5[%add3A_65, %dma_start3A_72] : memref<64000x256xf32, #tpu.memory_space<hbm>> -> memref<200x128xf32, #tpu.memory_space<hbm>>
      tpu.enqueue_dma source(%arg9 : memref<200x128xf32, #tpu.memory_space<vmem>>) target(%dma_start3A_73 : memref<200x128xf32, #tpu.memory_space<hbm>>) target_semaphore(%arg14 : memref<!tpu.dma_semaphore, #tpu.memory_space<semaphore_mem>>)
      %mul3A_74 = arith.constant 200 : i32
      %mul3A_75 = arith.muli %add3A_16, %mul3A_74 : i32
      %add3A_76 = arith.addi %mul3A_2, %mul3A_75 : i32
      %dma_start3A_77 = arith.constant 0 : i32
      %dma_start3A_78 = tpu.memref_slice %arg5[%add3A_76, %dma_start3A_77] : memref<64000x256xf32, #tpu.memory_space<hbm>> -> memref<200x128xf32, #tpu.memory_space<hbm>>
      %dma_start3A_79 = arith.constant 0 : i32
      %dma_start3A_80 = tpu.memref_slice %arg5[%add3A_76, %dma_start3A_79] : memref<64000x256xf32, #tpu.memory_space<hbm>> -> memref<200x128xf32, #tpu.memory_space<hbm>>
      tpu.enqueue_dma source(%arg10 : memref<200x128xf32, #tpu.memory_space<vmem>>) target(%dma_start3A_80 : memref<200x128xf32, #tpu.memory_space<hbm>>) target_semaphore(%arg15 : memref<!tpu.dma_semaphore, #tpu.memory_space<semaphore_mem>>)
      %dma_start3A_81 = arith.constant 128 : i32
      %dma_start3A_82 = tpu.memref_slice %arg5[%add3A_76, %dma_start3A_81] : memref<64000x256xf32, #tpu.memory_space<hbm>> -> memref<200x128xf32, #tpu.memory_space<hbm>>
      %dma_start3A_83 = arith.constant 128 : i32
      %dma_start3A_84 = tpu.memref_slice %arg5[%add3A_76, %dma_start3A_83] : memref<64000x256xf32, #tpu.memory_space<hbm>> -> memref<200x128xf32, #tpu.memory_space<hbm>>
      tpu.enqueue_dma source(%arg11 : memref<200x128xf32, #tpu.memory_space<vmem>>) target(%dma_start3A_84 : memref<200x128xf32, #tpu.memory_space<hbm>>) target_semaphore(%arg15 : memref<!tpu.dma_semaphore, #tpu.memory_space<semaphore_mem>>)
      %mul3A_85 = arith.constant 200 : i32
      %mul3A_86 = arith.muli %mul3A_12, %mul3A_85 : i32
      %add3A_87 = arith.addi %mul3A_2, %mul3A_86 : i32
      %dma_wait3A_88 = arith.constant 0 : i32
      %dma_wait3A_89 = tpu.memref_slice %arg5[%add3A_87, %dma_wait3A_88] : memref<64000x256xf32, #tpu.memory_space<hbm>> -> memref<200x128xf32, #tpu.memory_space<hbm>>
      %dma_wait3A_90 = arith.constant 0 : i32
      %dma_wait3A_91 = tpu.memref_slice %arg5[%add3A_87, %dma_wait3A_90] : memref<64000x256xf32, #tpu.memory_space<hbm>> -> memref<200x128xf32, #tpu.memory_space<hbm>>
      tpu.wait_dma2 semaphore(%arg14 : memref<!tpu.dma_semaphore, #tpu.memory_space<semaphore_mem>>) src(%arg8 : memref<200x128xf32, #tpu.memory_space<vmem>>) dst(%dma_wait3A_91 : memref<200x128xf32, #tpu.memory_space<hbm>>)
      %dma_wait3A_92 = arith.constant 128 : i32
      %dma_wait3A_93 = tpu.memref_slice %arg5[%add3A_87, %dma_wait3A_92] : memref<64000x256xf32, #tpu.memory_space<hbm>> -> memref<200x128xf32, #tpu.memory_space<hbm>>
      %dma_wait3A_94 = arith.constant 128 : i32
      %dma_wait3A_95 = tpu.memref_slice %arg5[%add3A_87, %dma_wait3A_94] : memref<64000x256xf32, #tpu.memory_space<hbm>> -> memref<200x128xf32, #tpu.memory_space<hbm>>
      tpu.wait_dma2 semaphore(%arg14 : memref<!tpu.dma_semaphore, #tpu.memory_space<semaphore_mem>>) src(%arg9 : memref<200x128xf32, #tpu.memory_space<vmem>>) dst(%dma_wait3A_95 : memref<200x128xf32, #tpu.memory_space<hbm>>)
      %mul3A_96 = arith.constant 200 : i32
      %mul3A_97 = arith.muli %add3A_16, %mul3A_96 : i32
      %add3A_98 = arith.addi %mul3A_2, %mul3A_97 : i32
      %dma_wait3A_99 = arith.constant 0 : i32
      %dma_wait3A_100 = tpu.memref_slice %arg5[%add3A_98, %dma_wait3A_99] : memref<64000x256xf32, #tpu.memory_space<hbm>> -> memref<200x128xf32, #tpu.memory_space<hbm>>
      %dma_wait3A_101 = arith.constant 0 : i32
      %dma_wait3A_102 = tpu.memref_slice %arg5[%add3A_98, %dma_wait3A_101] : memref<64000x256xf32, #tpu.memory_space<hbm>> -> memref<200x128xf32, #tpu.memory_space<hbm>>
      tpu.wait_dma2 semaphore(%arg15 : memref<!tpu.dma_semaphore, #tpu.memory_space<semaphore_mem>>) src(%arg10 : memref<200x128xf32, #tpu.memory_space<vmem>>) dst(%dma_wait3A_102 : memref<200x128xf32, #tpu.memory_space<hbm>>)
      %dma_wait3A_103 = arith.constant 128 : i32
      %dma_wait3A_104 = tpu.memref_slice %arg5[%add3A_98, %dma_wait3A_103] : memref<64000x256xf32, #tpu.memory_space<hbm>> -> memref<200x128xf32, #tpu.memory_space<hbm>>
      %dma_wait3A_105 = arith.constant 128 : i32
      %dma_wait3A_106 = tpu.memref_slice %arg5[%add3A_98, %dma_wait3A_105] : memref<64000x256xf32, #tpu.memory_space<hbm>> -> memref<200x128xf32, #tpu.memory_space<hbm>>
      tpu.wait_dma2 semaphore(%arg15 : memref<!tpu.dma_semaphore, #tpu.memory_space<semaphore_mem>>) src(%arg11 : memref<200x128xf32, #tpu.memory_space<vmem>>) dst(%dma_wait3A_106 : memref<200x128xf32, #tpu.memory_space<hbm>>)
      %scan3A_107 = arith.constant 0 : i32
      scf.yield %scan3A_107 : i32
    }
    %scan3A_8 = arith.constant 5 : i32
    return
  }
}

#map = affine_map<(d0, d1) -> (0, 0)>
#map1 = affine_map<(d0, d1) -> (0)>
module attributes {stable_mosaic.version = 14 : i64} {
  func.func @_scatter_body(%arg0: i32, %arg1: i32, %arg2: memref<64000x128xf32, #tpu.memory_space<hbm>>, %arg3: memref<64000x128xf32, #tpu.memory_space<hbm>>, %arg4: memref<64000x128xf32, #tpu.memory_space<hbm>>, %arg5: memref<320000xi32, #tpu.memory_space<hbm>>, %arg6: memref<640x128xf32, #tpu.memory_space<hbm>>, %arg7: memref<20480x128xf32, #tpu.memory_space<hbm>>, %arg8: memref<200xi32, #tpu.memory_space<vmem>>, %arg9: memref<200x128xf32, #tpu.memory_space<vmem>>, %arg10: memref<10240x128xf32, #tpu.memory_space<vmem_shared>>, %arg11: memref<!tpu.dma_semaphore, #tpu.memory_space<semaphore_mem>>) attributes {dimension_semantics = [#tpu.dimension_semantics<core_parallel>, #tpu.dimension_semantics<subcore_parallel>], iteration_bounds = array<i64: 2, 16>, scalar_prefetch = 0 : i64, scratch_operands = 4 : i64, tpu.core_type = #tpu.core_type<sc_vector_subcore>, window_params = [{transform_indices = #map}, {transform_indices = #map}, {transform_indices = #map}, {transform_indices = #map1}, {transform_indices = #map}, {transform_indices = #map}]} {
    %mul3A = arith.constant 2 : i32
    %mul3A_0 = arith.muli %arg1, %mul3A : i32
    %add3A = arith.addi %mul3A_0, %arg0 : i32
    %mul3A_1 = arith.constant 640 : i32
    %mul3A_2 = arith.muli %arg1, %mul3A_1 : i32
    "tpu.region"() ({
      %run_scoped3A = tpu.sem_alloc : memref<!tpu.dma_semaphore, #tpu.memory_space<semaphore_mem>>
      %dma_start3A = arith.constant 0 : i32
      %dma_start3A_37 = tpu.memref_slice %arg10[%mul3A_2, %dma_start3A] : memref<10240x128xf32, #tpu.memory_space<vmem_shared>> -> memref<640x128xf32, #tpu.memory_space<vmem_shared>>
      tpu.enqueue_dma source(%arg6 : memref<640x128xf32, #tpu.memory_space<hbm>>) target(%dma_start3A_37 : memref<640x128xf32, #tpu.memory_space<vmem_shared>>) target_semaphore(%run_scoped3A : memref<!tpu.dma_semaphore, #tpu.memory_space<semaphore_mem>>)
      %dma_wait3A = arith.constant 0 : i32
      %dma_wait3A_38 = tpu.memref_slice %arg10[%mul3A_2, %dma_wait3A] : memref<10240x128xf32, #tpu.memory_space<vmem_shared>> -> memref<640x128xf32, #tpu.memory_space<vmem_shared>>
      tpu.wait_dma2 semaphore(%run_scoped3A : memref<!tpu.dma_semaphore, #tpu.memory_space<semaphore_mem>>) src(%arg6 : memref<640x128xf32, #tpu.memory_space<hbm>>) dst(%dma_wait3A_38 : memref<640x128xf32, #tpu.memory_space<vmem_shared>>)
      tpu.yield
    }) : () -> ()
    %barrier3A = arith.constant 0 : index
    tpu.barrier barrier_id(%barrier3A)
    %mul3A_3 = arith.constant 2000 : i32
    %mul3A_4 = arith.muli %add3A, %mul3A_3 : i32
    %scan3A = arith.constant 0 : i32
    %scan3A_5 = arith.constant 0 : i32
    %scan3A_6 = arith.constant 10 : i32
    %scan3A_7 = arith.addi %scan3A_5, %scan3A_6 : i32
    %scan3A_8 = arith.constant 1 : i32
    %scan3A_9 = scf.for %scan3A_37 = %scan3A_5 to %scan3A_7 step %scan3A_8 iter_args(%scan3A_38 = %scan3A) -> (i32)  : i32 {
      %mul3A_39 = arith.constant 200 : i32
      %mul3A_40 = arith.muli %scan3A_37, %mul3A_39 : i32
      %add3A_41 = arith.addi %mul3A_4, %mul3A_40 : i32
      %add3A_42 = arith.constant 0 : i32
      %add3A_43 = arith.addi %add3A_42, %add3A_41 : i32
      %dma_start3A = tpu.memref_slice %arg5[%add3A_43] : memref<320000xi32, #tpu.memory_space<hbm>> -> memref<200xi32, #tpu.memory_space<hbm>>
      %dma_start3A_44 = tpu.memref_slice %arg5[%add3A_43] : memref<320000xi32, #tpu.memory_space<hbm>> -> memref<200xi32, #tpu.memory_space<hbm>>
      tpu.enqueue_dma source(%dma_start3A_44 : memref<200xi32, #tpu.memory_space<hbm>>) target(%arg8 : memref<200xi32, #tpu.memory_space<vmem>>) target_semaphore(%arg11 : memref<!tpu.dma_semaphore, #tpu.memory_space<semaphore_mem>>)
      %dma_start3A_45 = arith.constant 0 : i32
      %dma_start3A_46 = tpu.memref_slice %arg2[%add3A_41, %dma_start3A_45] : memref<64000x128xf32, #tpu.memory_space<hbm>> -> memref<200x128xf32, #tpu.memory_space<hbm>>
      %dma_start3A_47 = arith.constant 0 : i32
      %dma_start3A_48 = tpu.memref_slice %arg2[%add3A_41, %dma_start3A_47] : memref<64000x128xf32, #tpu.memory_space<hbm>> -> memref<200x128xf32, #tpu.memory_space<hbm>>
      tpu.enqueue_dma source(%dma_start3A_48 : memref<200x128xf32, #tpu.memory_space<hbm>>) target(%arg9 : memref<200x128xf32, #tpu.memory_space<vmem>>) target_semaphore(%arg11 : memref<!tpu.dma_semaphore, #tpu.memory_space<semaphore_mem>>)
      %dma_wait3A = tpu.memref_slice %arg5[%add3A_43] : memref<320000xi32, #tpu.memory_space<hbm>> -> memref<200xi32, #tpu.memory_space<hbm>>
      %dma_wait3A_49 = tpu.memref_slice %arg5[%add3A_43] : memref<320000xi32, #tpu.memory_space<hbm>> -> memref<200xi32, #tpu.memory_space<hbm>>
      tpu.wait_dma2 semaphore(%arg11 : memref<!tpu.dma_semaphore, #tpu.memory_space<semaphore_mem>>) src(%dma_wait3A_49 : memref<200xi32, #tpu.memory_space<hbm>>) dst(%arg8 : memref<200xi32, #tpu.memory_space<vmem>>)
      %dma_wait3A_50 = arith.constant 0 : i32
      %dma_wait3A_51 = tpu.memref_slice %arg2[%add3A_41, %dma_wait3A_50] : memref<64000x128xf32, #tpu.memory_space<hbm>> -> memref<200x128xf32, #tpu.memory_space<hbm>>
      %dma_wait3A_52 = arith.constant 0 : i32
      %dma_wait3A_53 = tpu.memref_slice %arg2[%add3A_41, %dma_wait3A_52] : memref<64000x128xf32, #tpu.memory_space<hbm>> -> memref<200x128xf32, #tpu.memory_space<hbm>>
      tpu.wait_dma2 semaphore(%arg11 : memref<!tpu.dma_semaphore, #tpu.memory_space<semaphore_mem>>) src(%dma_wait3A_53 : memref<200x128xf32, #tpu.memory_space<hbm>>) dst(%arg9 : memref<200x128xf32, #tpu.memory_space<vmem>>)
      "tpu.region"() ({
        %run_scoped3A = tpu.sem_alloc : memref<!tpu.dma_semaphore, #tpu.memory_space<semaphore_mem>>
        %dma_start3A_55 = arith.constant 0 : i32
        %dma_start3A_56 = arith.constant 0 : i32
        %dma_start3A_57 = tpu.memref_slice %arg10[%dma_start3A_55, %dma_start3A_56] : memref<10240x128xf32, #tpu.memory_space<vmem_shared>> -> memref<10240x128xf32, #tpu.memory_space<vmem_shared>>
        tpu.enqueue_indirect_dma source(%arg9 : memref<200x128xf32, #tpu.memory_space<vmem>>) target(%dma_start3A_57 : memref<10240x128xf32, #tpu.memory_space<vmem_shared>>) offsets(%arg8 : memref<200xi32, #tpu.memory_space<vmem>>) semaphore(%run_scoped3A : memref<!tpu.dma_semaphore, #tpu.memory_space<semaphore_mem>>) {add = true}
        %dma_wait3A_58 = arith.constant 0 : i32
        %dma_wait3A_59 = arith.constant 0 : i32
        %dma_wait3A_60 = tpu.memref_slice %arg10[%dma_wait3A_58, %dma_wait3A_59] : memref<10240x128xf32, #tpu.memory_space<vmem_shared>> -> memref<10240x128xf32, #tpu.memory_space<vmem_shared>>
        tpu.wait_indirect_dma semaphore(%run_scoped3A : memref<!tpu.dma_semaphore, #tpu.memory_space<semaphore_mem>>) src(%arg9 : memref<200x128xf32, #tpu.memory_space<vmem>>) dst(%dma_wait3A_60 : memref<10240x128xf32, #tpu.memory_space<vmem_shared>>)
        tpu.yield
      }) : () -> ()
      %scan3A_54 = arith.constant 0 : i32
      scf.yield %scan3A_54 : i32
    }
    %scan3A_10 = arith.constant 10 : i32
    %mul3A_11 = arith.constant 2000 : i32
    %mul3A_12 = arith.muli %add3A, %mul3A_11 : i32
    %scan3A_13 = arith.constant 0 : i32
    %scan3A_14 = arith.constant 0 : i32
    %scan3A_15 = arith.constant 10 : i32
    %scan3A_16 = arith.addi %scan3A_14, %scan3A_15 : i32
    %scan3A_17 = arith.constant 1 : i32
    %scan3A_18 = scf.for %scan3A_37 = %scan3A_14 to %scan3A_16 step %scan3A_17 iter_args(%scan3A_38 = %scan3A_13) -> (i32)  : i32 {
      %mul3A_39 = arith.constant 200 : i32
      %mul3A_40 = arith.muli %scan3A_37, %mul3A_39 : i32
      %add3A_41 = arith.addi %mul3A_12, %mul3A_40 : i32
      %add3A_42 = arith.constant 64000 : i32
      %add3A_43 = arith.addi %add3A_42, %add3A_41 : i32
      %dma_start3A = tpu.memref_slice %arg5[%add3A_43] : memref<320000xi32, #tpu.memory_space<hbm>> -> memref<200xi32, #tpu.memory_space<hbm>>
      %dma_start3A_44 = tpu.memref_slice %arg5[%add3A_43] : memref<320000xi32, #tpu.memory_space<hbm>> -> memref<200xi32, #tpu.memory_space<hbm>>
      tpu.enqueue_dma source(%dma_start3A_44 : memref<200xi32, #tpu.memory_space<hbm>>) target(%arg8 : memref<200xi32, #tpu.memory_space<vmem>>) target_semaphore(%arg11 : memref<!tpu.dma_semaphore, #tpu.memory_space<semaphore_mem>>)
      %dma_start3A_45 = arith.constant 0 : i32
      %dma_start3A_46 = tpu.memref_slice %arg3[%add3A_41, %dma_start3A_45] : memref<64000x128xf32, #tpu.memory_space<hbm>> -> memref<200x128xf32, #tpu.memory_space<hbm>>
      %dma_start3A_47 = arith.constant 0 : i32
      %dma_start3A_48 = tpu.memref_slice %arg3[%add3A_41, %dma_start3A_47] : memref<64000x128xf32, #tpu.memory_space<hbm>> -> memref<200x128xf32, #tpu.memory_space<hbm>>
      tpu.enqueue_dma source(%dma_start3A_48 : memref<200x128xf32, #tpu.memory_space<hbm>>) target(%arg9 : memref<200x128xf32, #tpu.memory_space<vmem>>) target_semaphore(%arg11 : memref<!tpu.dma_semaphore, #tpu.memory_space<semaphore_mem>>)
      %dma_wait3A = tpu.memref_slice %arg5[%add3A_43] : memref<320000xi32, #tpu.memory_space<hbm>> -> memref<200xi32, #tpu.memory_space<hbm>>
      %dma_wait3A_49 = tpu.memref_slice %arg5[%add3A_43] : memref<320000xi32, #tpu.memory_space<hbm>> -> memref<200xi32, #tpu.memory_space<hbm>>
      tpu.wait_dma2 semaphore(%arg11 : memref<!tpu.dma_semaphore, #tpu.memory_space<semaphore_mem>>) src(%dma_wait3A_49 : memref<200xi32, #tpu.memory_space<hbm>>) dst(%arg8 : memref<200xi32, #tpu.memory_space<vmem>>)
      %dma_wait3A_50 = arith.constant 0 : i32
      %dma_wait3A_51 = tpu.memref_slice %arg3[%add3A_41, %dma_wait3A_50] : memref<64000x128xf32, #tpu.memory_space<hbm>> -> memref<200x128xf32, #tpu.memory_space<hbm>>
      %dma_wait3A_52 = arith.constant 0 : i32
      %dma_wait3A_53 = tpu.memref_slice %arg3[%add3A_41, %dma_wait3A_52] : memref<64000x128xf32, #tpu.memory_space<hbm>> -> memref<200x128xf32, #tpu.memory_space<hbm>>
      tpu.wait_dma2 semaphore(%arg11 : memref<!tpu.dma_semaphore, #tpu.memory_space<semaphore_mem>>) src(%dma_wait3A_53 : memref<200x128xf32, #tpu.memory_space<hbm>>) dst(%arg9 : memref<200x128xf32, #tpu.memory_space<vmem>>)
      "tpu.region"() ({
        %run_scoped3A = tpu.sem_alloc : memref<!tpu.dma_semaphore, #tpu.memory_space<semaphore_mem>>
        %dma_start3A_55 = arith.constant 0 : i32
        %dma_start3A_56 = arith.constant 0 : i32
        %dma_start3A_57 = tpu.memref_slice %arg10[%dma_start3A_55, %dma_start3A_56] : memref<10240x128xf32, #tpu.memory_space<vmem_shared>> -> memref<10240x128xf32, #tpu.memory_space<vmem_shared>>
        tpu.enqueue_indirect_dma source(%arg9 : memref<200x128xf32, #tpu.memory_space<vmem>>) target(%dma_start3A_57 : memref<10240x128xf32, #tpu.memory_space<vmem_shared>>) offsets(%arg8 : memref<200xi32, #tpu.memory_space<vmem>>) semaphore(%run_scoped3A : memref<!tpu.dma_semaphore, #tpu.memory_space<semaphore_mem>>) {add = true}
        %dma_wait3A_58 = arith.constant 0 : i32
        %dma_wait3A_59 = arith.constant 0 : i32
        %dma_wait3A_60 = tpu.memref_slice %arg10[%dma_wait3A_58, %dma_wait3A_59] : memref<10240x128xf32, #tpu.memory_space<vmem_shared>> -> memref<10240x128xf32, #tpu.memory_space<vmem_shared>>
        tpu.wait_indirect_dma semaphore(%run_scoped3A : memref<!tpu.dma_semaphore, #tpu.memory_space<semaphore_mem>>) src(%arg9 : memref<200x128xf32, #tpu.memory_space<vmem>>) dst(%dma_wait3A_60 : memref<10240x128xf32, #tpu.memory_space<vmem_shared>>)
        tpu.yield
      }) : () -> ()
      %scan3A_54 = arith.constant 0 : i32
      scf.yield %scan3A_54 : i32
    }
    %scan3A_19 = arith.constant 10 : i32
    %mul3A_20 = arith.constant 2000 : i32
    %mul3A_21 = arith.muli %add3A, %mul3A_20 : i32
    %scan3A_22 = arith.constant 0 : i32
    %scan3A_23 = arith.constant 0 : i32
    %scan3A_24 = arith.constant 10 : i32
    %scan3A_25 = arith.addi %scan3A_23, %scan3A_24 : i32
    %scan3A_26 = arith.constant 1 : i32
    %scan3A_27 = scf.for %scan3A_37 = %scan3A_23 to %scan3A_25 step %scan3A_26 iter_args(%scan3A_38 = %scan3A_22) -> (i32)  : i32 {
      %mul3A_39 = arith.constant 200 : i32
      %mul3A_40 = arith.muli %scan3A_37, %mul3A_39 : i32
      %add3A_41 = arith.addi %mul3A_21, %mul3A_40 : i32
      %add3A_42 = arith.constant 128000 : i32
      %add3A_43 = arith.addi %add3A_42, %add3A_41 : i32
      %dma_start3A = tpu.memref_slice %arg5[%add3A_43] : memref<320000xi32, #tpu.memory_space<hbm>> -> memref<200xi32, #tpu.memory_space<hbm>>
      %dma_start3A_44 = tpu.memref_slice %arg5[%add3A_43] : memref<320000xi32, #tpu.memory_space<hbm>> -> memref<200xi32, #tpu.memory_space<hbm>>
      tpu.enqueue_dma source(%dma_start3A_44 : memref<200xi32, #tpu.memory_space<hbm>>) target(%arg8 : memref<200xi32, #tpu.memory_space<vmem>>) target_semaphore(%arg11 : memref<!tpu.dma_semaphore, #tpu.memory_space<semaphore_mem>>)
      %dma_start3A_45 = arith.constant 0 : i32
      %dma_start3A_46 = tpu.memref_slice %arg4[%add3A_41, %dma_start3A_45] : memref<64000x128xf32, #tpu.memory_space<hbm>> -> memref<200x128xf32, #tpu.memory_space<hbm>>
      %dma_start3A_47 = arith.constant 0 : i32
      %dma_start3A_48 = tpu.memref_slice %arg4[%add3A_41, %dma_start3A_47] : memref<64000x128xf32, #tpu.memory_space<hbm>> -> memref<200x128xf32, #tpu.memory_space<hbm>>
      tpu.enqueue_dma source(%dma_start3A_48 : memref<200x128xf32, #tpu.memory_space<hbm>>) target(%arg9 : memref<200x128xf32, #tpu.memory_space<vmem>>) target_semaphore(%arg11 : memref<!tpu.dma_semaphore, #tpu.memory_space<semaphore_mem>>)
      %dma_wait3A = tpu.memref_slice %arg5[%add3A_43] : memref<320000xi32, #tpu.memory_space<hbm>> -> memref<200xi32, #tpu.memory_space<hbm>>
      %dma_wait3A_49 = tpu.memref_slice %arg5[%add3A_43] : memref<320000xi32, #tpu.memory_space<hbm>> -> memref<200xi32, #tpu.memory_space<hbm>>
      tpu.wait_dma2 semaphore(%arg11 : memref<!tpu.dma_semaphore, #tpu.memory_space<semaphore_mem>>) src(%dma_wait3A_49 : memref<200xi32, #tpu.memory_space<hbm>>) dst(%arg8 : memref<200xi32, #tpu.memory_space<vmem>>)
      %dma_wait3A_50 = arith.constant 0 : i32
      %dma_wait3A_51 = tpu.memref_slice %arg4[%add3A_41, %dma_wait3A_50] : memref<64000x128xf32, #tpu.memory_space<hbm>> -> memref<200x128xf32, #tpu.memory_space<hbm>>
      %dma_wait3A_52 = arith.constant 0 : i32
      %dma_wait3A_53 = tpu.memref_slice %arg4[%add3A_41, %dma_wait3A_52] : memref<64000x128xf32, #tpu.memory_space<hbm>> -> memref<200x128xf32, #tpu.memory_space<hbm>>
      tpu.wait_dma2 semaphore(%arg11 : memref<!tpu.dma_semaphore, #tpu.memory_space<semaphore_mem>>) src(%dma_wait3A_53 : memref<200x128xf32, #tpu.memory_space<hbm>>) dst(%arg9 : memref<200x128xf32, #tpu.memory_space<vmem>>)
      "tpu.region"() ({
        %run_scoped3A = tpu.sem_alloc : memref<!tpu.dma_semaphore, #tpu.memory_space<semaphore_mem>>
        %dma_start3A_55 = arith.constant 0 : i32
        %dma_start3A_56 = arith.constant 0 : i32
        %dma_start3A_57 = tpu.memref_slice %arg10[%dma_start3A_55, %dma_start3A_56] : memref<10240x128xf32, #tpu.memory_space<vmem_shared>> -> memref<10240x128xf32, #tpu.memory_space<vmem_shared>>
        tpu.enqueue_indirect_dma source(%arg9 : memref<200x128xf32, #tpu.memory_space<vmem>>) target(%dma_start3A_57 : memref<10240x128xf32, #tpu.memory_space<vmem_shared>>) offsets(%arg8 : memref<200xi32, #tpu.memory_space<vmem>>) semaphore(%run_scoped3A : memref<!tpu.dma_semaphore, #tpu.memory_space<semaphore_mem>>) {add = true}
        %dma_wait3A_58 = arith.constant 0 : i32
        %dma_wait3A_59 = arith.constant 0 : i32
        %dma_wait3A_60 = tpu.memref_slice %arg10[%dma_wait3A_58, %dma_wait3A_59] : memref<10240x128xf32, #tpu.memory_space<vmem_shared>> -> memref<10240x128xf32, #tpu.memory_space<vmem_shared>>
        tpu.wait_indirect_dma semaphore(%run_scoped3A : memref<!tpu.dma_semaphore, #tpu.memory_space<semaphore_mem>>) src(%arg9 : memref<200x128xf32, #tpu.memory_space<vmem>>) dst(%dma_wait3A_60 : memref<10240x128xf32, #tpu.memory_space<vmem_shared>>)
        tpu.yield
      }) : () -> ()
      %scan3A_54 = arith.constant 0 : i32
      scf.yield %scan3A_54 : i32
    }
    %scan3A_28 = arith.constant 10 : i32
    %barrier3A_29 = arith.constant 0 : index
    tpu.barrier barrier_id(%barrier3A_29)
    %mul3A_30 = arith.constant 640 : i32
    %mul3A_31 = arith.muli %arg1, %mul3A_30 : i32
    %mul3A_32 = arith.constant 10240 : i32
    %mul3A_33 = arith.muli %arg0, %mul3A_32 : i32
    %mul3A_34 = arith.constant 640 : i32
    %mul3A_35 = arith.muli %arg1, %mul3A_34 : i32
    %add3A_36 = arith.addi %mul3A_33, %mul3A_35 : i32
    "tpu.region"() ({
      %run_scoped3A = tpu.sem_alloc : memref<!tpu.dma_semaphore, #tpu.memory_space<semaphore_mem>>
      %dma_start3A = arith.constant 0 : i32
      %dma_start3A_37 = tpu.memref_slice %arg7[%add3A_36, %dma_start3A] : memref<20480x128xf32, #tpu.memory_space<hbm>> -> memref<640x128xf32, #tpu.memory_space<hbm>>
      %dma_start3A_38 = arith.constant 0 : i32
      %dma_start3A_39 = tpu.memref_slice %arg10[%mul3A_31, %dma_start3A_38] : memref<10240x128xf32, #tpu.memory_space<vmem_shared>> -> memref<640x128xf32, #tpu.memory_space<vmem_shared>>
      tpu.enqueue_dma source(%dma_start3A_39 : memref<640x128xf32, #tpu.memory_space<vmem_shared>>) target(%dma_start3A_37 : memref<640x128xf32, #tpu.memory_space<hbm>>) target_semaphore(%run_scoped3A : memref<!tpu.dma_semaphore, #tpu.memory_space<semaphore_mem>>)
      %dma_wait3A = arith.constant 0 : i32
      %dma_wait3A_40 = tpu.memref_slice %arg7[%add3A_36, %dma_wait3A] : memref<20480x128xf32, #tpu.memory_space<hbm>> -> memref<640x128xf32, #tpu.memory_space<hbm>>
      %dma_wait3A_41 = arith.constant 0 : i32
      %dma_wait3A_42 = tpu.memref_slice %arg10[%mul3A_31, %dma_wait3A_41] : memref<10240x128xf32, #tpu.memory_space<vmem_shared>> -> memref<640x128xf32, #tpu.memory_space<vmem_shared>>
      tpu.wait_dma2 semaphore(%run_scoped3A : memref<!tpu.dma_semaphore, #tpu.memory_space<semaphore_mem>>) src(%dma_wait3A_42 : memref<640x128xf32, #tpu.memory_space<vmem_shared>>) dst(%dma_wait3A_40 : memref<640x128xf32, #tpu.memory_space<hbm>>)
      tpu.yield
    }) : () -> ()
    return
  }
}

#map = affine_map<(d0, d1) -> (0, 0)>
#map1 = affine_map<(d0, d1) -> (0)>
module attributes {stable_mosaic.version = 14 : i64} {
  func.func @_scatter_body(%arg0: i32, %arg1: i32, %arg2: memref<64000x128xf32, #tpu.memory_space<hbm>>, %arg3: memref<64000x128xf32, #tpu.memory_space<hbm>>, %arg4: memref<320000xi32, #tpu.memory_space<hbm>>, %arg5: memref<640x128xf32, #tpu.memory_space<hbm>>, %arg6: memref<20480x128xf32, #tpu.memory_space<hbm>>, %arg7: memref<200xi32, #tpu.memory_space<vmem>>, %arg8: memref<200x128xf32, #tpu.memory_space<vmem>>, %arg9: memref<10240x128xf32, #tpu.memory_space<vmem_shared>>, %arg10: memref<!tpu.dma_semaphore, #tpu.memory_space<semaphore_mem>>) attributes {dimension_semantics = [#tpu.dimension_semantics<core_parallel>, #tpu.dimension_semantics<subcore_parallel>], iteration_bounds = array<i64: 2, 16>, scalar_prefetch = 0 : i64, scratch_operands = 4 : i64, tpu.core_type = #tpu.core_type<sc_vector_subcore>, window_params = [{transform_indices = #map}, {transform_indices = #map}, {transform_indices = #map1}, {transform_indices = #map}, {transform_indices = #map}]} {
    %mul3A = arith.constant 2 : i32
    %mul3A_0 = arith.muli %arg1, %mul3A : i32
    %add3A = arith.addi %mul3A_0, %arg0 : i32
    %mul3A_1 = arith.constant 640 : i32
    %mul3A_2 = arith.muli %arg1, %mul3A_1 : i32
    "tpu.region"() ({
      %run_scoped3A = tpu.sem_alloc : memref<!tpu.dma_semaphore, #tpu.memory_space<semaphore_mem>>
      %dma_start3A = arith.constant 0 : i32
      %dma_start3A_28 = tpu.memref_slice %arg9[%mul3A_2, %dma_start3A] : memref<10240x128xf32, #tpu.memory_space<vmem_shared>> -> memref<640x128xf32, #tpu.memory_space<vmem_shared>>
      tpu.enqueue_dma source(%arg5 : memref<640x128xf32, #tpu.memory_space<hbm>>) target(%dma_start3A_28 : memref<640x128xf32, #tpu.memory_space<vmem_shared>>) target_semaphore(%run_scoped3A : memref<!tpu.dma_semaphore, #tpu.memory_space<semaphore_mem>>)
      %dma_wait3A = arith.constant 0 : i32
      %dma_wait3A_29 = tpu.memref_slice %arg9[%mul3A_2, %dma_wait3A] : memref<10240x128xf32, #tpu.memory_space<vmem_shared>> -> memref<640x128xf32, #tpu.memory_space<vmem_shared>>
      tpu.wait_dma2 semaphore(%run_scoped3A : memref<!tpu.dma_semaphore, #tpu.memory_space<semaphore_mem>>) src(%arg5 : memref<640x128xf32, #tpu.memory_space<hbm>>) dst(%dma_wait3A_29 : memref<640x128xf32, #tpu.memory_space<vmem_shared>>)
      tpu.yield
    }) : () -> ()
    %barrier3A = arith.constant 0 : index
    tpu.barrier barrier_id(%barrier3A)
    %mul3A_3 = arith.constant 2000 : i32
    %mul3A_4 = arith.muli %add3A, %mul3A_3 : i32
    %scan3A = arith.constant 0 : i32
    %scan3A_5 = arith.constant 0 : i32
    %scan3A_6 = arith.constant 10 : i32
    %scan3A_7 = arith.addi %scan3A_5, %scan3A_6 : i32
    %scan3A_8 = arith.constant 1 : i32
    %scan3A_9 = scf.for %scan3A_28 = %scan3A_5 to %scan3A_7 step %scan3A_8 iter_args(%scan3A_29 = %scan3A) -> (i32)  : i32 {
      %mul3A_30 = arith.constant 200 : i32
      %mul3A_31 = arith.muli %scan3A_28, %mul3A_30 : i32
      %add3A_32 = arith.addi %mul3A_4, %mul3A_31 : i32
      %add3A_33 = arith.constant 192000 : i32
      %add3A_34 = arith.addi %add3A_33, %add3A_32 : i32
      %dma_start3A = tpu.memref_slice %arg4[%add3A_34] : memref<320000xi32, #tpu.memory_space<hbm>> -> memref<200xi32, #tpu.memory_space<hbm>>
      %dma_start3A_35 = tpu.memref_slice %arg4[%add3A_34] : memref<320000xi32, #tpu.memory_space<hbm>> -> memref<200xi32, #tpu.memory_space<hbm>>
      tpu.enqueue_dma source(%dma_start3A_35 : memref<200xi32, #tpu.memory_space<hbm>>) target(%arg7 : memref<200xi32, #tpu.memory_space<vmem>>) target_semaphore(%arg10 : memref<!tpu.dma_semaphore, #tpu.memory_space<semaphore_mem>>)
      %dma_start3A_36 = arith.constant 0 : i32
      %dma_start3A_37 = tpu.memref_slice %arg2[%add3A_32, %dma_start3A_36] : memref<64000x128xf32, #tpu.memory_space<hbm>> -> memref<200x128xf32, #tpu.memory_space<hbm>>
      %dma_start3A_38 = arith.constant 0 : i32
      %dma_start3A_39 = tpu.memref_slice %arg2[%add3A_32, %dma_start3A_38] : memref<64000x128xf32, #tpu.memory_space<hbm>> -> memref<200x128xf32, #tpu.memory_space<hbm>>
      tpu.enqueue_dma source(%dma_start3A_39 : memref<200x128xf32, #tpu.memory_space<hbm>>) target(%arg8 : memref<200x128xf32, #tpu.memory_space<vmem>>) target_semaphore(%arg10 : memref<!tpu.dma_semaphore, #tpu.memory_space<semaphore_mem>>)
      %dma_wait3A = tpu.memref_slice %arg4[%add3A_34] : memref<320000xi32, #tpu.memory_space<hbm>> -> memref<200xi32, #tpu.memory_space<hbm>>
      %dma_wait3A_40 = tpu.memref_slice %arg4[%add3A_34] : memref<320000xi32, #tpu.memory_space<hbm>> -> memref<200xi32, #tpu.memory_space<hbm>>
      tpu.wait_dma2 semaphore(%arg10 : memref<!tpu.dma_semaphore, #tpu.memory_space<semaphore_mem>>) src(%dma_wait3A_40 : memref<200xi32, #tpu.memory_space<hbm>>) dst(%arg7 : memref<200xi32, #tpu.memory_space<vmem>>)
      %dma_wait3A_41 = arith.constant 0 : i32
      %dma_wait3A_42 = tpu.memref_slice %arg2[%add3A_32, %dma_wait3A_41] : memref<64000x128xf32, #tpu.memory_space<hbm>> -> memref<200x128xf32, #tpu.memory_space<hbm>>
      %dma_wait3A_43 = arith.constant 0 : i32
      %dma_wait3A_44 = tpu.memref_slice %arg2[%add3A_32, %dma_wait3A_43] : memref<64000x128xf32, #tpu.memory_space<hbm>> -> memref<200x128xf32, #tpu.memory_space<hbm>>
      tpu.wait_dma2 semaphore(%arg10 : memref<!tpu.dma_semaphore, #tpu.memory_space<semaphore_mem>>) src(%dma_wait3A_44 : memref<200x128xf32, #tpu.memory_space<hbm>>) dst(%arg8 : memref<200x128xf32, #tpu.memory_space<vmem>>)
      "tpu.region"() ({
        %run_scoped3A = tpu.sem_alloc : memref<!tpu.dma_semaphore, #tpu.memory_space<semaphore_mem>>
        %dma_start3A_46 = arith.constant 0 : i32
        %dma_start3A_47 = arith.constant 0 : i32
        %dma_start3A_48 = tpu.memref_slice %arg9[%dma_start3A_46, %dma_start3A_47] : memref<10240x128xf32, #tpu.memory_space<vmem_shared>> -> memref<10240x128xf32, #tpu.memory_space<vmem_shared>>
        tpu.enqueue_indirect_dma source(%arg8 : memref<200x128xf32, #tpu.memory_space<vmem>>) target(%dma_start3A_48 : memref<10240x128xf32, #tpu.memory_space<vmem_shared>>) offsets(%arg7 : memref<200xi32, #tpu.memory_space<vmem>>) semaphore(%run_scoped3A : memref<!tpu.dma_semaphore, #tpu.memory_space<semaphore_mem>>) {add = true}
        %dma_wait3A_49 = arith.constant 0 : i32
        %dma_wait3A_50 = arith.constant 0 : i32
        %dma_wait3A_51 = tpu.memref_slice %arg9[%dma_wait3A_49, %dma_wait3A_50] : memref<10240x128xf32, #tpu.memory_space<vmem_shared>> -> memref<10240x128xf32, #tpu.memory_space<vmem_shared>>
        tpu.wait_indirect_dma semaphore(%run_scoped3A : memref<!tpu.dma_semaphore, #tpu.memory_space<semaphore_mem>>) src(%arg8 : memref<200x128xf32, #tpu.memory_space<vmem>>) dst(%dma_wait3A_51 : memref<10240x128xf32, #tpu.memory_space<vmem_shared>>)
        tpu.yield
      }) : () -> ()
      %scan3A_45 = arith.constant 0 : i32
      scf.yield %scan3A_45 : i32
    }
    %scan3A_10 = arith.constant 10 : i32
    %mul3A_11 = arith.constant 2000 : i32
    %mul3A_12 = arith.muli %add3A, %mul3A_11 : i32
    %scan3A_13 = arith.constant 0 : i32
    %scan3A_14 = arith.constant 0 : i32
    %scan3A_15 = arith.constant 10 : i32
    %scan3A_16 = arith.addi %scan3A_14, %scan3A_15 : i32
    %scan3A_17 = arith.constant 1 : i32
    %scan3A_18 = scf.for %scan3A_28 = %scan3A_14 to %scan3A_16 step %scan3A_17 iter_args(%scan3A_29 = %scan3A_13) -> (i32)  : i32 {
      %mul3A_30 = arith.constant 200 : i32
      %mul3A_31 = arith.muli %scan3A_28, %mul3A_30 : i32
      %add3A_32 = arith.addi %mul3A_12, %mul3A_31 : i32
      %add3A_33 = arith.constant 256000 : i32
      %add3A_34 = arith.addi %add3A_33, %add3A_32 : i32
      %dma_start3A = tpu.memref_slice %arg4[%add3A_34] : memref<320000xi32, #tpu.memory_space<hbm>> -> memref<200xi32, #tpu.memory_space<hbm>>
      %dma_start3A_35 = tpu.memref_slice %arg4[%add3A_34] : memref<320000xi32, #tpu.memory_space<hbm>> -> memref<200xi32, #tpu.memory_space<hbm>>
      tpu.enqueue_dma source(%dma_start3A_35 : memref<200xi32, #tpu.memory_space<hbm>>) target(%arg7 : memref<200xi32, #tpu.memory_space<vmem>>) target_semaphore(%arg10 : memref<!tpu.dma_semaphore, #tpu.memory_space<semaphore_mem>>)
      %dma_start3A_36 = arith.constant 0 : i32
      %dma_start3A_37 = tpu.memref_slice %arg3[%add3A_32, %dma_start3A_36] : memref<64000x128xf32, #tpu.memory_space<hbm>> -> memref<200x128xf32, #tpu.memory_space<hbm>>
      %dma_start3A_38 = arith.constant 0 : i32
      %dma_start3A_39 = tpu.memref_slice %arg3[%add3A_32, %dma_start3A_38] : memref<64000x128xf32, #tpu.memory_space<hbm>> -> memref<200x128xf32, #tpu.memory_space<hbm>>
      tpu.enqueue_dma source(%dma_start3A_39 : memref<200x128xf32, #tpu.memory_space<hbm>>) target(%arg8 : memref<200x128xf32, #tpu.memory_space<vmem>>) target_semaphore(%arg10 : memref<!tpu.dma_semaphore, #tpu.memory_space<semaphore_mem>>)
      %dma_wait3A = tpu.memref_slice %arg4[%add3A_34] : memref<320000xi32, #tpu.memory_space<hbm>> -> memref<200xi32, #tpu.memory_space<hbm>>
      %dma_wait3A_40 = tpu.memref_slice %arg4[%add3A_34] : memref<320000xi32, #tpu.memory_space<hbm>> -> memref<200xi32, #tpu.memory_space<hbm>>
      tpu.wait_dma2 semaphore(%arg10 : memref<!tpu.dma_semaphore, #tpu.memory_space<semaphore_mem>>) src(%dma_wait3A_40 : memref<200xi32, #tpu.memory_space<hbm>>) dst(%arg7 : memref<200xi32, #tpu.memory_space<vmem>>)
      %dma_wait3A_41 = arith.constant 0 : i32
      %dma_wait3A_42 = tpu.memref_slice %arg3[%add3A_32, %dma_wait3A_41] : memref<64000x128xf32, #tpu.memory_space<hbm>> -> memref<200x128xf32, #tpu.memory_space<hbm>>
      %dma_wait3A_43 = arith.constant 0 : i32
      %dma_wait3A_44 = tpu.memref_slice %arg3[%add3A_32, %dma_wait3A_43] : memref<64000x128xf32, #tpu.memory_space<hbm>> -> memref<200x128xf32, #tpu.memory_space<hbm>>
      tpu.wait_dma2 semaphore(%arg10 : memref<!tpu.dma_semaphore, #tpu.memory_space<semaphore_mem>>) src(%dma_wait3A_44 : memref<200x128xf32, #tpu.memory_space<hbm>>) dst(%arg8 : memref<200x128xf32, #tpu.memory_space<vmem>>)
      "tpu.region"() ({
        %run_scoped3A = tpu.sem_alloc : memref<!tpu.dma_semaphore, #tpu.memory_space<semaphore_mem>>
        %dma_start3A_46 = arith.constant 0 : i32
        %dma_start3A_47 = arith.constant 0 : i32
        %dma_start3A_48 = tpu.memref_slice %arg9[%dma_start3A_46, %dma_start3A_47] : memref<10240x128xf32, #tpu.memory_space<vmem_shared>> -> memref<10240x128xf32, #tpu.memory_space<vmem_shared>>
        tpu.enqueue_indirect_dma source(%arg8 : memref<200x128xf32, #tpu.memory_space<vmem>>) target(%dma_start3A_48 : memref<10240x128xf32, #tpu.memory_space<vmem_shared>>) offsets(%arg7 : memref<200xi32, #tpu.memory_space<vmem>>) semaphore(%run_scoped3A : memref<!tpu.dma_semaphore, #tpu.memory_space<semaphore_mem>>) {add = true}
        %dma_wait3A_49 = arith.constant 0 : i32
        %dma_wait3A_50 = arith.constant 0 : i32
        %dma_wait3A_51 = tpu.memref_slice %arg9[%dma_wait3A_49, %dma_wait3A_50] : memref<10240x128xf32, #tpu.memory_space<vmem_shared>> -> memref<10240x128xf32, #tpu.memory_space<vmem_shared>>
        tpu.wait_indirect_dma semaphore(%run_scoped3A : memref<!tpu.dma_semaphore, #tpu.memory_space<semaphore_mem>>) src(%arg8 : memref<200x128xf32, #tpu.memory_space<vmem>>) dst(%dma_wait3A_51 : memref<10240x128xf32, #tpu.memory_space<vmem_shared>>)
        tpu.yield
      }) : () -> ()
      %scan3A_45 = arith.constant 0 : i32
      scf.yield %scan3A_45 : i32
    }
    %scan3A_19 = arith.constant 10 : i32
    %barrier3A_20 = arith.constant 0 : index
    tpu.barrier barrier_id(%barrier3A_20)
    %mul3A_21 = arith.constant 640 : i32
    %mul3A_22 = arith.muli %arg1, %mul3A_21 : i32
    %mul3A_23 = arith.constant 10240 : i32
    %mul3A_24 = arith.muli %arg0, %mul3A_23 : i32
    %mul3A_25 = arith.constant 640 : i32
    %mul3A_26 = arith.muli %arg1, %mul3A_25 : i32
    %add3A_27 = arith.addi %mul3A_24, %mul3A_26 : i32
    "tpu.region"() ({
      %run_scoped3A = tpu.sem_alloc : memref<!tpu.dma_semaphore, #tpu.memory_space<semaphore_mem>>
      %dma_start3A = arith.constant 0 : i32
      %dma_start3A_28 = tpu.memref_slice %arg6[%add3A_27, %dma_start3A] : memref<20480x128xf32, #tpu.memory_space<hbm>> -> memref<640x128xf32, #tpu.memory_space<hbm>>
      %dma_start3A_29 = arith.constant 0 : i32
      %dma_start3A_30 = tpu.memref_slice %arg9[%mul3A_22, %dma_start3A_29] : memref<10240x128xf32, #tpu.memory_space<vmem_shared>> -> memref<640x128xf32, #tpu.memory_space<vmem_shared>>
      tpu.enqueue_dma source(%dma_start3A_30 : memref<640x128xf32, #tpu.memory_space<vmem_shared>>) target(%dma_start3A_28 : memref<640x128xf32, #tpu.memory_space<hbm>>) target_semaphore(%run_scoped3A : memref<!tpu.dma_semaphore, #tpu.memory_space<semaphore_mem>>)
      %dma_wait3A = arith.constant 0 : i32
      %dma_wait3A_31 = tpu.memref_slice %arg6[%add3A_27, %dma_wait3A] : memref<20480x128xf32, #tpu.memory_space<hbm>> -> memref<640x128xf32, #tpu.memory_space<hbm>>
      %dma_wait3A_32 = arith.constant 0 : i32
      %dma_wait3A_33 = tpu.memref_slice %arg9[%mul3A_22, %dma_wait3A_32] : memref<10240x128xf32, #tpu.memory_space<vmem_shared>> -> memref<640x128xf32, #tpu.memory_space<vmem_shared>>
      tpu.wait_dma2 semaphore(%run_scoped3A : memref<!tpu.dma_semaphore, #tpu.memory_space<semaphore_mem>>) src(%dma_wait3A_33 : memref<640x128xf32, #tpu.memory_space<vmem_shared>>) dst(%dma_wait3A_31 : memref<640x128xf32, #tpu.memory_space<hbm>>)
      tpu.yield
    }) : () -> ()
    return
  }
}

module attributes {stable_mosaic.version = 14 : i64} {
  func.func @_combine_body(%arg0: i32, %arg1: memref<80x128xf32, #tpu.memory_space<vmem>>, %arg2: memref<80x128xf32, #tpu.memory_space<vmem>>, %arg3: memref<80x128xf32, #tpu.memory_space<vmem>>, %arg4: memref<80x128xf32, #tpu.memory_space<vmem>>, %arg5: memref<80x128xf32, #tpu.memory_space<vmem>>, %arg6: memref<80x128xf32, #tpu.memory_space<vmem>>) attributes {dimension_semantics = [#tpu.dimension_semantics<arbitrary>], iteration_bounds = array<i64: 125>, scalar_prefetch = 0 : i64, scratch_operands = 0 : i64, tpu.core_type = #tpu.core_type<tc>, window_params = [{transform_indices = @transform_0, window_bounds = array<i64: 80, 128>}, {transform_indices = @transform_1, window_bounds = array<i64: 80, 128>}, {transform_indices = @transform_2, window_bounds = array<i64: 80, 128>}, {transform_indices = @transform_3, window_bounds = array<i64: 80, 128>}, {transform_indices = @transform_4, window_bounds = array<i64: 80, 128>}, {transform_indices = @transform_5, window_bounds = array<i64: 80, 128>}]} {
    %get3A = arith.constant 0 : index
    %get3A_0 = arith.constant 0 : index
    %get3A_1 = vector.load %arg1[%get3A, %get3A_0] : memref<80x128xf32, #tpu.memory_space<vmem>>, vector<80x128xf32>
    %get3A_2 = arith.constant 0 : index
    %get3A_3 = arith.constant 0 : index
    %get3A_4 = vector.load %arg2[%get3A_2, %get3A_3] : memref<80x128xf32, #tpu.memory_space<vmem>>, vector<80x128xf32>
    %get3A_5 = arith.constant 0 : index
    %get3A_6 = arith.constant 0 : index
    %get3A_7 = vector.load %arg3[%get3A_5, %get3A_6] : memref<80x128xf32, #tpu.memory_space<vmem>>, vector<80x128xf32>
    %add3A = arith.addf %get3A_4, %get3A_7 : vector<80x128xf32>
    %get3A_8 = arith.constant 0 : index
    %get3A_9 = arith.constant 0 : index
    %get3A_10 = vector.load %arg4[%get3A_8, %get3A_9] : memref<80x128xf32, #tpu.memory_space<vmem>>, vector<80x128xf32>
    %get3A_11 = arith.constant 0 : index
    %get3A_12 = arith.constant 0 : index
    %get3A_13 = vector.load %arg5[%get3A_11, %get3A_12] : memref<80x128xf32, #tpu.memory_space<vmem>>, vector<80x128xf32>
    %add3A_14 = arith.addf %get3A_10, %get3A_13 : vector<80x128xf32>
    %add3A_15 = arith.addf %add3A, %add3A_14 : vector<80x128xf32>
    %mul3A = arith.constant 3.000000e-02 : f32
    %mul3A_16 = vector.broadcast %mul3A : f32 to vector<80x128xf32>
    %mul3A_17 = arith.mulf %mul3A_16, %add3A_15 : vector<80x128xf32>
    %add3A_18 = arith.addf %get3A_1, %mul3A_17 : vector<80x128xf32>
    %swap3A = arith.constant 0 : index
    %swap3A_19 = arith.constant 0 : index
    %swap3A_20 = vector.load %arg6[%swap3A, %swap3A_19] : memref<80x128xf32, #tpu.memory_space<vmem>>, vector<80x128xf32>
    tpu.vector_store %arg6[%swap3A, %swap3A_19], %add3A_18 {strides = array<i32>} : memref<80x128xf32, #tpu.memory_space<vmem>>, vector<80x128xf32>,
    return
  }
  func.func @transform_0(%arg0: i32) -> (i32, i32) {
    %c0_i32 = arith.constant 0 : i32
    %c0_i32_0 = arith.constant 0 : i32
    return %arg0, %c0_i32 : i32, i32
  }
  func.func @transform_1(%arg0: i32) -> (i32, i32) {
    %c0_i32 = arith.constant 0 : i32
    %c0_i32_0 = arith.constant 0 : i32
    return %arg0, %c0_i32 : i32, i32
  }
  func.func @transform_2(%arg0: i32) -> (i32, i32) {
    %add3A = arith.constant 128 : i32
    %add3A_0 = arith.addi %arg0, %add3A : i32
    %c0_i32 = arith.constant 0 : i32
    %c0_i32_1 = arith.constant 0 : i32
    return %add3A_0, %c0_i32 : i32, i32
  }
  func.func @transform_3(%arg0: i32) -> (i32, i32) {
    %c0_i32 = arith.constant 0 : i32
    %c0_i32_0 = arith.constant 0 : i32
    return %arg0, %c0_i32 : i32, i32
  }
  func.func @transform_4(%arg0: i32) -> (i32, i32) {
    %add3A = arith.constant 128 : i32
    %add3A_0 = arith.addi %arg0, %add3A : i32
    %c0_i32 = arith.constant 0 : i32
    %c0_i32_1 = arith.constant 0 : i32
    return %add3A_0, %c0_i32 : i32, i32
  }
  func.func @transform_5(%arg0: i32) -> (i32, i32) {
    %c0_i32 = arith.constant 0 : i32
    %c0_i32_0 = arith.constant 0 : i32
    return %arg0, %c0_i32 : i32, i32
  }
}

module attributes {stable_mosaic.version = 14 : i64} {
  func.func @_mlp_body(%arg0: i32, %arg1: memref<4000x256xf32, #tpu.memory_space<vmem>>, %arg2: memref<256x384xbf16, #tpu.memory_space<vmem>>, %arg3: memref<1x384xf32, #tpu.memory_space<vmem>>, %arg4: memref<128x128xbf16, #tpu.memory_space<vmem>>, %arg5: memref<1x1xf32, #tpu.memory_space<vmem>>, %arg6: memref<128x128xbf16, #tpu.memory_space<vmem>>, %arg7: memref<128x128xbf16, #tpu.memory_space<vmem>>, %arg8: memref<1x128xf32, #tpu.memory_space<vmem>>, %arg9: memref<4000x128xf32, #tpu.memory_space<vmem>>) attributes {dimension_semantics = [#tpu.dimension_semantics<arbitrary>], iteration_bounds = array<i64: 16>, scalar_prefetch = 0 : i64, scratch_operands = 0 : i64, tpu.core_type = #tpu.core_type<tc>, window_params = [{transform_indices = @transform_0, window_bounds = array<i64: 4000, 256>}, {pipeline_mode = #tpu.pipeline_mode<synchronous>, transform_indices = @transform_1, window_bounds = array<i64: 256, 384>}, {pipeline_mode = #tpu.pipeline_mode<synchronous>, transform_indices = @transform_2, window_bounds = array<i64: 1, 384>}, {pipeline_mode = #tpu.pipeline_mode<synchronous>, transform_indices = @transform_3, window_bounds = array<i64: 128, 128>}, {pipeline_mode = #tpu.pipeline_mode<synchronous>, transform_indices = @transform_4, window_bounds = array<i64: 1, 1>}, {pipeline_mode = #tpu.pipeline_mode<synchronous>, transform_indices = @transform_5, window_bounds = array<i64: 128, 128>}, {pipeline_mode = #tpu.pipeline_mode<synchronous>, transform_indices = @transform_6, window_bounds = array<i64: 128, 128>}, {pipeline_mode = #tpu.pipeline_mode<synchronous>, transform_indices = @transform_7, window_bounds = array<i64: 1, 128>}, {transform_indices = @transform_8, window_bounds = array<i64: 4000, 128>}]} {
    %get3A = arith.constant 0 : index
    %get3A_0 = arith.constant 0 : index
    %get3A_1 = vector.load %arg1[%get3A, %get3A_0] : memref<4000x256xf32, #tpu.memory_space<vmem>>, vector<4000x256xf32>
    %convert_element_type3A = arith.truncf %get3A_1 : vector<4000x256xf32> to vector<4000x256xbf16>
    %get3A_2 = arith.constant 0 : index
    %get3A_3 = arith.constant 0 : index
    %get3A_4 = vector.load %arg2[%get3A_2, %get3A_3] : memref<256x384xbf16, #tpu.memory_space<vmem>>, vector<256x384xbf16>
    %dot_general3A = arith.constant dense<0.000000e+00> : vector<4000x384xf32>
    %dot_general3A_5 = tpu.matmul %convert_element_type3A, %get3A_4, %dot_general3A {dimension_numbers = #tpu.dot_dimension_numbers<[1], [0], [0], [1], [0, 0, 1, 1], [], []>, transpose_lhs_hint = false} : vector<4000x256xbf16>, vector<256x384xbf16>, vector<4000x384xf32> -> vector<4000x384xf32>
    %get3A_6 = arith.constant 0 : index
    %get3A_7 = arith.constant 0 : index
    %get3A_8 = vector.load %arg3[%get3A_6, %get3A_7] : memref<1x384xf32, #tpu.memory_space<vmem>>, vector<1x384xf32>
    %add3A = vector.broadcast %get3A_8 : vector<1x384xf32> to vector<4000x384xf32>
    %add3A_9 = arith.addf %dot_general3A_5, %add3A : vector<4000x384xf32>
    %slice3A = vector.extract_strided_slice %add3A_9 {offsets = [0, 0], sizes = [4000, 128], strides = [1, 1]} : vector<4000x384xf32> to vector<4000x128xf32>
    %tanh3A = math.tanh %slice3A : vector<4000x128xf32>
    %slice3A_10 = vector.extract_strided_slice %add3A_9 {offsets = [0, 128], sizes = [4000, 128], strides = [1, 1]} : vector<4000x384xf32> to vector<4000x128xf32>
    %max3A = arith.constant 0.000000e+00 : f32
    %max3A_11 = vector.broadcast %max3A : f32 to vector<4000x128xf32>
    %max3A_12 = arith.maximumf %slice3A_10, %max3A_11 : vector<4000x128xf32>
    %slice3A_13 = vector.extract_strided_slice %add3A_9 {offsets = [0, 256], sizes = [4000, 128], strides = [1, 1]} : vector<4000x384xf32> to vector<4000x128xf32>
    %tanh3A_14 = math.tanh %slice3A_13 : vector<4000x128xf32>
    %convert_element_type3A_15 = arith.truncf %max3A_12 : vector<4000x128xf32> to vector<4000x128xbf16>
    %get3A_16 = arith.constant 0 : index
    %get3A_17 = arith.constant 0 : index
    %get3A_18 = vector.load %arg6[%get3A_16, %get3A_17] : memref<128x128xbf16, #tpu.memory_space<vmem>>, vector<128x128xbf16>
    %dot_general3A_19 = arith.constant dense<0.000000e+00> : vector<4000x128xf32>
    %dot_general3A_20 = tpu.matmul %convert_element_type3A_15, %get3A_18, %dot_general3A_19 {dimension_numbers = #tpu.dot_dimension_numbers<[1], [0], [0], [1], [0, 0, 1, 1], [], []>, transpose_lhs_hint = false} : vector<4000x128xbf16>, vector<128x128xbf16>, vector<4000x128xf32> -> vector<4000x128xf32>
    %convert_element_type3A_21 = arith.truncf %tanh3A_14 : vector<4000x128xf32> to vector<4000x128xbf16>
    %get3A_22 = arith.constant 0 : index
    %get3A_23 = arith.constant 0 : index
    %get3A_24 = vector.load %arg7[%get3A_22, %get3A_23] : memref<128x128xbf16, #tpu.memory_space<vmem>>, vector<128x128xbf16>
    %dot_general3A_25 = arith.constant dense<0.000000e+00> : vector<4000x128xf32>
    %dot_general3A_26 = tpu.matmul %convert_element_type3A_21, %get3A_24, %dot_general3A_25 {dimension_numbers = #tpu.dot_dimension_numbers<[1], [0], [0], [1], [0, 0, 1, 1], [], []>, transpose_lhs_hint = false} : vector<4000x128xbf16>, vector<128x128xbf16>, vector<4000x128xf32> -> vector<4000x128xf32>
    %add3A_27 = arith.addf %dot_general3A_20, %dot_general3A_26 : vector<4000x128xf32>
    %get3A_28 = arith.constant 0 : index
    %get3A_29 = arith.constant 0 : index
    %get3A_30 = vector.load %arg8[%get3A_28, %get3A_29] : memref<1x128xf32, #tpu.memory_space<vmem>>, vector<1x128xf32>
    %add3A_31 = vector.broadcast %get3A_30 : vector<1x128xf32> to vector<4000x128xf32>
    %add3A_32 = arith.addf %add3A_27, %add3A_31 : vector<4000x128xf32>
    %convert_element_type3A_33 = arith.truncf %tanh3A : vector<4000x128xf32> to vector<4000x128xbf16>
    %get3A_34 = arith.constant 0 : index
    %get3A_35 = arith.constant 0 : index
    %get3A_36 = vector.load %arg4[%get3A_34, %get3A_35] : memref<128x128xbf16, #tpu.memory_space<vmem>>, vector<128x128xbf16>
    %dot_general3A_37 = arith.constant dense<0.000000e+00> : vector<4000x128xf32>
    %dot_general3A_38 = tpu.matmul %convert_element_type3A_33, %get3A_36, %dot_general3A_37 {dimension_numbers = #tpu.dot_dimension_numbers<[1], [0], [0], [1], [0, 0, 1, 1], [], []>, transpose_lhs_hint = false} : vector<4000x128xbf16>, vector<128x128xbf16>, vector<4000x128xf32> -> vector<4000x128xf32>
    %get3A_39 = arith.constant 0 : index
    %get3A_40 = arith.constant 0 : index
    %get3A_41 = vector.load %arg5[%get3A_39, %get3A_40] : memref<1x1xf32, #tpu.memory_space<vmem>>, vector<1x1xf32>
    %add3A_42 = vector.broadcast %get3A_41 : vector<1x1xf32> to vector<4000x128xf32>
    %add3A_43 = arith.addf %dot_general3A_38, %add3A_42 : vector<4000x128xf32>
    %slice3A_44 = vector.extract_strided_slice %get3A_1 {offsets = [0, 128], sizes = [4000, 128], strides = [1, 1]} : vector<4000x256xf32> to vector<4000x128xf32>
    %slice3A_45 = vector.extract_strided_slice %get3A_1 {offsets = [0, 0], sizes = [4000, 128], strides = [1, 1]} : vector<4000x256xf32> to vector<4000x128xf32>
    %sub3A = arith.subf %slice3A_44, %slice3A_45 : vector<4000x128xf32>
    %mul3A = arith.mulf %add3A_43, %sub3A : vector<4000x128xf32>
    %add3A_46 = arith.addf %add3A_32, %mul3A : vector<4000x128xf32>
    %swap3A = arith.constant 0 : index
    %swap3A_47 = arith.constant 0 : index
    %swap3A_48 = vector.load %arg9[%swap3A, %swap3A_47] : memref<4000x128xf32, #tpu.memory_space<vmem>>, vector<4000x128xf32>
    tpu.vector_store %arg9[%swap3A, %swap3A_47], %add3A_46 {strides = array<i32>} : memref<4000x128xf32, #tpu.memory_space<vmem>>, vector<4000x128xf32>,
    return
  }
  func.func @transform_0(%arg0: i32) -> (i32, i32) {
    %c0_i32 = arith.constant 0 : i32
    %c0_i32_0 = arith.constant 0 : i32
    return %arg0, %c0_i32 : i32, i32
  }
  func.func @transform_1(%arg0: i32) -> (i32, i32) {
    %c0_i32 = arith.constant 0 : i32
    %c0_i32_0 = arith.constant 0 : i32
    %c0_i32_1 = arith.constant 0 : i32
    return %c0_i32, %c0_i32_0 : i32, i32
  }
  func.func @transform_2(%arg0: i32) -> (i32, i32) {
    %c0_i32 = arith.constant 0 : i32
    %c0_i32_0 = arith.constant 0 : i32
    %c0_i32_1 = arith.constant 0 : i32
    return %c0_i32, %c0_i32_0 : i32, i32
  }
  func.func @transform_3(%arg0: i32) -> (i32, i32) {
    %c0_i32 = arith.constant 0 : i32
    %c0_i32_0 = arith.constant 0 : i32
    %c0_i32_1 = arith.constant 0 : i32
    return %c0_i32, %c0_i32_0 : i32, i32
  }
  func.func @transform_4(%arg0: i32) -> (i32, i32) {
    %c0_i32 = arith.constant 0 : i32
    %c0_i32_0 = arith.constant 0 : i32
    %c0_i32_1 = arith.constant 0 : i32
    return %c0_i32, %c0_i32_0 : i32, i32
  }
  func.func @transform_5(%arg0: i32) -> (i32, i32) {
    %c0_i32 = arith.constant 0 : i32
    %c0_i32_0 = arith.constant 0 : i32
    %c0_i32_1 = arith.constant 0 : i32
    return %c0_i32, %c0_i32_0 : i32, i32
  }
  func.func @transform_6(%arg0: i32) -> (i32, i32) {
    %c0_i32 = arith.constant 0 : i32
    %c0_i32_0 = arith.constant 0 : i32
    %c0_i32_1 = arith.constant 0 : i32
    return %c0_i32, %c0_i32_0 : i32, i32
  }
  func.func @transform_7(%arg0: i32) -> (i32, i32) {
    %c0_i32 = arith.constant 0 : i32
    %c0_i32_0 = arith.constant 0 : i32
    %c0_i32_1 = arith.constant 0 : i32
    return %c0_i32, %c0_i32_0 : i32, i32
  }
  func.func @transform_8(%arg0: i32) -> (i32, i32) {
    %c0_i32 = arith.constant 0 : i32
    %c0_i32_0 = arith.constant 0 : i32
    return %arg0, %c0_i32 : i32, i32
  }
}

</mosaic_0001>

<sc_bundles>
// kernel: kernel.15.cloned.1.call-start
scs
__scs_entry_jumppad:
0x0: {  	(pc) =	sbr.rel $0x88, $3  }
0x1: {  	(tag) =	ssettag $0x0;
	lr =	simm.s32 $0x1  }
0x2: {  	[smem:$0x3F93] =	sst lr;
	_ =	strace $0xD0000000  }
0x3: {  	_ = 	snop  }
0x4: {  	_ = 	snop  }
0x5: {  	_ = 	snop  }
0x6: {  	_ = 	snop  }
0x7: {  	_ = 	snop  }
__scs_overlays_trampoline_lowered:
0x8: {  	[smem:$0x3FA2] =	sst s0  }
0x9: {  	[smem:$0x3FA3] =	sst s1  }
0xa: {  	[smem:$0x3FA4] =	sst s2  }
0xb: {  	[smem:$0x3FA5] =	sst s3  }
0xc: {  	[smem:$0x3FA6] =	sst s4  }
0xd: {  	[smem:$0x3FA7] =	sst s5  }
0xe: {  	[smem:$0x3FA8] =	sst s6  }
0xf: {  	[smem:$0x3FA9] =	sst s7  }
0x10: {  	[smem:$0x3FAA] =	sst s8  }
0x11: {  	[smem:$0x3FAB] =	sst s9;
	s0 =	simm.s32 @!p0 $0x0  }
0x12: {  	s1 =	sld [smem:$0x3F91];
	s0 =	simm.s32 @p0 $0x1  }
0x13: {  	[smem:$0x3FAC] =	sst s0;
	s0 =	simm.s32 @!p1 $0x0  }
0x14: {  	s2 =	sld [smem:$0x3F90];
	s0 =	simm.s32 @p1 $0x1  }
0x15: {  	[smem:$0x3FAD] =	sst s0;
	s0 =	simm.s32 @!p2 $0x0  }
0x16: {  	s3 =	sld [smem:$0x3FDB];
	s0 =	simm.s32 @p2 $0x1  }
0x17: {  	s4 =	simm.s32 $0x1BF5;
	[smem:$0x3FAF] =	sst s0  }
0x18: {  	s0 =	sld [smem:$0x3F92];
	_ =	swait.ge [sflag:s4], $0x0  }
0x19: {  	s7 =	sld [smem:$0x3F93]  }
0x1a: {  	s8 =	sadd.s32 $0xFFFFE003, lr  }
0x1b: {  	s9 =	sadd.s32 $0xFFFFFEF7, lr;
	s5 =	simm.s32 $0xFFFFFFFF;
	p2 =	slt.u32 s8, $0xFFFFF086  }
0x1c: {  	p1 =	slt.u32 s9, $0xF7A;
	s5 =	simm.s32 @!p2 $0x0  }
0x1d: {  	s5 =	simm.s32 @p1 $0x1;
	p0 =	seq.s32 s7, s2  }
0x1e: {  	s7 =	smul.u32 @!p0 $0xF7A, s2;
	p2 =	seq.s32 @!p0 s5, $0x0  }
0x1f: {  	s9 =	smul.u32 $0xF7A, s1;
	s8 =	simm.s32 @!p0 $0x1BF5;
	p2 =	por !p2, p0  }
0x20: {  	[sflag:s8] =	ssyncset.s32 @!p0 $0xFFFFF086;
	s6 =	sadd.s32 @!p0 s3, s7;
	s7 =	simm.s32 @!p0 $0x108  }
0x21: {  	s3 =	sadd.s32 s3, s9;
	s6 =	sadd.s32 @!p0 $0x88, s6;
	s7 =	simm.s32 @p2 $0x1082  }
0x22: {  	[simem:s7], [sflag:s8] =	dma.local @!p0 [hbm:s6], $0xF7A  }
0x23: {  	s9 =	sor.u32 $0xD0000000, s2;
	s6 =	simm.s32 $0x108;
	_ =	swait.ge @!p0 [sflag:s8], $0x0  }
0x24: {  	s3 =	sadd.s32 $0x88, s3;
	s6 =	simm.s32 @!p1 $0x1082;
	[sflag:s4] =	ssyncset.s32 $0xFFFFF086  }
0x25: {  	[simem:s6], [sflag:s4] =	dma.local [hbm:s3], $0xF7A  }
0x26: {  	[smem:$0x3F93] =	sst s1;
	(tag) =	ssettag s2;
	_ =	strace s9  }
0x27: {  	s1 =	sld [smem:$0x3FA3]  }
0x28: {  	s2 =	sld [smem:$0x3FA4]  }
0x29: {  	s4 =	sld [smem:$0x3FA6]  }
0x2a: {  	p0 =	seq.s32 s5, $0x0;
	s5 =	sld [smem:$0x3FA7]  }
0x2b: {  	s6 =	sld [smem:$0x3FA8]  }
0x2c: {  	s7 =	sld [smem:$0x3FA9]  }
0x2d: {  	s3 =	simm.s32 $0x108;
	s8 =	sld [smem:$0x3FAA]  }
0x2e: {  	s3 =	simm.s32 @!p0 $0x1082;
	s9 =	sld [smem:$0x3FAB]  }
0x2f: {  	lr =	sadd.s32 s0, s3;
	s0 =	sld [smem:$0x3FA2]  }
0x30: {  	s3 =	sld [smem:$0x3FA5]  }
0x31: {  	[smem:$0x3FAE] =	sst s10  }
0x32: {  	s10 =	sld [smem:$0x3FAC];
	_ =	sdelay $0x3  }
0x33: {  	p0 =	seq.s32 s10, $0x1;
	s10 =	sld [smem:$0x3FAE];
	_ =	sdelay $0x3  }
0x34: {  	[smem:$0x3FAE] =	sst s10  }
0x35: {  	s10 =	sld [smem:$0x3FAD];
	_ =	sdelay $0x3  }
0x36: {  	p1 =	seq.s32 s10, $0x1;
	s10 =	sld [smem:$0x3FAE];
	_ =	sdelay $0x3  }
0x37: {  	[smem:$0x3FAE] =	sst s10  }
0x38: {  	s10 =	sld [smem:$0x3FAF]  }
0x39: {  	_ = 	snop;
	(pc) =	sbr.ind lr, $3  }
0x3a: {  	_ = 	snop  }
0x3b: {  	_ = 	snop  }
0x3c: {  	p2 =	seq.s32 s10, $0x1;
	s10 =	sld [smem:$0x3FAE]  }
0x3d: {  	_ =	shalt  }
0x3e: {  	_ =	shalt  }
0x3f: {  	_ =	shalt  }
0x40: {  	_ =	shalt  }
0x41: {  	_ =	shalt  }
0x42: {  	_ =	shalt  }
0x43: {  	_ =	shalt  }
0x44: {  	_ =	shalt  }
0x45: {  	_ =	shalt  }
0x46: {  	_ =	shalt  }
0x47: {  	_ =	shalt  }
0x48: {  	_ =	shalt  }
0x49: {  	_ =	shalt  }
0x4a: {  	_ =	shalt  }
0x4b: {  	_ =	shalt  }
0x4c: {  	_ =	shalt  }
0x4d: {  	_ =	shalt  }
0x4e: {  	_ =	shalt  }
0x4f: {  	_ =	shalt  }
0x50: {  	_ =	shalt  }
0x51: {  	_ =	shalt  }
0x52: {  	_ =	shalt  }
0x53: {  	_ =	shalt  }
0x54: {  	_ =	shalt  }
0x55: {  	_ =	shalt  }
0x56: {  	_ =	shalt  }
0x57: {  	_ =	shalt  }
0x58: {  	_ =	shalt  }
0x59: {  	_ =	shalt  }
0x5a: {  	_ =	shalt  }
0x5b: {  	_ =	shalt  }
0x5c: {  	_ =	shalt  }
0x5d: {  	_ =	shalt  }
0x5e: {  	_ =	shalt  }
0x5f: {  	_ =	shalt  }
0x60: {  	_ =	shalt  }
0x61: {  	_ =	shalt  }
0x62: {  	_ =	shalt  }
0x63: {  	_ =	shalt  }
0x64: {  	_ =	shalt  }
0x65: {  	_ =	shalt  }
0x66: {  	_ =	shalt  }
0x67: {  	_ =	shalt  }
0x68: {  	_ =	shalt  }
0x69: {  	_ =	shalt  }
0x6a: {  	_ =	shalt  }
0x6b: {  	_ =	shalt  }
0x6c: {  	_ =	shalt  }
0x6d: {  	_ =	shalt  }
0x6e: {  	_ =	shalt  }
0x6f: {  	_ =	shalt  }
0x70: {  	_ =	shalt  }
0x71: {  	_ =	shalt  }
0x72: {  	_ =	shalt  }
0x73: {  	_ =	shalt  }
0x74: {  	_ =	shalt  }
0x75: {  	_ =	shalt  }
0x76: {  	_ =	shalt  }
0x77: {  	_ =	shalt  }
0x78: {  	_ =	shalt  }
0x79: {  	_ =	shalt  }
0x7a: {  	_ =	shalt  }
0x7b: {  	_ =	shalt  }
0x7c: {  	_ =	shalt  }
0x7d: {  	_ =	shalt  }
0x7e: {  	_ =	shalt  }
0x7f: {  	_ =	shalt  }
0x80: {  	_ =	shalt  }
0x81: {  	_ =	shalt  }
0x82: {  	_ =	shalt  }
0x83: {  	_ =	shalt  }
0x84: {  	_ =	shalt  }
0x85: {  	_ =	shalt  }
0x86: {  	_ =	shalt  }
0x87: {  	_ =	shalt  }
.Lfunc_end0:
.L_simem_size_0:
called_computation_lowered:
.L_overlay_start_0:
0x88: {  	s2 =	sld [smem:$0x3FD9]  }
0x89: {  	s3 =	sld [smem:$0x3FFE];
	_ =	sdelay $0x1  }
0x8a: {  	s1 =	srdreg.scid  }
0x8b: {  	s0 =	sand.u32 $0x1, s1  }
0x8c: {  	s17 =	sshll.u32 s0, $0xA;
	s2 =	sadd.s32 s3, s2  }
0x8d: {  	s2 =	sadd.s32 s2, s17  }
0x8e: {  	[smem:$0x3FBA] =	sst s2  }
0x8f: {  	_ = 	snop  }
0x90: {  	s18 =	sld [smem:$0x3FC9];
	(tm) =	ssettm $0x1  }
0x91: {  	s19 =	sld [smem:$0x3FFB];
	_ =	sdelay $0x3  }
0x92: {  	_ =	strace s19  }
0x93: {  	s2 =	sld [smem:$0x3FFC];
	_ =	sdelay $0x3  }
0x94: {  	_ =	strace s2  }
0x95: {  	s2 =	sld [smem:$0x3FFD];
	_ =	sdelay $0x3  }
0x96: {  	_ =	strace s2  }
0x97: {  	_ =	strace $0x8FFFFFFF  }
0x98: {  	s20 =	sld [smem:$0x3FDB];
	_ =	sdelay $0x1  }
0x99: {  	s4 =	simm.s32 $_scs_section_size  }
0x9a: {  	s5 =	simm.s32 $_size__tile_overlayer_lowered;
	s6 =	simm.s32 $_tile_overlayer_lowered  }
0x9b: {  	s7 =	simm.s32 $0x1BFF;
	s21 =	sshll.u32 s6, $0x1;
	s4 =	sadd.s32 s4, s20  }
0x9c: {  	s22 =	simm.s32 $0x0;
	s5 =	sshll.u32 s5, $0x1;
	s6 =	sadd.s32 s21, s4  }
0x9d: {  	[timem:s22], [sflag:s7] =	dma.local [hbm:s6], s5  }
0x9e: {  	_ =	swait.ge [sflag:s7], s5  }
0x9f: {  	s5 =	ssub.s32 $0x0, s5;
	[sflag:s7] =	ssyncset.done $0x0  }
0xa0: {  	[sflag:s7] =	ssyncadd.s32 s5;
	_ =	sdelay $0x1  }
0xa1: {  	s23 =	simm.s32 $0x1B8B  }
0xa2: {  	_ =	swait.ge [sflag:s23], $0x1  }
0xa3: {  	[sflag:s23] =	ssyncset.done $0x0  }
0xa4: {  	[sflag:s23] =	ssyncadd.s32 $0xFFFFFFFF  }
0xa5: {  	s5 =	sld [smem:$0x0]  }
0xa6: {  	s6 =	sand.u32 $0xFFFFFFFE, s1  }
0xa7: {  	p0 =	sne.s32 s1, s6  }
0xa8: {  	s6 =	sshll.u32 @p0 s6, $0xE  }
0xa9: {  	s6 =	sadd.s32 @p0 $0x11B8D, s6;
	s7 =	sshll.u32 @p0 s5, $0x11  }
0xaa: {  	s6 =	sor.u32 @p0 s7, s6  }
0xab: {  	[sflag:s6] =	ssyncadd.remote.s32 @p0 $0x1;
	_ =	sdelay $0x1  }
0xac: {  	s6 =	simm.s32 @p0 $0x1B8D  }
0xad: {  	_ =	swait.eq @p0 [sflag:s6], $0x1  }
0xae: {  	[sflag:s6] =	ssyncadd.s32 @p0 $0xFFFFFFFF  }
0xaf: {  	s7 =	sshll.u32 @!p0 s1, $0xE  }
0xb0: {  	s7 =	sor.u32 @!p0 $0x4000, s7;
	s6 =	simm.s32 @!p0 $0x1B8D  }
0xb1: {  	s5 =	sshll.u32 @!p0 s5, $0x11;
	s7 =	sadd.s32 @!p0 $0x11B8D, s7;
	_ =	swait.eq @!p0 [sflag:s6], $0x1  }
0xb2: {  	s5 =	sor.u32 @!p0 s5, s7;
	[sflag:s6] =	ssyncadd.s32 @!p0 $0xFFFFFFFF  }
0xb3: {  	s25 =	simm.s32 $0x1B8E;
	s24 =	sld [smem:$0x3FFE];
	[sflag:s5] =	ssyncadd.remote.s32 @!p0 $0x1  }
0xb4: {  	s26 =	simm.s32 $execute0_lowered;
	[smem:$0x3FD2] =	sst s25  }
0xb5: {  	s6 =	sshll.u32 s26, $0x1;
	_ =	strace $0x8000004C;
	[dreg:$0x1] =	wrdreg $0xFFFFFFFF  }
0xb6: {  	s28 =	simm.s32 $_size_execute0_lowered;
	s4 =	sadd.s32 s4, s6;
	[dreg:$0x0] =	wrdreg $0x0  }
0xb7: {  	s6 =	sshll.u32 s28, $0x1;
	[dreg:$0x2] =	wrdreg s4  }
0xb8: {  	[dreg:$0x3] =	wrdreg s6  }
0xb9: {  	[dreg:$0x4] =	wrdreg $0xC0  }
0xba: {  	_ =	task [dreg:s22], $0x5FFFF  }
0xbb: {  	[dreg:$0x1] =	wrdreg $0xFFFFFFFF  }
0xbc: {  	[dreg:$0x0] =	wrdreg $0x60  }
0xbd: {  	[dreg:$0x2] =	wrdreg s18  }
0xbe: {  	[dreg:$0x3] =	wrdreg s24  }
0xbf: {  	[dreg:$0x4] =	wrdreg $0xB  }
0xc0: {  	_ =	task.clear_ibuf [dreg:s22], $0x5FFFF;
	_ =	strace $0x9000004C  }
0xc1: {  	s29 =	simm.s32 $0xB;
	_ =	strace $0x8000004E  }
0xc2: {  	_ =	swait.ge [sflag:s29], $0x1  }
0xc3: {  	[sflag:s29] =	ssyncadd.s32 $0xFFFFFFFF  }
0xc4: {  	_ =	strace $0x9000004E  }
0xc5: {  	_ =	sfence  }
0xc6: {  	s30 =	sld [smem:$0x0];
	_ =	sdelay $0x2  }
0xc7: {  	s31 =	sshll.u32 s1, $0xD;
	s1 =	sshrl.u32 s1, $0x2  }
0xc8: {  	s4 =	sand.u32 $0x4000, s31;
	s1 =	sadd.s32 s1, s30  }
0xc9: {  	s0 =	sor.u32 s4, s0;
	s1 =	sshll.u32 s1, $0x11  }
0xca: {  	s0 =	sor.u32 s1, s0  }
0xcb: {  	s0 =	sadd.s32 $0x8F2B, s0  }
0xcc: {  	[sflag:s0] =	ssyncadd.remote.s32 $0x1  }
0xcd: {  	_ =	sfence.sel $0xFFFF  }
0xce: {  	[dreg:$0x0] =	wrdreg $0xFFFFFFFF;
	(pc) =	sbr.abs _section_cstart, $3  }
0xcf: {  	[dreg:$0x1] =	wrdreg $0xFFFFFFFF  }
0xd0: {  	_ =	task.clear_ibuf [dreg:s22], $0x2FFFF;
	_ =	strace $0x9FFFFFFF  }
0xd1: {  	(tm) =	ssettm $0x7FFFFFFF  }
tec
execute0_lowered:
.L_overlay_start_1:
0x0: {  	(tag) =	ssettag $0x1  }
0x1: {  	s2 =	rddreg [dreg:$0x0];
	s1 =	srdreg.scid  }
0x2: {  	s0 =	stileid.u32;
	s4 =	rddreg [dreg:$0x1];
	s3 =	simm.s32 $0x0  }
0x3: {  	s11 =	simm.s32 $0x1000;
	s12 =	simm.s32 $0x7400;
	s13 =	simm.s32 $0xD800  }
0x4: {  	s14 =	simm.s32 $0x13C00;
	s15 =	simm.s32 $0x1;
	s16 =	simm.s32 $0x2  }
0x5: {  	s17 =	simm.s32 $0x400;
	s18 =	simm.s32 $0x3;
	s19 =	simm.s32 $0x4  }
0x6: {  	s20 =	simm.s32 $0x0;
	s5 =	sand.u32 $0x1, s1;
	s1 =	rddreg [dreg:$0x2]  }
0x7: {  	s6 =	sshll.u32 s0, $0x1;
	[smem:$0x7FF] =	sst s3;
	s7 =	smul.u32 $0x1F400, s0  }
0x8: {  	s6 =	sor.u32 s5, s6;
	s8 =	ssub.s32 $0x2, s5;
	s10 =	smul.u32 $0xFA00, s5  }
0x9: {  	s6 =	smul.u32 $0x7D0, s6;
	s9 =	sshrl.u32 s8, $0x1;
	s29 =	sadd.s32 s7, s4  }
0xa: {  	_ =	strace $0x8000004D;
	s30 =	ssub.s32 s8, s9;
	s31 =	sadd.s32 s10, s29  }
0xb: {  	s8 =	simm.s32 $0x5;
	s9 =	simm.s32 $0x800;
	s6 =	sshrl.u32 s6, $0x3  }
0xc: {  	s10 =	simm.s32 $0xC8;
	s7 =	sadd.s32 $0x3FF200, s31;
	s28 =	sadd.s32 s6, s4  }
0xd: {  	s6 =	smax.u32 s30, $0x1;
	s4 =	sadd.s32 $0x3FD200, s28;
	s5 =	sadd.s32 $0x3FB200, s28  }
.LBB2_1:
0xe: {  	[tilespmem:s3], [sflag:$0x5] =	stream.linear.gather [hbm4b:s4+s3], $0x7D0, $0x38;
	[tilespmem:$0x1A000] =	vst v63  }
0xf: {  	_ =	swait.ge [sflag:s8], $0x7D0  }
0x10: {  	[sflag:s8] =	ssyncset.done $0x0  }
0x11: {  	[sflag:s8] =	ssyncadd.s32 $0xFFFFF830  }
0x12: {  	[tilespmem:s9], [sflag:$0x5] =	stream.linear.gather [hbm4b:s5+s3], $0x7D0, $0x38;
	[tilespmem:$0x1A000] =	vst v63  }
0x13: {  	_ =	swait.ge [sflag:s8], $0x7D0  }
0x14: {  	[sflag:s8] =	ssyncset.done $0x0  }
0x15: {  	s21 =	simm.s32 $0x0;
	[sflag:s8] =	ssyncadd.s32 $0xFFFFF830  }
0x16: {  	[tilespmem:s11], [sflag:$0x1] =	stream.indirect.gather [hbm4b:s2+s10], $0x80, s21, s10, $0xb8;
	[tilespmem:$0x1A000] =	vst v63  }
0x17: {  	s30 =	simm.s32 $0x800  }
0x18: {  	[tilespmem:s12], [sflag:$0x1] =	stream.indirect.gather [hbm4b:s2+s10], $0x80, s30, s10, $0xb8;
	[tilespmem:$0x1A000] =	vst v63  }
0x19: {  	_ = 	snop  }
0x1a: {  	[tilespmem:s13], [sflag:$0x2] =	stream.indirect.gather [hbm4b:s2+s10], $0x80, s10, s10, $0xb8;
	[tilespmem:$0x1A000] =	vst v63  }
0x1b: {  	s21 =	simm.s32 $0x8C8  }
0x1c: {  	[tilespmem:s14], [sflag:$0x2] =	stream.indirect.gather [hbm4b:s2+s10], $0x80, s21, s10, $0xb8;
	[tilespmem:$0x1A000] =	vst v63  }
0x1d: {  	_ =	swait.ge [sflag:s15], $0x6400  }
0x1e: {  	[sflag:s15] =	ssyncset.done $0x0  }
0x1f: {  	[sflag:s15] =	ssyncadd.s32 $0xFFFF9C00  }
0x20: {  	_ =	swait.ge [sflag:s15], $0x6400  }
0x21: {  	[sflag:s15] =	ssyncset.done $0x0  }
0x22: {  	[sflag:s15] =	ssyncadd.s32 $0xFFFF9C00  }
0x23: {  	_ =	swait.ge [sflag:s16], $0x6400  }
0x24: {  	[sflag:s16] =	ssyncset.done $0x0  }
0x25: {  	[sflag:s16] =	ssyncadd.s32 $0xFFFF9C00  }
0x26: {  	_ =	swait.ge [sflag:s16], $0x6400  }
0x27: {  	[sflag:s16] =	ssyncset.done $0x0  }
0x28: {  	s22 =	sadd.s32 $0x0, s7;
	[sflag:s16] =	ssyncadd.s32 $0xFFFF9C00  }
0x29: {  	[hbm4b:s22+s17] =	stream.strided.scatter [tilespmem:s11], [sflag:$0x3], $0x6400, s9, s17, $0x38;
	[tilespmem:$0x1A000] =	vst v63  }
0x2a: {  	s23 =	sadd.s32 $0x80, s22  }
0x2b: {  	[hbm4b:s23+s17] =	stream.strided.scatter [tilespmem:s12], [sflag:$0x3], $0x6400, s9, s17, $0x38;
	[tilespmem:$0x1A000] =	vst v63  }
0x2c: {  	s31 =	sadd.s32 $0x1900, s22  }
0x2d: {  	[hbm4b:s31+s17] =	stream.strided.scatter [tilespmem:s13], [sflag:$0x4], $0x6400, s9, s17, $0x38;
	[tilespmem:$0x1A000] =	vst v63  }
0x2e: {  	s22 =	sadd.s32 $0x1980, s22  }
0x2f: {  	[hbm4b:s22+s17] =	stream.strided.scatter [tilespmem:s14], [sflag:$0x4], $0x6400, s9, s17, $0x38;
	[tilespmem:$0x1A000] =	vst v63  }
0x30: {  	_ =	swait.ge [sflag:s18], $0x6400  }
0x31: {  	[sflag:s18] =	ssyncset.done $0x0  }
0x32: {  	[sflag:s18] =	ssyncadd.s32 $0xFFFF9C00  }
0x33: {  	_ =	swait.ge [sflag:s18], $0x6400  }
0x34: {  	[sflag:s18] =	ssyncset.done $0x0  }
0x35: {  	[sflag:s18] =	ssyncadd.s32 $0xFFFF9C00  }
0x36: {  	_ =	swait.ge [sflag:s19], $0x6400  }
0x37: {  	[sflag:s19] =	ssyncset.done $0x0  }
0x38: {  	[sflag:s19] =	ssyncadd.s32 $0xFFFF9C00  }
0x39: {  	s24 =	simm.s32 $0x6400;
	_ =	swait.ge [sflag:s19], $0x6400  }
0x3a: {  	s23 =	simm.s32 $0x258;
	s22 =	simm.s32 $0x3200;
	[sflag:s19] =	ssyncset.done $0x0  }
.LBB2_2:
0x3b: {  	s25 =	sadd.s32 $0xFFFFFF38, s23  }
0x3c: {  	[sflag:s19] =	ssyncadd.s32 $0xFFFF9C00;
	s21 =	sadd.s32 $0x190, s21;
	s26 =	smov.u32 s24  }
0x3d: {  	[tilespmem:s11], [sflag:$0x1] =	stream.indirect.gather [hbm4b:s2+s10], $0x80, s25, s10, $0xb8;
	[tilespmem:$0x1A000] =	vst v63  }
0x3e: {  	p0 =	sne.s32 s24, $0xC800;
	s24 =	sadd.s32 $0x3200, s24;
	s25 =	sadd.s32 $0xFFFFFF38, s21  }
0x3f: {  	[tilespmem:s12], [sflag:$0x1] =	stream.indirect.gather [hbm4b:s2+s10], $0x80, s25, s10, $0xb8;
	[tilespmem:$0x1A000] =	vst v63  }
0x40: {  	_ = 	snop  }
0x41: {  	[tilespmem:s13], [sflag:$0x2] =	stream.indirect.gather [hbm4b:s2+s10], $0x80, s23, s10, $0xb8;
	[tilespmem:$0x1A000] =	vst v63  }
0x42: {  	_ = 	snop  }
0x43: {  	[tilespmem:s14], [sflag:$0x2] =	stream.indirect.gather [hbm4b:s2+s10], $0x80, s21, s10, $0xb8;
	[tilespmem:$0x1A000] =	vst v63  }
0x44: {  	_ =	swait.ge [sflag:s15], $0x6400  }
0x45: {  	[sflag:s15] =	ssyncset.done $0x0  }
0x46: {  	[sflag:s15] =	ssyncadd.s32 $0xFFFF9C00  }
0x47: {  	_ =	swait.ge [sflag:s15], $0x6400  }
0x48: {  	[sflag:s15] =	ssyncset.done $0x0  }
0x49: {  	[sflag:s15] =	ssyncadd.s32 $0xFFFF9C00  }
0x4a: {  	_ =	swait.ge [sflag:s16], $0x6400  }
0x4b: {  	[sflag:s16] =	ssyncset.done $0x0  }
0x4c: {  	[sflag:s16] =	ssyncadd.s32 $0xFFFF9C00  }
0x4d: {  	_ =	swait.ge [sflag:s16], $0x6400  }
0x4e: {  	[sflag:s16] =	ssyncset.done $0x0  }
0x4f: {  	s25 =	sadd.s32 s22, s7;
	s22 =	smov.u32 s26;
	[sflag:s16] =	ssyncadd.s32 $0xFFFF9C00  }
0x50: {  	[hbm4b:s25+s17] =	stream.strided.scatter [tilespmem:s11], [sflag:$0x3], $0x6400, s9, s17, $0x38;
	[tilespmem:$0x1A000] =	vst v63  }
0x51: {  	s26 =	sadd.s32 $0x80, s25  }
0x52: {  	[hbm4b:s26+s17] =	stream.strided.scatter [tilespmem:s12], [sflag:$0x3], $0x6400, s9, s17, $0x38;
	[tilespmem:$0x1A000] =	vst v63  }
0x53: {  	s26 =	sadd.s32 $0x1900, s25  }
0x54: {  	[hbm4b:s26+s17] =	stream.strided.scatter [tilespmem:s13], [sflag:$0x4], $0x6400, s9, s17, $0x38;
	[tilespmem:$0x1A000] =	vst v63  }
0x55: {  	s25 =	sadd.s32 $0x1980, s25  }
0x56: {  	[hbm4b:s25+s17] =	stream.strided.scatter [tilespmem:s14], [sflag:$0x4], $0x6400, s9, s17, $0x38;
	[tilespmem:$0x1A000] =	vst v63  }
0x57: {  	_ =	swait.ge [sflag:s18], $0x6400  }
0x58: {  	[sflag:s18] =	ssyncset.done $0x0  }
0x59: {  	[sflag:s18] =	ssyncadd.s32 $0xFFFF9C00  }
0x5a: {  	_ =	swait.ge [sflag:s18], $0x6400  }
0x5b: {  	[sflag:s18] =	ssyncset.done $0x0  }
0x5c: {  	[sflag:s18] =	ssyncadd.s32 $0xFFFF9C00  }
.Ltmp0:
0x5d: {  	_ =	swait.ge [sflag:s19], $0x6400;
	(pc) =	sbr.rel @p0 .LBB2_2-.Ltmp0, $4  }
0x5e: {  	[sflag:s19] =	ssyncset.done $0x0  }
0x5f: {  	[sflag:s19] =	ssyncadd.s32 $0xFFFF9C00  }
0x60: {  	_ =	swait.ge [sflag:s19], $0x6400  }
0x61: {  	s23 =	sadd.s32 $0x190, s23;
	[sflag:s19] =	ssyncset.done $0x0  }
0x62: {  	s24 =	sadd.s32 $0xFFFFFF38, s23;
	[sflag:s19] =	ssyncadd.s32 $0xFFFF9C00;
	s21 =	sadd.s32 $0x190, s21  }
0x63: {  	[tilespmem:s11], [sflag:$0x1] =	stream.indirect.gather [hbm4b:s2+s10], $0x80, s24, s10, $0xb8;
	[tilespmem:$0x1A000] =	vst v63  }
0x64: {  	s29 =	sadd.s32 $0xFFFFFF38, s21  }
0x65: {  	[tilespmem:s12], [sflag:$0x1] =	stream.indirect.gather [hbm4b:s2+s10], $0x80, s29, s10, $0xb8;
	[tilespmem:$0x1A000] =	vst v63  }
0x66: {  	_ = 	snop  }
0x67: {  	[tilespmem:s13], [sflag:$0x2] =	stream.indirect.gather [hbm4b:s2+s10], $0x80, s23, s10, $0xb8;
	[tilespmem:$0x1A000] =	vst v63  }
0x68: {  	_ = 	snop  }
0x69: {  	[tilespmem:s14], [sflag:$0x2] =	stream.indirect.gather [hbm4b:s2+s10], $0x80, s21, s10, $0xb8;
	[tilespmem:$0x1A000] =	vst v63  }
0x6a: {  	_ =	swait.ge [sflag:s15], $0x6400  }
0x6b: {  	[sflag:s15] =	ssyncset.done $0x0  }
0x6c: {  	[sflag:s15] =	ssyncadd.s32 $0xFFFF9C00  }
0x6d: {  	_ =	swait.ge [sflag:s15], $0x6400  }
0x6e: {  	[sflag:s15] =	ssyncset.done $0x0  }
0x6f: {  	[sflag:s15] =	ssyncadd.s32 $0xFFFF9C00  }
0x70: {  	_ =	swait.ge [sflag:s16], $0x6400  }
0x71: {  	[sflag:s16] =	ssyncset.done $0x0  }
0x72: {  	[sflag:s16] =	ssyncadd.s32 $0xFFFF9C00  }
0x73: {  	_ =	swait.ge [sflag:s16], $0x6400  }
0x74: {  	[sflag:s16] =	ssyncset.done $0x0  }
0x75: {  	s30 =	sadd.s32 s22, s7;
	[sflag:s16] =	ssyncadd.s32 $0xFFFF9C00  }
0x76: {  	[hbm4b:s30+s17] =	stream.strided.scatter [tilespmem:s11], [sflag:$0x3], $0x6400, s9, s17, $0x38;
	[tilespmem:$0x1A000] =	vst v63  }
0x77: {  	s22 =	sadd.s32 $0x80, s30  }
0x78: {  	[hbm4b:s22+s17] =	stream.strided.scatter [tilespmem:s12], [sflag:$0x3], $0x6400, s9, s17, $0x38;
	[tilespmem:$0x1A000] =	vst v63  }
0x79: {  	s31 =	sadd.s32 $0x1900, s30  }
0x7a: {  	[hbm4b:s31+s17] =	stream.strided.scatter [tilespmem:s13], [sflag:$0x4], $0x6400, s9, s17, $0x38;
	[tilespmem:$0x1A000] =	vst v63  }
0x7b: {  	s21 =	sadd.s32 $0x1980, s30  }
0x7c: {  	[hbm4b:s21+s17] =	stream.strided.scatter [tilespmem:s14], [sflag:$0x4], $0x6400, s9, s17, $0x38;
	[tilespmem:$0x1A000] =	vst v63  }
0x7d: {  	_ =	swait.ge [sflag:s18], $0x6400  }
0x7e: {  	[sflag:s18] =	ssyncset.done $0x0  }
0x7f: {  	[sflag:s18] =	ssyncadd.s32 $0xFFFF9C00  }
0x80: {  	_ =	swait.ge [sflag:s18], $0x6400  }
0x81: {  	[sflag:s18] =	ssyncset.done $0x0  }
0x82: {  	s20 =	sadd.s32 $0x1, s20;
	[sflag:s18] =	ssyncadd.s32 $0xFFFF9C00  }
0x83: {  	p0 =	sne.s32 s20, s6;
	_ =	swait.ge [sflag:s19], $0x6400  }
.Ltmp1:
0x84: {  	[sflag:s19] =	ssyncset.done $0x0;
	(pc) =	sbr.rel @p0 .LBB2_1-.Ltmp1, $4  }
0x85: {  	[sflag:s19] =	ssyncadd.s32 $0xFFFF9C00  }
0x86: {  	_ =	swait.ge [sflag:s19], $0x6400  }
0x87: {  	[sflag:s19] =	ssyncset.done $0x0  }
0x88: {  	[sflag:s19] =	ssyncadd.s32 $0xFFFF9C00  }
0x89: {  	_ =	sfence.sel $0x180000  }
0x8a: {  	[bflag:$0x0] =	sbarrier.arrive $0xFFFF  }
0x8b: {  	p0 =	sne.s32 s0, $0x0;
	_ =	strace $0x9000004D  }
0x8c: {  	s0 =	sadd.s32 @!p0 $0x100000, s1;
	[bflag:$0x2] =	sbarrier.arrive $0xFFFF  }
0x8d: {  	[sflag:s0] =	ssyncadd.tile.s32 @!p0 $0x1;
	_ =	shalt  }
.Lfunc_end2:
_tile_overlayer_lowered:
.L_overlay_start_2:
0x8e: {  	(tag) =	ssettag $0x2  }
0x8f: {  	s0 =	rddreg [dreg:$0x0];
	s2 =	stileid.u32  }
0x90: {  	s1 =	rddreg [dreg:$0x1];
	p0 =	sne.s32 s2, $0x0  }
0x91: {  	s3 =	rddreg [dreg:$0x2];
	[bflag:$0x3] =	sbarrier.arrive $0xFFFF;
	s2 =	simm.s32 @!p0 $0x1C05  }
0x92: {  	[timem:s3], [sflag:s2] =	dma.local @!p0 [hbm:s0], s1  }
0x93: {  	s0 =	simm.s32 @!p0 $0x5  }
0x94: {  	_ =	swait.ge @!p0 [sflag:s0], s1  }
0x95: {  	s1 =	ssub.s32 @!p0 $0x0, s1;
	[sflag:s0] =	ssyncset.done @!p0 $0x0  }
0x96: {  	[sflag:s0] =	ssyncadd.s32 @!p0 s1  }
0x97: {  	[bflag:$0x3] =	sbarrier.arrive $0xFFFF  }
0x98: {  	_ =	shalt  }

// kernel: kernel.18.cloned.1.call-start
scs
__scs_entry_jumppad:
0x0: {  	(pc) =	sbr.rel $0x88, $3  }
0x1: {  	(tag) =	ssettag $0x0;
	lr =	simm.s32 $0x1  }
0x2: {  	[smem:$0x3F93] =	sst lr;
	_ =	strace $0xD0000000  }
0x3: {  	_ = 	snop  }
0x4: {  	_ = 	snop  }
0x5: {  	_ = 	snop  }
0x6: {  	_ = 	snop  }
0x7: {  	_ = 	snop  }
__scs_overlays_trampoline_lowered:
0x8: {  	[smem:$0x3FA2] =	sst s0  }
0x9: {  	[smem:$0x3FA3] =	sst s1  }
0xa: {  	[smem:$0x3FA4] =	sst s2  }
0xb: {  	[smem:$0x3FA5] =	sst s3  }
0xc: {  	[smem:$0x3FA6] =	sst s4  }
0xd: {  	[smem:$0x3FA7] =	sst s5  }
0xe: {  	[smem:$0x3FA8] =	sst s6  }
0xf: {  	[smem:$0x3FA9] =	sst s7  }
0x10: {  	[smem:$0x3FAA] =	sst s8  }
0x11: {  	[smem:$0x3FAB] =	sst s9;
	s0 =	simm.s32 @!p0 $0x0  }
0x12: {  	s1 =	sld [smem:$0x3F91];
	s0 =	simm.s32 @p0 $0x1  }
0x13: {  	[smem:$0x3FAC] =	sst s0;
	s0 =	simm.s32 @!p1 $0x0  }
0x14: {  	s2 =	sld [smem:$0x3F90];
	s0 =	simm.s32 @p1 $0x1  }
0x15: {  	[smem:$0x3FAD] =	sst s0;
	s0 =	simm.s32 @!p2 $0x0  }
0x16: {  	s3 =	sld [smem:$0x3FDB];
	s0 =	simm.s32 @p2 $0x1  }
0x17: {  	s4 =	simm.s32 $0x1BF5;
	[smem:$0x3FAF] =	sst s0  }
0x18: {  	s0 =	sld [smem:$0x3F92];
	_ =	swait.ge [sflag:s4], $0x0  }
0x19: {  	s7 =	sld [smem:$0x3F93]  }
0x1a: {  	s8 =	sadd.s32 $0xFFFFE003, lr  }
0x1b: {  	s9 =	sadd.s32 $0xFFFFFEF7, lr;
	s5 =	simm.s32 $0xFFFFFFFF;
	p2 =	slt.u32 s8, $0xFFFFF086  }
0x1c: {  	p1 =	slt.u32 s9, $0xF7A;
	s5 =	simm.s32 @!p2 $0x0  }
0x1d: {  	s5 =	simm.s32 @p1 $0x1;
	p0 =	seq.s32 s7, s2  }
0x1e: {  	s7 =	smul.u32 @!p0 $0xF7A, s2;
	p2 =	seq.s32 @!p0 s5, $0x0  }
0x1f: {  	s9 =	smul.u32 $0xF7A, s1;
	s8 =	simm.s32 @!p0 $0x1BF5;
	p2 =	por !p2, p0  }
0x20: {  	[sflag:s8] =	ssyncset.s32 @!p0 $0xFFFFF086;
	s6 =	sadd.s32 @!p0 s3, s7;
	s7 =	simm.s32 @!p0 $0x108  }
0x21: {  	s3 =	sadd.s32 s3, s9;
	s6 =	sadd.s32 @!p0 $0x88, s6;
	s7 =	simm.s32 @p2 $0x1082  }
0x22: {  	[simem:s7], [sflag:s8] =	dma.local @!p0 [hbm:s6], $0xF7A  }
0x23: {  	s9 =	sor.u32 $0xD0000000, s2;
	s6 =	simm.s32 $0x108;
	_ =	swait.ge @!p0 [sflag:s8], $0x0  }
0x24: {  	s3 =	sadd.s32 $0x88, s3;
	s6 =	simm.s32 @!p1 $0x1082;
	[sflag:s4] =	ssyncset.s32 $0xFFFFF086  }
0x25: {  	[simem:s6], [sflag:s4] =	dma.local [hbm:s3], $0xF7A  }
0x26: {  	[smem:$0x3F93] =	sst s1;
	(tag) =	ssettag s2;
	_ =	strace s9  }
0x27: {  	s1 =	sld [smem:$0x3FA3]  }
0x28: {  	s2 =	sld [smem:$0x3FA4]  }
0x29: {  	s4 =	sld [smem:$0x3FA6]  }
0x2a: {  	p0 =	seq.s32 s5, $0x0;
	s5 =	sld [smem:$0x3FA7]  }
0x2b: {  	s6 =	sld [smem:$0x3FA8]  }
0x2c: {  	s7 =	sld [smem:$0x3FA9]  }
0x2d: {  	s3 =	simm.s32 $0x108;
	s8 =	sld [smem:$0x3FAA]  }
0x2e: {  	s3 =	simm.s32 @!p0 $0x1082;
	s9 =	sld [smem:$0x3FAB]  }
0x2f: {  	lr =	sadd.s32 s0, s3;
	s0 =	sld [smem:$0x3FA2]  }
0x30: {  	s3 =	sld [smem:$0x3FA5]  }
0x31: {  	[smem:$0x3FAE] =	sst s10  }
0x32: {  	s10 =	sld [smem:$0x3FAC];
	_ =	sdelay $0x3  }
0x33: {  	p0 =	seq.s32 s10, $0x1;
	s10 =	sld [smem:$0x3FAE];
	_ =	sdelay $0x3  }
0x34: {  	[smem:$0x3FAE] =	sst s10  }
0x35: {  	s10 =	sld [smem:$0x3FAD];
	_ =	sdelay $0x3  }
0x36: {  	p1 =	seq.s32 s10, $0x1;
	s10 =	sld [smem:$0x3FAE];
	_ =	sdelay $0x3  }
0x37: {  	[smem:$0x3FAE] =	sst s10  }
0x38: {  	s10 =	sld [smem:$0x3FAF]  }
0x39: {  	_ = 	snop;
	(pc) =	sbr.ind lr, $3  }
0x3a: {  	_ = 	snop  }
0x3b: {  	_ = 	snop  }
0x3c: {  	p2 =	seq.s32 s10, $0x1;
	s10 =	sld [smem:$0x3FAE]  }
0x3d: {  	_ =	shalt  }
0x3e: {  	_ =	shalt  }
0x3f: {  	_ =	shalt  }
0x40: {  	_ =	shalt  }
0x41: {  	_ =	shalt  }
0x42: {  	_ =	shalt  }
0x43: {  	_ =	shalt  }
0x44: {  	_ =	shalt  }
0x45: {  	_ =	shalt  }
0x46: {  	_ =	shalt  }
0x47: {  	_ =	shalt  }
0x48: {  	_ =	shalt  }
0x49: {  	_ =	shalt  }
0x4a: {  	_ =	shalt  }
0x4b: {  	_ =	shalt  }
0x4c: {  	_ =	shalt  }
0x4d: {  	_ =	shalt  }
0x4e: {  	_ =	shalt  }
0x4f: {  	_ =	shalt  }
0x50: {  	_ =	shalt  }
0x51: {  	_ =	shalt  }
0x52: {  	_ =	shalt  }
0x53: {  	_ =	shalt  }
0x54: {  	_ =	shalt  }
0x55: {  	_ =	shalt  }
0x56: {  	_ =	shalt  }
0x57: {  	_ =	shalt  }
0x58: {  	_ =	shalt  }
0x59: {  	_ =	shalt  }
0x5a: {  	_ =	shalt  }
0x5b: {  	_ =	shalt  }
0x5c: {  	_ =	shalt  }
0x5d: {  	_ =	shalt  }
0x5e: {  	_ =	shalt  }
0x5f: {  	_ =	shalt  }
0x60: {  	_ =	shalt  }
0x61: {  	_ =	shalt  }
0x62: {  	_ =	shalt  }
0x63: {  	_ =	shalt  }
0x64: {  	_ =	shalt  }
0x65: {  	_ =	shalt  }
0x66: {  	_ =	shalt  }
0x67: {  	_ =	shalt  }
0x68: {  	_ =	shalt  }
0x69: {  	_ =	shalt  }
0x6a: {  	_ =	shalt  }
0x6b: {  	_ =	shalt  }
0x6c: {  	_ =	shalt  }
0x6d: {  	_ =	shalt  }
0x6e: {  	_ =	shalt  }
0x6f: {  	_ =	shalt  }
0x70: {  	_ =	shalt  }
0x71: {  	_ =	shalt  }
0x72: {  	_ =	shalt  }
0x73: {  	_ =	shalt  }
0x74: {  	_ =	shalt  }
0x75: {  	_ =	shalt  }
0x76: {  	_ =	shalt  }
0x77: {  	_ =	shalt  }
0x78: {  	_ =	shalt  }
0x79: {  	_ =	shalt  }
0x7a: {  	_ =	shalt  }
0x7b: {  	_ =	shalt  }
0x7c: {  	_ =	shalt  }
0x7d: {  	_ =	shalt  }
0x7e: {  	_ =	shalt  }
0x7f: {  	_ =	shalt  }
0x80: {  	_ =	shalt  }
0x81: {  	_ =	shalt  }
0x82: {  	_ =	shalt  }
0x83: {  	_ =	shalt  }
0x84: {  	_ =	shalt  }
0x85: {  	_ =	shalt  }
0x86: {  	_ =	shalt  }
0x87: {  	_ =	shalt  }
.Lfunc_end0:
.L_simem_size_0:
called_computation.1_lowered:
.L_overlay_start_0:
0x88: {  	s2 =	sld [smem:$0x3FD9]  }
0x89: {  	s3 =	sld [smem:$0x3FFE];
	_ =	sdelay $0x1  }
0x8a: {  	s1 =	srdreg.scid  }
0x8b: {  	s0 =	sand.u32 $0x1, s1  }
0x8c: {  	s17 =	sshll.u32 s0, $0xA;
	s2 =	sadd.s32 s3, s2  }
0x8d: {  	s2 =	sadd.s32 s2, s17  }
0x8e: {  	[smem:$0x3FBA] =	sst s2  }
0x8f: {  	_ = 	snop  }
0x90: {  	s2 =	sld [smem:$0x3FC9];
	(tm) =	ssettm $0x1  }
0x91: {  	s18 =	sld [smem:$0x3FFB];
	_ =	sdelay $0x3  }
0x92: {  	_ =	strace s18  }
0x93: {  	s3 =	sld [smem:$0x3FFC];
	_ =	sdelay $0x3  }
0x94: {  	_ =	strace s3  }
0x95: {  	s3 =	sld [smem:$0x3FFD];
	_ =	sdelay $0x3  }
0x96: {  	_ =	strace s3  }
0x97: {  	_ =	strace $0x8FFFFFFF  }
0x98: {  	s19 =	sld [smem:$0x3FDB];
	_ =	sdelay $0x1  }
0x99: {  	s4 =	simm.s32 $_scs_section_size  }
0x9a: {  	s5 =	simm.s32 $_size__tile_overlayer_lowered;
	s6 =	simm.s32 $_tile_overlayer_lowered  }
0x9b: {  	s22 =	simm.s32 $0x1BFF;
	s21 =	sshll.u32 s6, $0x1;
	s3 =	sadd.s32 s4, s19  }
0x9c: {  	s7 =	simm.s32 $0x0;
	s20 =	sshll.u32 s5, $0x1;
	s5 =	sadd.s32 s21, s3  }
0x9d: {  	[timem:s7], [sflag:s22] =	dma.local [hbm:s5], s20  }
0x9e: {  	_ =	swait.ge [sflag:s22], s20  }
0x9f: {  	s4 =	ssub.s32 $0x0, s20;
	[sflag:s22] =	ssyncset.done $0x0  }
0xa0: {  	[sflag:s22] =	ssyncadd.s32 s4;
	_ =	sdelay $0x1  }
0xa1: {  	s23 =	simm.s32 $0x1B8B  }
0xa2: {  	_ =	swait.ge [sflag:s23], $0x1  }
0xa3: {  	[sflag:s23] =	ssyncset.done $0x0  }
0xa4: {  	s25 =	simm.s32 $0x1B8E;
	s24 =	sld [smem:$0x3FFE];
	[sflag:s23] =	ssyncadd.s32 $0xFFFFFFFF  }
0xa5: {  	s26 =	simm.s32 $execute0_lowered;
	[smem:$0x3FD2] =	sst s25  }
0xa6: {  	s5 =	sshll.u32 s26, $0x1;
	_ =	strace $0x80000046;
	[dreg:$0x1] =	wrdreg $0xFFFFFFFF  }
0xa7: {  	s28 =	simm.s32 $_size_execute0_lowered;
	s3 =	sadd.s32 s3, s5;
	[dreg:$0x0] =	wrdreg $0x0  }
0xa8: {  	s5 =	sshll.u32 s28, $0x1;
	[dreg:$0x2] =	wrdreg s3  }
0xa9: {  	[dreg:$0x3] =	wrdreg s5  }
0xaa: {  	[dreg:$0x4] =	wrdreg $0xC0  }
0xab: {  	_ =	task [dreg:s7], $0x5FFFF  }
0xac: {  	[dreg:$0x1] =	wrdreg $0xFFFFFFFF  }
0xad: {  	[dreg:$0x0] =	wrdreg $0x60  }
0xae: {  	[dreg:$0x2] =	wrdreg s2  }
0xaf: {  	[dreg:$0x3] =	wrdreg s24  }
0xb0: {  	[dreg:$0x4] =	wrdreg $0xC  }
0xb1: {  	_ =	task.clear_ibuf [dreg:s7], $0x5FFFF;
	_ =	strace $0x90000046  }
0xb2: {  	s29 =	simm.s32 $0xC;
	_ =	strace $0x80000048  }
0xb3: {  	_ =	swait.ge [sflag:s29], $0x1  }
0xb4: {  	[sflag:s29] =	ssyncadd.s32 $0xFFFFFFFF  }
0xb5: {  	_ =	strace $0x90000048  }
0xb6: {  	_ =	sfence  }
0xb7: {  	s30 =	sld [smem:$0x0];
	_ =	sdelay $0x2  }
0xb8: {  	s31 =	sshll.u32 s1, $0xD;
	s1 =	sshrl.u32 s1, $0x2  }
0xb9: {  	s3 =	sand.u32 $0x4000, s31;
	s1 =	sadd.s32 s1, s30  }
0xba: {  	s0 =	sor.u32 s3, s0;
	s1 =	sshll.u32 s1, $0x11  }
0xbb: {  	s0 =	sor.u32 s1, s0  }
0xbc: {  	s0 =	sadd.s32 $0x8F2B, s0  }
0xbd: {  	[sflag:s0] =	ssyncadd.remote.s32 $0x1  }
0xbe: {  	_ =	sfence.sel $0xFFFF  }
0xbf: {  	[dreg:$0x0] =	wrdreg $0xFFFFFFFF;
	(pc) =	sbr.abs _section_cstart, $3  }
0xc0: {  	[dreg:$0x1] =	wrdreg $0xFFFFFFFF  }
0xc1: {  	_ =	task.clear_ibuf [dreg:s7], $0x2FFFF;
	_ =	strace $0x9FFFFFFF  }
0xc2: {  	(tm) =	ssettm $0x7FFFFFFF  }
0xc3: {  	_ =	shalt  }
tec
execute0_lowered:
.L_overlay_start_1:
0x0: {  	(tag) =	ssettag $0x1  }
0x1: {  	s2 =	rddreg [dreg:$0x0];
	s1 =	srdreg.scid  }
0x2: {  	s0 =	stileid.u32;
	s4 =	rddreg [dreg:$0x1];
	s3 =	simm.s32 $0x0  }
0x3: {  	s11 =	simm.s32 $0x1000;
	s12 =	simm.s32 $0x7400;
	s13 =	simm.s32 $0xD800  }
0x4: {  	s14 =	simm.s32 $0x13C00;
	s15 =	simm.s32 $0x1;
	s16 =	simm.s32 $0x2  }
0x5: {  	s17 =	simm.s32 $0x400;
	s18 =	simm.s32 $0x3;
	s19 =	simm.s32 $0x4  }
0x6: {  	s20 =	simm.s32 $0x0;
	s5 =	sand.u32 $0x1, s1;
	s1 =	rddreg [dreg:$0x2]  }
0x7: {  	s6 =	sshll.u32 s0, $0x1;
	[smem:$0x7FF] =	sst s3;
	s7 =	smul.u32 $0x1F400, s0  }
0x8: {  	s6 =	sor.u32 s5, s6;
	s8 =	ssub.s32 $0x2, s5;
	s10 =	smul.u32 $0xFA00, s5  }
0x9: {  	s6 =	smul.u32 $0x7D0, s6;
	s9 =	sshrl.u32 s8, $0x1;
	s29 =	sadd.s32 s7, s4  }
0xa: {  	_ =	strace $0x80000047;
	s30 =	ssub.s32 s8, s9;
	s31 =	sadd.s32 s10, s29  }
0xb: {  	s8 =	simm.s32 $0x5;
	s9 =	simm.s32 $0x800;
	s6 =	sshrl.u32 s6, $0x3  }
0xc: {  	s10 =	simm.s32 $0xC8;
	s7 =	sadd.s32 $0x13200, s31;
	s28 =	sadd.s32 s6, s4  }
0xd: {  	s6 =	smax.u32 s30, $0x1;
	s4 =	sadd.s32 $0x5200, s28;
	s5 =	sadd.s32 $0x3200, s28  }
.LBB2_1:
0xe: {  	[tilespmem:s3], [sflag:$0x5] =	stream.linear.gather [hbm4b:s4+s3], $0x7D0, $0x38;
	[tilespmem:$0x1A000] =	vst v63  }
0xf: {  	_ =	swait.ge [sflag:s8], $0x7D0  }
0x10: {  	[sflag:s8] =	ssyncset.done $0x0  }
0x11: {  	[sflag:s8] =	ssyncadd.s32 $0xFFFFF830  }
0x12: {  	[tilespmem:s9], [sflag:$0x5] =	stream.linear.gather [hbm4b:s5+s3], $0x7D0, $0x38;
	[tilespmem:$0x1A000] =	vst v63  }
0x13: {  	_ =	swait.ge [sflag:s8], $0x7D0  }
0x14: {  	[sflag:s8] =	ssyncset.done $0x0  }
0x15: {  	s21 =	simm.s32 $0x0;
	[sflag:s8] =	ssyncadd.s32 $0xFFFFF830  }
0x16: {  	[tilespmem:s11], [sflag:$0x1] =	stream.indirect.gather [hbm4b:s2+s10], $0x80, s21, s10, $0xb8;
	[tilespmem:$0x1A000] =	vst v63  }
0x17: {  	s30 =	simm.s32 $0x800  }
0x18: {  	[tilespmem:s12], [sflag:$0x1] =	stream.indirect.gather [hbm4b:s2+s10], $0x80, s30, s10, $0xb8;
	[tilespmem:$0x1A000] =	vst v63  }
0x19: {  	_ = 	snop  }
0x1a: {  	[tilespmem:s13], [sflag:$0x2] =	stream.indirect.gather [hbm4b:s2+s10], $0x80, s10, s10, $0xb8;
	[tilespmem:$0x1A000] =	vst v63  }
0x1b: {  	s21 =	simm.s32 $0x8C8  }
0x1c: {  	[tilespmem:s14], [sflag:$0x2] =	stream.indirect.gather [hbm4b:s2+s10], $0x80, s21, s10, $0xb8;
	[tilespmem:$0x1A000] =	vst v63  }
0x1d: {  	_ =	swait.ge [sflag:s15], $0x6400  }
0x1e: {  	[sflag:s15] =	ssyncset.done $0x0  }
0x1f: {  	[sflag:s15] =	ssyncadd.s32 $0xFFFF9C00  }
0x20: {  	_ =	swait.ge [sflag:s15], $0x6400  }
0x21: {  	[sflag:s15] =	ssyncset.done $0x0  }
0x22: {  	[sflag:s15] =	ssyncadd.s32 $0xFFFF9C00  }
0x23: {  	_ =	swait.ge [sflag:s16], $0x6400  }
0x24: {  	[sflag:s16] =	ssyncset.done $0x0  }
0x25: {  	[sflag:s16] =	ssyncadd.s32 $0xFFFF9C00  }
0x26: {  	_ =	swait.ge [sflag:s16], $0x6400  }
0x27: {  	[sflag:s16] =	ssyncset.done $0x0  }
0x28: {  	s22 =	sadd.s32 $0x0, s7;
	[sflag:s16] =	ssyncadd.s32 $0xFFFF9C00  }
0x29: {  	[hbm4b:s22+s17] =	stream.strided.scatter [tilespmem:s11], [sflag:$0x3], $0x6400, s9, s17, $0x38;
	[tilespmem:$0x1A000] =	vst v63  }
0x2a: {  	s23 =	sadd.s32 $0x80, s22  }
0x2b: {  	[hbm4b:s23+s17] =	stream.strided.scatter [tilespmem:s12], [sflag:$0x3], $0x6400, s9, s17, $0x38;
	[tilespmem:$0x1A000] =	vst v63  }
0x2c: {  	s31 =	sadd.s32 $0x1900, s22  }
0x2d: {  	[hbm4b:s31+s17] =	stream.strided.scatter [tilespmem:s13], [sflag:$0x4], $0x6400, s9, s17, $0x38;
	[tilespmem:$0x1A000] =	vst v63  }
0x2e: {  	s22 =	sadd.s32 $0x1980, s22  }
0x2f: {  	[hbm4b:s22+s17] =	stream.strided.scatter [tilespmem:s14], [sflag:$0x4], $0x6400, s9, s17, $0x38;
	[tilespmem:$0x1A000] =	vst v63  }
0x30: {  	_ =	swait.ge [sflag:s18], $0x6400  }
0x31: {  	[sflag:s18] =	ssyncset.done $0x0  }
0x32: {  	[sflag:s18] =	ssyncadd.s32 $0xFFFF9C00  }
0x33: {  	_ =	swait.ge [sflag:s18], $0x6400  }
0x34: {  	[sflag:s18] =	ssyncset.done $0x0  }
0x35: {  	[sflag:s18] =	ssyncadd.s32 $0xFFFF9C00  }
0x36: {  	_ =	swait.ge [sflag:s19], $0x6400  }
0x37: {  	[sflag:s19] =	ssyncset.done $0x0  }
0x38: {  	[sflag:s19] =	ssyncadd.s32 $0xFFFF9C00  }
0x39: {  	s24 =	simm.s32 $0x6400;
	_ =	swait.ge [sflag:s19], $0x6400  }
0x3a: {  	s23 =	simm.s32 $0x258;
	s22 =	simm.s32 $0x3200;
	[sflag:s19] =	ssyncset.done $0x0  }
.LBB2_2:
0x3b: {  	s25 =	sadd.s32 $0xFFFFFF38, s23  }
0x3c: {  	[sflag:s19] =	ssyncadd.s32 $0xFFFF9C00;
	s21 =	sadd.s32 $0x190, s21;
	s26 =	smov.u32 s24  }
0x3d: {  	[tilespmem:s11], [sflag:$0x1] =	stream.indirect.gather [hbm4b:s2+s10], $0x80, s25, s10, $0xb8;
	[tilespmem:$0x1A000] =	vst v63  }
0x3e: {  	p0 =	sne.s32 s24, $0xC800;
	s24 =	sadd.s32 $0x3200, s24;
	s25 =	sadd.s32 $0xFFFFFF38, s21  }
0x3f: {  	[tilespmem:s12], [sflag:$0x1] =	stream.indirect.gather [hbm4b:s2+s10], $0x80, s25, s10, $0xb8;
	[tilespmem:$0x1A000] =	vst v63  }
0x40: {  	_ = 	snop  }
0x41: {  	[tilespmem:s13], [sflag:$0x2] =	stream.indirect.gather [hbm4b:s2+s10], $0x80, s23, s10, $0xb8;
	[tilespmem:$0x1A000] =	vst v63  }
0x42: {  	_ = 	snop  }
0x43: {  	[tilespmem:s14], [sflag:$0x2] =	stream.indirect.gather [hbm4b:s2+s10], $0x80, s21, s10, $0xb8;
	[tilespmem:$0x1A000] =	vst v63  }
0x44: {  	_ =	swait.ge [sflag:s15], $0x6400  }
0x45: {  	[sflag:s15] =	ssyncset.done $0x0  }
0x46: {  	[sflag:s15] =	ssyncadd.s32 $0xFFFF9C00  }
0x47: {  	_ =	swait.ge [sflag:s15], $0x6400  }
0x48: {  	[sflag:s15] =	ssyncset.done $0x0  }
0x49: {  	[sflag:s15] =	ssyncadd.s32 $0xFFFF9C00  }
0x4a: {  	_ =	swait.ge [sflag:s16], $0x6400  }
0x4b: {  	[sflag:s16] =	ssyncset.done $0x0  }
0x4c: {  	[sflag:s16] =	ssyncadd.s32 $0xFFFF9C00  }
0x4d: {  	_ =	swait.ge [sflag:s16], $0x6400  }
0x4e: {  	[sflag:s16] =	ssyncset.done $0x0  }
0x4f: {  	s25 =	sadd.s32 s22, s7;
	s22 =	smov.u32 s26;
	[sflag:s16] =	ssyncadd.s32 $0xFFFF9C00  }
0x50: {  	[hbm4b:s25+s17] =	stream.strided.scatter [tilespmem:s11], [sflag:$0x3], $0x6400, s9, s17, $0x38;
	[tilespmem:$0x1A000] =	vst v63  }
0x51: {  	s26 =	sadd.s32 $0x80, s25  }
0x52: {  	[hbm4b:s26+s17] =	stream.strided.scatter [tilespmem:s12], [sflag:$0x3], $0x6400, s9, s17, $0x38;
	[tilespmem:$0x1A000] =	vst v63  }
0x53: {  	s26 =	sadd.s32 $0x1900, s25  }
0x54: {  	[hbm4b:s26+s17] =	stream.strided.scatter [tilespmem:s13], [sflag:$0x4], $0x6400, s9, s17, $0x38;
	[tilespmem:$0x1A000] =	vst v63  }
0x55: {  	s25 =	sadd.s32 $0x1980, s25  }
0x56: {  	[hbm4b:s25+s17] =	stream.strided.scatter [tilespmem:s14], [sflag:$0x4], $0x6400, s9, s17, $0x38;
	[tilespmem:$0x1A000] =	vst v63  }
0x57: {  	_ =	swait.ge [sflag:s18], $0x6400  }
0x58: {  	[sflag:s18] =	ssyncset.done $0x0  }
0x59: {  	[sflag:s18] =	ssyncadd.s32 $0xFFFF9C00  }
0x5a: {  	_ =	swait.ge [sflag:s18], $0x6400  }
0x5b: {  	[sflag:s18] =	ssyncset.done $0x0  }
0x5c: {  	[sflag:s18] =	ssyncadd.s32 $0xFFFF9C00  }
.Ltmp0:
0x5d: {  	_ =	swait.ge [sflag:s19], $0x6400;
	(pc) =	sbr.rel @p0 .LBB2_2-.Ltmp0, $4  }
0x5e: {  	[sflag:s19] =	ssyncset.done $0x0  }
0x5f: {  	[sflag:s19] =	ssyncadd.s32 $0xFFFF9C00  }
0x60: {  	_ =	swait.ge [sflag:s19], $0x6400  }
0x61: {  	s23 =	sadd.s32 $0x190, s23;
	[sflag:s19] =	ssyncset.done $0x0  }
0x62: {  	s24 =	sadd.s32 $0xFFFFFF38, s23;
	[sflag:s19] =	ssyncadd.s32 $0xFFFF9C00;
	s21 =	sadd.s32 $0x190, s21  }
0x63: {  	[tilespmem:s11], [sflag:$0x1] =	stream.indirect.gather [hbm4b:s2+s10], $0x80, s24, s10, $0xb8;
	[tilespmem:$0x1A000] =	vst v63  }
0x64: {  	s29 =	sadd.s32 $0xFFFFFF38, s21  }
0x65: {  	[tilespmem:s12], [sflag:$0x1] =	stream.indirect.gather [hbm4b:s2+s10], $0x80, s29, s10, $0xb8;
	[tilespmem:$0x1A000] =	vst v63  }
0x66: {  	_ = 	snop  }
0x67: {  	[tilespmem:s13], [sflag:$0x2] =	stream.indirect.gather [hbm4b:s2+s10], $0x80, s23, s10, $0xb8;
	[tilespmem:$0x1A000] =	vst v63  }
0x68: {  	_ = 	snop  }
0x69: {  	[tilespmem:s14], [sflag:$0x2] =	stream.indirect.gather [hbm4b:s2+s10], $0x80, s21, s10, $0xb8;
	[tilespmem:$0x1A000] =	vst v63  }
0x6a: {  	_ =	swait.ge [sflag:s15], $0x6400  }
0x6b: {  	[sflag:s15] =	ssyncset.done $0x0  }
0x6c: {  	[sflag:s15] =	ssyncadd.s32 $0xFFFF9C00  }
0x6d: {  	_ =	swait.ge [sflag:s15], $0x6400  }
0x6e: {  	[sflag:s15] =	ssyncset.done $0x0  }
0x6f: {  	[sflag:s15] =	ssyncadd.s32 $0xFFFF9C00  }
0x70: {  	_ =	swait.ge [sflag:s16], $0x6400  }
0x71: {  	[sflag:s16] =	ssyncset.done $0x0  }
0x72: {  	[sflag:s16] =	ssyncadd.s32 $0xFFFF9C00  }
0x73: {  	_ =	swait.ge [sflag:s16], $0x6400  }
0x74: {  	[sflag:s16] =	ssyncset.done $0x0  }
0x75: {  	s30 =	sadd.s32 s22, s7;
	[sflag:s16] =	ssyncadd.s32 $0xFFFF9C00  }
0x76: {  	[hbm4b:s30+s17] =	stream.strided.scatter [tilespmem:s11], [sflag:$0x3], $0x6400, s9, s17, $0x38;
	[tilespmem:$0x1A000] =	vst v63  }
0x77: {  	s22 =	sadd.s32 $0x80, s30  }
0x78: {  	[hbm4b:s22+s17] =	stream.strided.scatter [tilespmem:s12], [sflag:$0x3], $0x6400, s9, s17, $0x38;
	[tilespmem:$0x1A000] =	vst v63  }
0x79: {  	s31 =	sadd.s32 $0x1900, s30  }
0x7a: {  	[hbm4b:s31+s17] =	stream.strided.scatter [tilespmem:s13], [sflag:$0x4], $0x6400, s9, s17, $0x38;
	[tilespmem:$0x1A000] =	vst v63  }
0x7b: {  	s21 =	sadd.s32 $0x1980, s30  }
0x7c: {  	[hbm4b:s21+s17] =	stream.strided.scatter [tilespmem:s14], [sflag:$0x4], $0x6400, s9, s17, $0x38;
	[tilespmem:$0x1A000] =	vst v63  }
0x7d: {  	_ =	swait.ge [sflag:s18], $0x6400  }
0x7e: {  	[sflag:s18] =	ssyncset.done $0x0  }
0x7f: {  	[sflag:s18] =	ssyncadd.s32 $0xFFFF9C00  }
0x80: {  	_ =	swait.ge [sflag:s18], $0x6400  }
0x81: {  	[sflag:s18] =	ssyncset.done $0x0  }
0x82: {  	s20 =	sadd.s32 $0x1, s20;
	[sflag:s18] =	ssyncadd.s32 $0xFFFF9C00  }
0x83: {  	p0 =	sne.s32 s20, s6;
	_ =	swait.ge [sflag:s19], $0x6400  }
.Ltmp1:
0x84: {  	[sflag:s19] =	ssyncset.done $0x0;
	(pc) =	sbr.rel @p0 .LBB2_1-.Ltmp1, $4  }
0x85: {  	[sflag:s19] =	ssyncadd.s32 $0xFFFF9C00  }
0x86: {  	_ =	swait.ge [sflag:s19], $0x6400  }
0x87: {  	[sflag:s19] =	ssyncset.done $0x0  }
0x88: {  	[sflag:s19] =	ssyncadd.s32 $0xFFFF9C00  }
0x89: {  	_ =	sfence.sel $0x180000  }
0x8a: {  	[bflag:$0x0] =	sbarrier.arrive $0xFFFF  }
0x8b: {  	p0 =	sne.s32 s0, $0x0;
	_ =	strace $0x90000047  }
0x8c: {  	s0 =	sadd.s32 @!p0 $0x100000, s1;
	[bflag:$0x2] =	sbarrier.arrive $0xFFFF  }
0x8d: {  	[sflag:s0] =	ssyncadd.tile.s32 @!p0 $0x1;
	_ =	shalt  }
.Lfunc_end2:
_tile_overlayer_lowered:
.L_overlay_start_2:
0x8e: {  	(tag) =	ssettag $0x2  }
0x8f: {  	s0 =	rddreg [dreg:$0x0];
	s2 =	stileid.u32  }
0x90: {  	s1 =	rddreg [dreg:$0x1];
	p0 =	sne.s32 s2, $0x0  }
0x91: {  	s3 =	rddreg [dreg:$0x2];
	[bflag:$0x3] =	sbarrier.arrive $0xFFFF;
	s2 =	simm.s32 @!p0 $0x1C05  }
0x92: {  	[timem:s3], [sflag:s2] =	dma.local @!p0 [hbm:s0], s1  }
0x93: {  	s0 =	simm.s32 @!p0 $0x5  }
0x94: {  	_ =	swait.ge @!p0 [sflag:s0], s1  }
0x95: {  	s1 =	ssub.s32 @!p0 $0x0, s1;
	[sflag:s0] =	ssyncset.done @!p0 $0x0  }
0x96: {  	[sflag:s0] =	ssyncadd.s32 @!p0 s1  }
0x97: {  	[bflag:$0x3] =	sbarrier.arrive $0xFFFF  }
0x98: {  	_ =	shalt  }

// kernel: kernel.21.cloned.1.call-start
scs
__scs_entry_jumppad:
0x0: {  	(pc) =	sbr.rel $0x88, $3  }
0x1: {  	(tag) =	ssettag $0x0;
	lr =	simm.s32 $0x1  }
0x2: {  	[smem:$0x3F93] =	sst lr;
	_ =	strace $0xD0000000  }
0x3: {  	_ = 	snop  }
0x4: {  	_ = 	snop  }
0x5: {  	_ = 	snop  }
0x6: {  	_ = 	snop  }
0x7: {  	_ = 	snop  }
__scs_overlays_trampoline_lowered:
0x8: {  	[smem:$0x3FA2] =	sst s0  }
0x9: {  	[smem:$0x3FA3] =	sst s1  }
0xa: {  	[smem:$0x3FA4] =	sst s2  }
0xb: {  	[smem:$0x3FA5] =	sst s3  }
0xc: {  	[smem:$0x3FA6] =	sst s4  }
0xd: {  	[smem:$0x3FA7] =	sst s5  }
0xe: {  	[smem:$0x3FA8] =	sst s6  }
0xf: {  	[smem:$0x3FA9] =	sst s7  }
0x10: {  	[smem:$0x3FAA] =	sst s8  }
0x11: {  	[smem:$0x3FAB] =	sst s9;
	s0 =	simm.s32 @!p0 $0x0  }
0x12: {  	s1 =	sld [smem:$0x3F91];
	s0 =	simm.s32 @p0 $0x1  }
0x13: {  	[smem:$0x3FAC] =	sst s0;
	s0 =	simm.s32 @!p1 $0x0  }
0x14: {  	s2 =	sld [smem:$0x3F90];
	s0 =	simm.s32 @p1 $0x1  }
0x15: {  	[smem:$0x3FAD] =	sst s0;
	s0 =	simm.s32 @!p2 $0x0  }
0x16: {  	s3 =	sld [smem:$0x3FDB];
	s0 =	simm.s32 @p2 $0x1  }
0x17: {  	s4 =	simm.s32 $0x1BF5;
	[smem:$0x3FAF] =	sst s0  }
0x18: {  	s0 =	sld [smem:$0x3F92];
	_ =	swait.ge [sflag:s4], $0x0  }
0x19: {  	s7 =	sld [smem:$0x3F93]  }
0x1a: {  	s8 =	sadd.s32 $0xFFFFE003, lr  }
0x1b: {  	s9 =	sadd.s32 $0xFFFFFEF7, lr;
	s5 =	simm.s32 $0xFFFFFFFF;
	p2 =	slt.u32 s8, $0xFFFFF086  }
0x1c: {  	p1 =	slt.u32 s9, $0xF7A;
	s5 =	simm.s32 @!p2 $0x0  }
0x1d: {  	s5 =	simm.s32 @p1 $0x1;
	p0 =	seq.s32 s7, s2  }
0x1e: {  	s7 =	smul.u32 @!p0 $0xF7A, s2;
	p2 =	seq.s32 @!p0 s5, $0x0  }
0x1f: {  	s9 =	smul.u32 $0xF7A, s1;
	s8 =	simm.s32 @!p0 $0x1BF5;
	p2 =	por !p2, p0  }
0x20: {  	[sflag:s8] =	ssyncset.s32 @!p0 $0xFFFFF086;
	s6 =	sadd.s32 @!p0 s3, s7;
	s7 =	simm.s32 @!p0 $0x108  }
0x21: {  	s3 =	sadd.s32 s3, s9;
	s6 =	sadd.s32 @!p0 $0x88, s6;
	s7 =	simm.s32 @p2 $0x1082  }
0x22: {  	[simem:s7], [sflag:s8] =	dma.local @!p0 [hbm:s6], $0xF7A  }
0x23: {  	s9 =	sor.u32 $0xD0000000, s2;
	s6 =	simm.s32 $0x108;
	_ =	swait.ge @!p0 [sflag:s8], $0x0  }
0x24: {  	s3 =	sadd.s32 $0x88, s3;
	s6 =	simm.s32 @!p1 $0x1082;
	[sflag:s4] =	ssyncset.s32 $0xFFFFF086  }
0x25: {  	[simem:s6], [sflag:s4] =	dma.local [hbm:s3], $0xF7A  }
0x26: {  	[smem:$0x3F93] =	sst s1;
	(tag) =	ssettag s2;
	_ =	strace s9  }
0x27: {  	s1 =	sld [smem:$0x3FA3]  }
0x28: {  	s2 =	sld [smem:$0x3FA4]  }
0x29: {  	s4 =	sld [smem:$0x3FA6]  }
0x2a: {  	p0 =	seq.s32 s5, $0x0;
	s5 =	sld [smem:$0x3FA7]  }
0x2b: {  	s6 =	sld [smem:$0x3FA8]  }
0x2c: {  	s7 =	sld [smem:$0x3FA9]  }
0x2d: {  	s3 =	simm.s32 $0x108;
	s8 =	sld [smem:$0x3FAA]  }
0x2e: {  	s3 =	simm.s32 @!p0 $0x1082;
	s9 =	sld [smem:$0x3FAB]  }
0x2f: {  	lr =	sadd.s32 s0, s3;
	s0 =	sld [smem:$0x3FA2]  }
0x30: {  	s3 =	sld [smem:$0x3FA5]  }
0x31: {  	[smem:$0x3FAE] =	sst s10  }
0x32: {  	s10 =	sld [smem:$0x3FAC];
	_ =	sdelay $0x3  }
0x33: {  	p0 =	seq.s32 s10, $0x1;
	s10 =	sld [smem:$0x3FAE];
	_ =	sdelay $0x3  }
0x34: {  	[smem:$0x3FAE] =	sst s10  }
0x35: {  	s10 =	sld [smem:$0x3FAD];
	_ =	sdelay $0x3  }
0x36: {  	p1 =	seq.s32 s10, $0x1;
	s10 =	sld [smem:$0x3FAE];
	_ =	sdelay $0x3  }
0x37: {  	[smem:$0x3FAE] =	sst s10  }
0x38: {  	s10 =	sld [smem:$0x3FAF]  }
0x39: {  	_ = 	snop;
	(pc) =	sbr.ind lr, $3  }
0x3a: {  	_ = 	snop  }
0x3b: {  	_ = 	snop  }
0x3c: {  	p2 =	seq.s32 s10, $0x1;
	s10 =	sld [smem:$0x3FAE]  }
0x3d: {  	_ =	shalt  }
0x3e: {  	_ =	shalt  }
0x3f: {  	_ =	shalt  }
0x40: {  	_ =	shalt  }
0x41: {  	_ =	shalt  }
0x42: {  	_ =	shalt  }
0x43: {  	_ =	shalt  }
0x44: {  	_ =	shalt  }
0x45: {  	_ =	shalt  }
0x46: {  	_ =	shalt  }
0x47: {  	_ =	shalt  }
0x48: {  	_ =	shalt  }
0x49: {  	_ =	shalt  }
0x4a: {  	_ =	shalt  }
0x4b: {  	_ =	shalt  }
0x4c: {  	_ =	shalt  }
0x4d: {  	_ =	shalt  }
0x4e: {  	_ =	shalt  }
0x4f: {  	_ =	shalt  }
0x50: {  	_ =	shalt  }
0x51: {  	_ =	shalt  }
0x52: {  	_ =	shalt  }
0x53: {  	_ =	shalt  }
0x54: {  	_ =	shalt  }
0x55: {  	_ =	shalt  }
0x56: {  	_ =	shalt  }
0x57: {  	_ =	shalt  }
0x58: {  	_ =	shalt  }
0x59: {  	_ =	shalt  }
0x5a: {  	_ =	shalt  }
0x5b: {  	_ =	shalt  }
0x5c: {  	_ =	shalt  }
0x5d: {  	_ =	shalt  }
0x5e: {  	_ =	shalt  }
0x5f: {  	_ =	shalt  }
0x60: {  	_ =	shalt  }
0x61: {  	_ =	shalt  }
0x62: {  	_ =	shalt  }
0x63: {  	_ =	shalt  }
0x64: {  	_ =	shalt  }
0x65: {  	_ =	shalt  }
0x66: {  	_ =	shalt  }
0x67: {  	_ =	shalt  }
0x68: {  	_ =	shalt  }
0x69: {  	_ =	shalt  }
0x6a: {  	_ =	shalt  }
0x6b: {  	_ =	shalt  }
0x6c: {  	_ =	shalt  }
0x6d: {  	_ =	shalt  }
0x6e: {  	_ =	shalt  }
0x6f: {  	_ =	shalt  }
0x70: {  	_ =	shalt  }
0x71: {  	_ =	shalt  }
0x72: {  	_ =	shalt  }
0x73: {  	_ =	shalt  }
0x74: {  	_ =	shalt  }
0x75: {  	_ =	shalt  }
0x76: {  	_ =	shalt  }
0x77: {  	_ =	shalt  }
0x78: {  	_ =	shalt  }
0x79: {  	_ =	shalt  }
0x7a: {  	_ =	shalt  }
0x7b: {  	_ =	shalt  }
0x7c: {  	_ =	shalt  }
0x7d: {  	_ =	shalt  }
0x7e: {  	_ =	shalt  }
0x7f: {  	_ =	shalt  }
0x80: {  	_ =	shalt  }
0x81: {  	_ =	shalt  }
0x82: {  	_ =	shalt  }
0x83: {  	_ =	shalt  }
0x84: {  	_ =	shalt  }
0x85: {  	_ =	shalt  }
0x86: {  	_ =	shalt  }
0x87: {  	_ =	shalt  }
.Lfunc_end0:
.L_simem_size_0:
called_computation.2_lowered:
.L_overlay_start_0:
0x88: {  	s2 =	sld [smem:$0x3FD9]  }
0x89: {  	s3 =	sld [smem:$0x3FFE];
	_ =	sdelay $0x1  }
0x8a: {  	s1 =	srdreg.scid  }
0x8b: {  	s0 =	sand.u32 $0x1, s1  }
0x8c: {  	s17 =	sshll.u32 s0, $0xA;
	s2 =	sadd.s32 s3, s2  }
0x8d: {  	s2 =	sadd.s32 s2, s17  }
0x8e: {  	[smem:$0x3FBA] =	sst s2  }
0x8f: {  	_ = 	snop  }
0x90: {  	s18 =	sld [smem:$0x3FC9];
	(tm) =	ssettm $0x1  }
0x91: {  	s19 =	sld [smem:$0x3FFB];
	_ =	sdelay $0x3  }
0x92: {  	_ =	strace s19  }
0x93: {  	s2 =	sld [smem:$0x3FFC];
	_ =	sdelay $0x3  }
0x94: {  	_ =	strace s2  }
0x95: {  	s2 =	sld [smem:$0x3FFD];
	_ =	sdelay $0x3  }
0x96: {  	_ =	strace s2  }
0x97: {  	_ =	strace $0x8FFFFFFF  }
0x98: {  	s20 =	sld [smem:$0x3FDB];
	_ =	sdelay $0x1  }
0x99: {  	s4 =	simm.s32 $_scs_section_size  }
0x9a: {  	s5 =	simm.s32 $_size__tile_overlayer_lowered;
	s6 =	simm.s32 $_tile_overlayer_lowered  }
0x9b: {  	s7 =	simm.s32 $0x1BFF;
	s21 =	sshll.u32 s6, $0x1;
	s4 =	sadd.s32 s4, s20  }
0x9c: {  	s22 =	simm.s32 $0x0;
	s5 =	sshll.u32 s5, $0x1;
	s6 =	sadd.s32 s21, s4  }
0x9d: {  	[timem:s22], [sflag:s7] =	dma.local [hbm:s6], s5  }
0x9e: {  	_ =	swait.ge [sflag:s7], s5  }
0x9f: {  	s5 =	ssub.s32 $0x0, s5;
	[sflag:s7] =	ssyncset.done $0x0  }
0xa0: {  	[sflag:s7] =	ssyncadd.s32 s5;
	_ =	sdelay $0x1  }
0xa1: {  	s23 =	simm.s32 $0x1B8B  }
0xa2: {  	_ =	swait.ge [sflag:s23], $0x1  }
0xa3: {  	[sflag:s23] =	ssyncset.done $0x0  }
0xa4: {  	[sflag:s23] =	ssyncadd.s32 $0xFFFFFFFF  }
0xa5: {  	s5 =	sld [smem:$0x0]  }
0xa6: {  	s6 =	sand.u32 $0xFFFFFFFE, s1  }
0xa7: {  	p0 =	sne.s32 s1, s6  }
0xa8: {  	s6 =	sshll.u32 @p0 s6, $0xE  }
0xa9: {  	s6 =	sadd.s32 @p0 $0x11B8D, s6;
	s7 =	sshll.u32 @p0 s5, $0x11  }
0xaa: {  	s6 =	sor.u32 @p0 s7, s6  }
0xab: {  	[sflag:s6] =	ssyncadd.remote.s32 @p0 $0x1;
	_ =	sdelay $0x1  }
0xac: {  	s6 =	simm.s32 @p0 $0x1B8D  }
0xad: {  	_ =	swait.eq @p0 [sflag:s6], $0x1  }
0xae: {  	[sflag:s6] =	ssyncadd.s32 @p0 $0xFFFFFFFF  }
0xaf: {  	s7 =	sshll.u32 @!p0 s1, $0xE  }
0xb0: {  	s7 =	sor.u32 @!p0 $0x4000, s7;
	s6 =	simm.s32 @!p0 $0x1B8D  }
0xb1: {  	s5 =	sshll.u32 @!p0 s5, $0x11;
	s7 =	sadd.s32 @!p0 $0x11B8D, s7;
	_ =	swait.eq @!p0 [sflag:s6], $0x1  }
0xb2: {  	s5 =	sor.u32 @!p0 s5, s7;
	[sflag:s6] =	ssyncadd.s32 @!p0 $0xFFFFFFFF  }
0xb3: {  	s25 =	simm.s32 $0x1B8E;
	s24 =	sld [smem:$0x3FFE];
	[sflag:s5] =	ssyncadd.remote.s32 @!p0 $0x1  }
0xb4: {  	s26 =	simm.s32 $execute0_lowered;
	[smem:$0x3FD2] =	sst s25  }
0xb5: {  	s6 =	sshll.u32 s26, $0x1;
	_ =	strace $0x80000049;
	[dreg:$0x1] =	wrdreg $0xFFFFFFFF  }
0xb6: {  	s28 =	simm.s32 $_size_execute0_lowered;
	s4 =	sadd.s32 s4, s6;
	[dreg:$0x0] =	wrdreg $0x0  }
0xb7: {  	s6 =	sshll.u32 s28, $0x1;
	[dreg:$0x2] =	wrdreg s4  }
0xb8: {  	[dreg:$0x3] =	wrdreg s6  }
0xb9: {  	[dreg:$0x4] =	wrdreg $0xC0  }
0xba: {  	_ =	task [dreg:s22], $0x5FFFF  }
0xbb: {  	[dreg:$0x1] =	wrdreg $0xFFFFFFFF  }
0xbc: {  	[dreg:$0x0] =	wrdreg $0x60  }
0xbd: {  	[dreg:$0x2] =	wrdreg s18  }
0xbe: {  	[dreg:$0x3] =	wrdreg s24  }
0xbf: {  	[dreg:$0x4] =	wrdreg $0xD  }
0xc0: {  	_ =	task.clear_ibuf [dreg:s22], $0x5FFFF;
	_ =	strace $0x90000049  }
0xc1: {  	s29 =	simm.s32 $0xD;
	_ =	strace $0x8000004B  }
0xc2: {  	_ =	swait.ge [sflag:s29], $0x1  }
0xc3: {  	[sflag:s29] =	ssyncadd.s32 $0xFFFFFFFF  }
0xc4: {  	_ =	strace $0x9000004B  }
0xc5: {  	_ =	sfence  }
0xc6: {  	s30 =	sld [smem:$0x0];
	_ =	sdelay $0x2  }
0xc7: {  	s31 =	sshll.u32 s1, $0xD;
	s1 =	sshrl.u32 s1, $0x2  }
0xc8: {  	s4 =	sand.u32 $0x4000, s31;
	s1 =	sadd.s32 s1, s30  }
0xc9: {  	s0 =	sor.u32 s4, s0;
	s1 =	sshll.u32 s1, $0x11  }
0xca: {  	s0 =	sor.u32 s1, s0  }
0xcb: {  	s0 =	sadd.s32 $0x8F2B, s0  }
0xcc: {  	[sflag:s0] =	ssyncadd.remote.s32 $0x1  }
0xcd: {  	_ =	sfence.sel $0xFFFF  }
0xce: {  	[dreg:$0x0] =	wrdreg $0xFFFFFFFF;
	(pc) =	sbr.abs _section_cstart, $3  }
0xcf: {  	[dreg:$0x1] =	wrdreg $0xFFFFFFFF  }
0xd0: {  	_ =	task.clear_ibuf [dreg:s22], $0x2FFFF;
	_ =	strace $0x9FFFFFFF  }
0xd1: {  	(tm) =	ssettm $0x7FFFFFFF  }
tec
execute0_lowered:
.L_overlay_start_1:
0x0: {  	(tag) =	ssettag $0x1  }
0x1: {  	s2 =	rddreg [dreg:$0x0];
	s1 =	srdreg.scid  }
0x2: {  	s0 =	stileid.u32;
	s4 =	rddreg [dreg:$0x1];
	s3 =	simm.s32 $0x0  }
0x3: {  	s11 =	simm.s32 $0x1000;
	s12 =	simm.s32 $0x7400;
	s13 =	simm.s32 $0xD800  }
0x4: {  	s14 =	simm.s32 $0x13C00;
	s15 =	simm.s32 $0x1;
	s16 =	simm.s32 $0x2  }
0x5: {  	s17 =	simm.s32 $0x400;
	s18 =	simm.s32 $0x3;
	s19 =	simm.s32 $0x4  }
0x6: {  	s20 =	simm.s32 $0x0;
	s5 =	sand.u32 $0x1, s1;
	s1 =	rddreg [dreg:$0x2]  }
0x7: {  	s6 =	sshll.u32 s0, $0x1;
	[smem:$0x7FF] =	sst s3;
	s7 =	smul.u32 $0x1F400, s0  }
0x8: {  	s6 =	sor.u32 s5, s6;
	s8 =	ssub.s32 $0x2, s5;
	s10 =	smul.u32 $0xFA00, s5  }
0x9: {  	s6 =	smul.u32 $0x7D0, s6;
	s9 =	sshrl.u32 s8, $0x1;
	s29 =	sadd.s32 s7, s4  }
0xa: {  	_ =	strace $0x8000004A;
	s30 =	ssub.s32 s8, s9;
	s31 =	sadd.s32 s10, s29  }
0xb: {  	s8 =	simm.s32 $0x5;
	s9 =	simm.s32 $0x800;
	s6 =	sshrl.u32 s6, $0x3  }
0xc: {  	s10 =	simm.s32 $0xC8;
	s7 =	sadd.s32 $0x207200, s31;
	s28 =	sadd.s32 s6, s4  }
0xd: {  	s6 =	smax.u32 s30, $0x1;
	s4 =	sadd.s32 $0x9200, s28;
	s5 =	sadd.s32 $0x7200, s28  }
.LBB2_1:
0xe: {  	[tilespmem:s3], [sflag:$0x5] =	stream.linear.gather [hbm4b:s4+s3], $0x7D0, $0x38;
	[tilespmem:$0x1A000] =	vst v63  }
0xf: {  	_ =	swait.ge [sflag:s8], $0x7D0  }
0x10: {  	[sflag:s8] =	ssyncset.done $0x0  }
0x11: {  	[sflag:s8] =	ssyncadd.s32 $0xFFFFF830  }
0x12: {  	[tilespmem:s9], [sflag:$0x5] =	stream.linear.gather [hbm4b:s5+s3], $0x7D0, $0x38;
	[tilespmem:$0x1A000] =	vst v63  }
0x13: {  	_ =	swait.ge [sflag:s8], $0x7D0  }
0x14: {  	[sflag:s8] =	ssyncset.done $0x0  }
0x15: {  	s21 =	simm.s32 $0x0;
	[sflag:s8] =	ssyncadd.s32 $0xFFFFF830  }
0x16: {  	[tilespmem:s11], [sflag:$0x1] =	stream.indirect.gather [hbm4b:s2+s10], $0x80, s21, s10, $0xb8;
	[tilespmem:$0x1A000] =	vst v63  }
0x17: {  	s30 =	simm.s32 $0x800  }
0x18: {  	[tilespmem:s12], [sflag:$0x1] =	stream.indirect.gather [hbm4b:s2+s10], $0x80, s30, s10, $0xb8;
	[tilespmem:$0x1A000] =	vst v63  }
0x19: {  	_ = 	snop  }
0x1a: {  	[tilespmem:s13], [sflag:$0x2] =	stream.indirect.gather [hbm4b:s2+s10], $0x80, s10, s10, $0xb8;
	[tilespmem:$0x1A000] =	vst v63  }
0x1b: {  	s21 =	simm.s32 $0x8C8  }
0x1c: {  	[tilespmem:s14], [sflag:$0x2] =	stream.indirect.gather [hbm4b:s2+s10], $0x80, s21, s10, $0xb8;
	[tilespmem:$0x1A000] =	vst v63  }
0x1d: {  	_ =	swait.ge [sflag:s15], $0x6400  }
0x1e: {  	[sflag:s15] =	ssyncset.done $0x0  }
0x1f: {  	[sflag:s15] =	ssyncadd.s32 $0xFFFF9C00  }
0x20: {  	_ =	swait.ge [sflag:s15], $0x6400  }
0x21: {  	[sflag:s15] =	ssyncset.done $0x0  }
0x22: {  	[sflag:s15] =	ssyncadd.s32 $0xFFFF9C00  }
0x23: {  	_ =	swait.ge [sflag:s16], $0x6400  }
0x24: {  	[sflag:s16] =	ssyncset.done $0x0  }
0x25: {  	[sflag:s16] =	ssyncadd.s32 $0xFFFF9C00  }
0x26: {  	_ =	swait.ge [sflag:s16], $0x6400  }
0x27: {  	[sflag:s16] =	ssyncset.done $0x0  }
0x28: {  	s22 =	sadd.s32 $0x0, s7;
	[sflag:s16] =	ssyncadd.s32 $0xFFFF9C00  }
0x29: {  	[hbm4b:s22+s17] =	stream.strided.scatter [tilespmem:s11], [sflag:$0x3], $0x6400, s9, s17, $0x38;
	[tilespmem:$0x1A000] =	vst v63  }
0x2a: {  	s23 =	sadd.s32 $0x80, s22  }
0x2b: {  	[hbm4b:s23+s17] =	stream.strided.scatter [tilespmem:s12], [sflag:$0x3], $0x6400, s9, s17, $0x38;
	[tilespmem:$0x1A000] =	vst v63  }
0x2c: {  	s31 =	sadd.s32 $0x1900, s22  }
0x2d: {  	[hbm4b:s31+s17] =	stream.strided.scatter [tilespmem:s13], [sflag:$0x4], $0x6400, s9, s17, $0x38;
	[tilespmem:$0x1A000] =	vst v63  }
0x2e: {  	s22 =	sadd.s32 $0x1980, s22  }
0x2f: {  	[hbm4b:s22+s17] =	stream.strided.scatter [tilespmem:s14], [sflag:$0x4], $0x6400, s9, s17, $0x38;
	[tilespmem:$0x1A000] =	vst v63  }
0x30: {  	_ =	swait.ge [sflag:s18], $0x6400  }
0x31: {  	[sflag:s18] =	ssyncset.done $0x0  }
0x32: {  	[sflag:s18] =	ssyncadd.s32 $0xFFFF9C00  }
0x33: {  	_ =	swait.ge [sflag:s18], $0x6400  }
0x34: {  	[sflag:s18] =	ssyncset.done $0x0  }
0x35: {  	[sflag:s18] =	ssyncadd.s32 $0xFFFF9C00  }
0x36: {  	_ =	swait.ge [sflag:s19], $0x6400  }
0x37: {  	[sflag:s19] =	ssyncset.done $0x0  }
0x38: {  	[sflag:s19] =	ssyncadd.s32 $0xFFFF9C00  }
0x39: {  	s24 =	simm.s32 $0x6400;
	_ =	swait.ge [sflag:s19], $0x6400  }
0x3a: {  	s23 =	simm.s32 $0x258;
	s22 =	simm.s32 $0x3200;
	[sflag:s19] =	ssyncset.done $0x0  }
.LBB2_2:
0x3b: {  	s25 =	sadd.s32 $0xFFFFFF38, s23  }
0x3c: {  	[sflag:s19] =	ssyncadd.s32 $0xFFFF9C00;
	s21 =	sadd.s32 $0x190, s21;
	s26 =	smov.u32 s24  }
0x3d: {  	[tilespmem:s11], [sflag:$0x1] =	stream.indirect.gather [hbm4b:s2+s10], $0x80, s25, s10, $0xb8;
	[tilespmem:$0x1A000] =	vst v63  }
0x3e: {  	p0 =	sne.s32 s24, $0xC800;
	s24 =	sadd.s32 $0x3200, s24;
	s25 =	sadd.s32 $0xFFFFFF38, s21  }
0x3f: {  	[tilespmem:s12], [sflag:$0x1] =	stream.indirect.gather [hbm4b:s2+s10], $0x80, s25, s10, $0xb8;
	[tilespmem:$0x1A000] =	vst v63  }
0x40: {  	_ = 	snop  }
0x41: {  	[tilespmem:s13], [sflag:$0x2] =	stream.indirect.gather [hbm4b:s2+s10], $0x80, s23, s10, $0xb8;
	[tilespmem:$0x1A000] =	vst v63  }
0x42: {  	_ = 	snop  }
0x43: {  	[tilespmem:s14], [sflag:$0x2] =	stream.indirect.gather [hbm4b:s2+s10], $0x80, s21, s10, $0xb8;
	[tilespmem:$0x1A000] =	vst v63  }
0x44: {  	_ =	swait.ge [sflag:s15], $0x6400  }
0x45: {  	[sflag:s15] =	ssyncset.done $0x0  }
0x46: {  	[sflag:s15] =	ssyncadd.s32 $0xFFFF9C00  }
0x47: {  	_ =	swait.ge [sflag:s15], $0x6400  }
0x48: {  	[sflag:s15] =	ssyncset.done $0x0  }
0x49: {  	[sflag:s15] =	ssyncadd.s32 $0xFFFF9C00  }
0x4a: {  	_ =	swait.ge [sflag:s16], $0x6400  }
0x4b: {  	[sflag:s16] =	ssyncset.done $0x0  }
0x4c: {  	[sflag:s16] =	ssyncadd.s32 $0xFFFF9C00  }
0x4d: {  	_ =	swait.ge [sflag:s16], $0x6400  }
0x4e: {  	[sflag:s16] =	ssyncset.done $0x0  }
0x4f: {  	s25 =	sadd.s32 s22, s7;
	s22 =	smov.u32 s26;
	[sflag:s16] =	ssyncadd.s32 $0xFFFF9C00  }
0x50: {  	[hbm4b:s25+s17] =	stream.strided.scatter [tilespmem:s11], [sflag:$0x3], $0x6400, s9, s17, $0x38;
	[tilespmem:$0x1A000] =	vst v63  }
0x51: {  	s26 =	sadd.s32 $0x80, s25  }
0x52: {  	[hbm4b:s26+s17] =	stream.strided.scatter [tilespmem:s12], [sflag:$0x3], $0x6400, s9, s17, $0x38;
	[tilespmem:$0x1A000] =	vst v63  }
0x53: {  	s26 =	sadd.s32 $0x1900, s25  }
0x54: {  	[hbm4b:s26+s17] =	stream.strided.scatter [tilespmem:s13], [sflag:$0x4], $0x6400, s9, s17, $0x38;
	[tilespmem:$0x1A000] =	vst v63  }
0x55: {  	s25 =	sadd.s32 $0x1980, s25  }
0x56: {  	[hbm4b:s25+s17] =	stream.strided.scatter [tilespmem:s14], [sflag:$0x4], $0x6400, s9, s17, $0x38;
	[tilespmem:$0x1A000] =	vst v63  }
0x57: {  	_ =	swait.ge [sflag:s18], $0x6400  }
0x58: {  	[sflag:s18] =	ssyncset.done $0x0  }
0x59: {  	[sflag:s18] =	ssyncadd.s32 $0xFFFF9C00  }
0x5a: {  	_ =	swait.ge [sflag:s18], $0x6400  }
0x5b: {  	[sflag:s18] =	ssyncset.done $0x0  }
0x5c: {  	[sflag:s18] =	ssyncadd.s32 $0xFFFF9C00  }
.Ltmp0:
0x5d: {  	_ =	swait.ge [sflag:s19], $0x6400;
	(pc) =	sbr.rel @p0 .LBB2_2-.Ltmp0, $4  }
0x5e: {  	[sflag:s19] =	ssyncset.done $0x0  }
0x5f: {  	[sflag:s19] =	ssyncadd.s32 $0xFFFF9C00  }
0x60: {  	_ =	swait.ge [sflag:s19], $0x6400  }
0x61: {  	s23 =	sadd.s32 $0x190, s23;
	[sflag:s19] =	ssyncset.done $0x0  }
0x62: {  	s24 =	sadd.s32 $0xFFFFFF38, s23;
	[sflag:s19] =	ssyncadd.s32 $0xFFFF9C00;
	s21 =	sadd.s32 $0x190, s21  }
0x63: {  	[tilespmem:s11], [sflag:$0x1] =	stream.indirect.gather [hbm4b:s2+s10], $0x80, s24, s10, $0xb8;
	[tilespmem:$0x1A000] =	vst v63  }
0x64: {  	s29 =	sadd.s32 $0xFFFFFF38, s21  }
0x65: {  	[tilespmem:s12], [sflag:$0x1] =	stream.indirect.gather [hbm4b:s2+s10], $0x80, s29, s10, $0xb8;
	[tilespmem:$0x1A000] =	vst v63  }
0x66: {  	_ = 	snop  }
0x67: {  	[tilespmem:s13], [sflag:$0x2] =	stream.indirect.gather [hbm4b:s2+s10], $0x80, s23, s10, $0xb8;
	[tilespmem:$0x1A000] =	vst v63  }
0x68: {  	_ = 	snop  }
0x69: {  	[tilespmem:s14], [sflag:$0x2] =	stream.indirect.gather [hbm4b:s2+s10], $0x80, s21, s10, $0xb8;
	[tilespmem:$0x1A000] =	vst v63  }
0x6a: {  	_ =	swait.ge [sflag:s15], $0x6400  }
0x6b: {  	[sflag:s15] =	ssyncset.done $0x0  }
0x6c: {  	[sflag:s15] =	ssyncadd.s32 $0xFFFF9C00  }
0x6d: {  	_ =	swait.ge [sflag:s15], $0x6400  }
0x6e: {  	[sflag:s15] =	ssyncset.done $0x0  }
0x6f: {  	[sflag:s15] =	ssyncadd.s32 $0xFFFF9C00  }
0x70: {  	_ =	swait.ge [sflag:s16], $0x6400  }
0x71: {  	[sflag:s16] =	ssyncset.done $0x0  }
0x72: {  	[sflag:s16] =	ssyncadd.s32 $0xFFFF9C00  }
0x73: {  	_ =	swait.ge [sflag:s16], $0x6400  }
0x74: {  	[sflag:s16] =	ssyncset.done $0x0  }
0x75: {  	s30 =	sadd.s32 s22, s7;
	[sflag:s16] =	ssyncadd.s32 $0xFFFF9C00  }
0x76: {  	[hbm4b:s30+s17] =	stream.strided.scatter [tilespmem:s11], [sflag:$0x3], $0x6400, s9, s17, $0x38;
	[tilespmem:$0x1A000] =	vst v63  }
0x77: {  	s22 =	sadd.s32 $0x80, s30  }
0x78: {  	[hbm4b:s22+s17] =	stream.strided.scatter [tilespmem:s12], [sflag:$0x3], $0x6400, s9, s17, $0x38;
	[tilespmem:$0x1A000] =	vst v63  }
0x79: {  	s31 =	sadd.s32 $0x1900, s30  }
0x7a: {  	[hbm4b:s31+s17] =	stream.strided.scatter [tilespmem:s13], [sflag:$0x4], $0x6400, s9, s17, $0x38;
	[tilespmem:$0x1A000] =	vst v63  }
0x7b: {  	s21 =	sadd.s32 $0x1980, s30  }
0x7c: {  	[hbm4b:s21+s17] =	stream.strided.scatter [tilespmem:s14], [sflag:$0x4], $0x6400, s9, s17, $0x38;
	[tilespmem:$0x1A000] =	vst v63  }
0x7d: {  	_ =	swait.ge [sflag:s18], $0x6400  }
0x7e: {  	[sflag:s18] =	ssyncset.done $0x0  }
0x7f: {  	[sflag:s18] =	ssyncadd.s32 $0xFFFF9C00  }
0x80: {  	_ =	swait.ge [sflag:s18], $0x6400  }
0x81: {  	[sflag:s18] =	ssyncset.done $0x0  }
0x82: {  	s20 =	sadd.s32 $0x1, s20;
	[sflag:s18] =	ssyncadd.s32 $0xFFFF9C00  }
0x83: {  	p0 =	sne.s32 s20, s6;
	_ =	swait.ge [sflag:s19], $0x6400  }
.Ltmp1:
0x84: {  	[sflag:s19] =	ssyncset.done $0x0;
	(pc) =	sbr.rel @p0 .LBB2_1-.Ltmp1, $4  }
0x85: {  	[sflag:s19] =	ssyncadd.s32 $0xFFFF9C00  }
0x86: {  	_ =	swait.ge [sflag:s19], $0x6400  }
0x87: {  	[sflag:s19] =	ssyncset.done $0x0  }
0x88: {  	[sflag:s19] =	ssyncadd.s32 $0xFFFF9C00  }
0x89: {  	_ =	sfence.sel $0x180000  }
0x8a: {  	[bflag:$0x0] =	sbarrier.arrive $0xFFFF  }
0x8b: {  	p0 =	sne.s32 s0, $0x0;
	_ =	strace $0x9000004A  }
0x8c: {  	s0 =	sadd.s32 @!p0 $0x100000, s1;
	[bflag:$0x2] =	sbarrier.arrive $0xFFFF  }
0x8d: {  	[sflag:s0] =	ssyncadd.tile.s32 @!p0 $0x1;
	_ =	shalt  }
.Lfunc_end2:
_tile_overlayer_lowered:
.L_overlay_start_2:
0x8e: {  	(tag) =	ssettag $0x2  }
0x8f: {  	s0 =	rddreg [dreg:$0x0];
	s2 =	stileid.u32  }
0x90: {  	s1 =	rddreg [dreg:$0x1];
	p0 =	sne.s32 s2, $0x0  }
0x91: {  	s3 =	rddreg [dreg:$0x2];
	[bflag:$0x3] =	sbarrier.arrive $0xFFFF;
	s2 =	simm.s32 @!p0 $0x1C05  }
0x92: {  	[timem:s3], [sflag:s2] =	dma.local @!p0 [hbm:s0], s1  }
0x93: {  	s0 =	simm.s32 @!p0 $0x5  }
0x94: {  	_ =	swait.ge @!p0 [sflag:s0], s1  }
0x95: {  	s1 =	ssub.s32 @!p0 $0x0, s1;
	[sflag:s0] =	ssyncset.done @!p0 $0x0  }
0x96: {  	[sflag:s0] =	ssyncadd.s32 @!p0 s1  }
0x97: {  	[bflag:$0x3] =	sbarrier.arrive $0xFFFF  }
0x98: {  	_ =	shalt  }

// kernel: kernel.24.cloned.1.call-start
scs
__scs_entry_jumppad:
0x0: {  	(pc) =	sbr.rel $0x88, $3  }
0x1: {  	(tag) =	ssettag $0x0;
	lr =	simm.s32 $0x1  }
0x2: {  	[smem:$0x3F93] =	sst lr;
	_ =	strace $0xD0000000  }
0x3: {  	_ = 	snop  }
0x4: {  	_ = 	snop  }
0x5: {  	_ = 	snop  }
0x6: {  	_ = 	snop  }
0x7: {  	_ = 	snop  }
__scs_overlays_trampoline_lowered:
0x8: {  	[smem:$0x3FA2] =	sst s0  }
0x9: {  	[smem:$0x3FA3] =	sst s1  }
0xa: {  	[smem:$0x3FA4] =	sst s2  }
0xb: {  	[smem:$0x3FA5] =	sst s3  }
0xc: {  	[smem:$0x3FA6] =	sst s4  }
0xd: {  	[smem:$0x3FA7] =	sst s5  }
0xe: {  	[smem:$0x3FA8] =	sst s6  }
0xf: {  	[smem:$0x3FA9] =	sst s7  }
0x10: {  	[smem:$0x3FAA] =	sst s8  }
0x11: {  	[smem:$0x3FAB] =	sst s9;
	s0 =	simm.s32 @!p0 $0x0  }
0x12: {  	s1 =	sld [smem:$0x3F91];
	s0 =	simm.s32 @p0 $0x1  }
0x13: {  	[smem:$0x3FAC] =	sst s0;
	s0 =	simm.s32 @!p1 $0x0  }
0x14: {  	s2 =	sld [smem:$0x3F90];
	s0 =	simm.s32 @p1 $0x1  }
0x15: {  	[smem:$0x3FAD] =	sst s0;
	s0 =	simm.s32 @!p2 $0x0  }
0x16: {  	s3 =	sld [smem:$0x3FDB];
	s0 =	simm.s32 @p2 $0x1  }
0x17: {  	s4 =	simm.s32 $0x1BF5;
	[smem:$0x3FAF] =	sst s0  }
0x18: {  	s0 =	sld [smem:$0x3F92];
	_ =	swait.ge [sflag:s4], $0x0  }
0x19: {  	s7 =	sld [smem:$0x3F93]  }
0x1a: {  	s8 =	sadd.s32 $0xFFFFE003, lr  }
0x1b: {  	s9 =	sadd.s32 $0xFFFFFEF7, lr;
	s5 =	simm.s32 $0xFFFFFFFF;
	p2 =	slt.u32 s8, $0xFFFFF086  }
0x1c: {  	p1 =	slt.u32 s9, $0xF7A;
	s5 =	simm.s32 @!p2 $0x0  }
0x1d: {  	s5 =	simm.s32 @p1 $0x1;
	p0 =	seq.s32 s7, s2  }
0x1e: {  	s7 =	smul.u32 @!p0 $0xF7A, s2;
	p2 =	seq.s32 @!p0 s5, $0x0  }
0x1f: {  	s9 =	smul.u32 $0xF7A, s1;
	s8 =	simm.s32 @!p0 $0x1BF5;
	p2 =	por !p2, p0  }
0x20: {  	[sflag:s8] =	ssyncset.s32 @!p0 $0xFFFFF086;
	s6 =	sadd.s32 @!p0 s3, s7;
	s7 =	simm.s32 @!p0 $0x108  }
0x21: {  	s3 =	sadd.s32 s3, s9;
	s6 =	sadd.s32 @!p0 $0x88, s6;
	s7 =	simm.s32 @p2 $0x1082  }
0x22: {  	[simem:s7], [sflag:s8] =	dma.local @!p0 [hbm:s6], $0xF7A  }
0x23: {  	s9 =	sor.u32 $0xD0000000, s2;
	s6 =	simm.s32 $0x108;
	_ =	swait.ge @!p0 [sflag:s8], $0x0  }
0x24: {  	s3 =	sadd.s32 $0x88, s3;
	s6 =	simm.s32 @!p1 $0x1082;
	[sflag:s4] =	ssyncset.s32 $0xFFFFF086  }
0x25: {  	[simem:s6], [sflag:s4] =	dma.local [hbm:s3], $0xF7A  }
0x26: {  	[smem:$0x3F93] =	sst s1;
	(tag) =	ssettag s2;
	_ =	strace s9  }
0x27: {  	s1 =	sld [smem:$0x3FA3]  }
0x28: {  	s2 =	sld [smem:$0x3FA4]  }
0x29: {  	s4 =	sld [smem:$0x3FA6]  }
0x2a: {  	p0 =	seq.s32 s5, $0x0;
	s5 =	sld [smem:$0x3FA7]  }
0x2b: {  	s6 =	sld [smem:$0x3FA8]  }
0x2c: {  	s7 =	sld [smem:$0x3FA9]  }
0x2d: {  	s3 =	simm.s32 $0x108;
	s8 =	sld [smem:$0x3FAA]  }
0x2e: {  	s3 =	simm.s32 @!p0 $0x1082;
	s9 =	sld [smem:$0x3FAB]  }
0x2f: {  	lr =	sadd.s32 s0, s3;
	s0 =	sld [smem:$0x3FA2]  }
0x30: {  	s3 =	sld [smem:$0x3FA5]  }
0x31: {  	[smem:$0x3FAE] =	sst s10  }
0x32: {  	s10 =	sld [smem:$0x3FAC];
	_ =	sdelay $0x3  }
0x33: {  	p0 =	seq.s32 s10, $0x1;
	s10 =	sld [smem:$0x3FAE];
	_ =	sdelay $0x3  }
0x34: {  	[smem:$0x3FAE] =	sst s10  }
0x35: {  	s10 =	sld [smem:$0x3FAD];
	_ =	sdelay $0x3  }
0x36: {  	p1 =	seq.s32 s10, $0x1;
	s10 =	sld [smem:$0x3FAE];
	_ =	sdelay $0x3  }
0x37: {  	[smem:$0x3FAE] =	sst s10  }
0x38: {  	s10 =	sld [smem:$0x3FAF]  }
0x39: {  	_ = 	snop;
	(pc) =	sbr.ind lr, $3  }
0x3a: {  	_ = 	snop  }
0x3b: {  	_ = 	snop  }
0x3c: {  	p2 =	seq.s32 s10, $0x1;
	s10 =	sld [smem:$0x3FAE]  }
0x3d: {  	_ =	shalt  }
0x3e: {  	_ =	shalt  }
0x3f: {  	_ =	shalt  }
0x40: {  	_ =	shalt  }
0x41: {  	_ =	shalt  }
0x42: {  	_ =	shalt  }
0x43: {  	_ =	shalt  }
0x44: {  	_ =	shalt  }
0x45: {  	_ =	shalt  }
0x46: {  	_ =	shalt  }
0x47: {  	_ =	shalt  }
0x48: {  	_ =	shalt  }
0x49: {  	_ =	shalt  }
0x4a: {  	_ =	shalt  }
0x4b: {  	_ =	shalt  }
0x4c: {  	_ =	shalt  }
0x4d: {  	_ =	shalt  }
0x4e: {  	_ =	shalt  }
0x4f: {  	_ =	shalt  }
0x50: {  	_ =	shalt  }
0x51: {  	_ =	shalt  }
0x52: {  	_ =	shalt  }
0x53: {  	_ =	shalt  }
0x54: {  	_ =	shalt  }
0x55: {  	_ =	shalt  }
0x56: {  	_ =	shalt  }
0x57: {  	_ =	shalt  }
0x58: {  	_ =	shalt  }
0x59: {  	_ =	shalt  }
0x5a: {  	_ =	shalt  }
0x5b: {  	_ =	shalt  }
0x5c: {  	_ =	shalt  }
0x5d: {  	_ =	shalt  }
0x5e: {  	_ =	shalt  }
0x5f: {  	_ =	shalt  }
0x60: {  	_ =	shalt  }
0x61: {  	_ =	shalt  }
0x62: {  	_ =	shalt  }
0x63: {  	_ =	shalt  }
0x64: {  	_ =	shalt  }
0x65: {  	_ =	shalt  }
0x66: {  	_ =	shalt  }
0x67: {  	_ =	shalt  }
0x68: {  	_ =	shalt  }
0x69: {  	_ =	shalt  }
0x6a: {  	_ =	shalt  }
0x6b: {  	_ =	shalt  }
0x6c: {  	_ =	shalt  }
0x6d: {  	_ =	shalt  }
0x6e: {  	_ =	shalt  }
0x6f: {  	_ =	shalt  }
0x70: {  	_ =	shalt  }
0x71: {  	_ =	shalt  }
0x72: {  	_ =	shalt  }
0x73: {  	_ =	shalt  }
0x74: {  	_ =	shalt  }
0x75: {  	_ =	shalt  }
0x76: {  	_ =	shalt  }
0x77: {  	_ =	shalt  }
0x78: {  	_ =	shalt  }
0x79: {  	_ =	shalt  }
0x7a: {  	_ =	shalt  }
0x7b: {  	_ =	shalt  }
0x7c: {  	_ =	shalt  }
0x7d: {  	_ =	shalt  }
0x7e: {  	_ =	shalt  }
0x7f: {  	_ =	shalt  }
0x80: {  	_ =	shalt  }
0x81: {  	_ =	shalt  }
0x82: {  	_ =	shalt  }
0x83: {  	_ =	shalt  }
0x84: {  	_ =	shalt  }
0x85: {  	_ =	shalt  }
0x86: {  	_ =	shalt  }
0x87: {  	_ =	shalt  }
.Lfunc_end0:
.L_simem_size_0:
called_computation.3_lowered:
.L_overlay_start_0:
0x88: {  	s2 =	sld [smem:$0x3FD9]  }
0x89: {  	s3 =	sld [smem:$0x3FFE];
	_ =	sdelay $0x1  }
0x8a: {  	s1 =	srdreg.scid  }
0x8b: {  	s0 =	sand.u32 $0x1, s1  }
0x8c: {  	s17 =	sshll.u32 s0, $0xA;
	s2 =	sadd.s32 s3, s2  }
0x8d: {  	s2 =	sadd.s32 s2, s17  }
0x8e: {  	[smem:$0x3FBA] =	sst s2  }
0x8f: {  	_ = 	snop  }
0x90: {  	s18 =	sld [smem:$0x3FC9];
	(tm) =	ssettm $0x1  }
0x91: {  	s19 =	sld [smem:$0x3FFB];
	_ =	sdelay $0x3  }
0x92: {  	_ =	strace s19  }
0x93: {  	s2 =	sld [smem:$0x3FFC];
	_ =	sdelay $0x3  }
0x94: {  	_ =	strace s2  }
0x95: {  	s2 =	sld [smem:$0x3FFD];
	_ =	sdelay $0x3  }
0x96: {  	_ =	strace s2  }
0x97: {  	_ =	strace $0x8FFFFFFF  }
0x98: {  	s20 =	sld [smem:$0x3FDB];
	_ =	sdelay $0x1  }
0x99: {  	s4 =	simm.s32 $_scs_section_size  }
0x9a: {  	s5 =	simm.s32 $_size__tile_overlayer_lowered;
	s6 =	simm.s32 $_tile_overlayer_lowered  }
0x9b: {  	s7 =	simm.s32 $0x1BFF;
	s21 =	sshll.u32 s6, $0x1;
	s4 =	sadd.s32 s4, s20  }
0x9c: {  	s22 =	simm.s32 $0x0;
	s5 =	sshll.u32 s5, $0x1;
	s6 =	sadd.s32 s21, s4  }
0x9d: {  	[timem:s22], [sflag:s7] =	dma.local [hbm:s6], s5  }
0x9e: {  	_ =	swait.ge [sflag:s7], s5  }
0x9f: {  	s5 =	ssub.s32 $0x0, s5;
	[sflag:s7] =	ssyncset.done $0x0  }
0xa0: {  	[sflag:s7] =	ssyncadd.s32 s5;
	_ =	sdelay $0x1  }
0xa1: {  	s23 =	simm.s32 $0x1B8B  }
0xa2: {  	_ =	swait.ge [sflag:s23], $0x1  }
0xa3: {  	[sflag:s23] =	ssyncset.done $0x0  }
0xa4: {  	[sflag:s23] =	ssyncadd.s32 $0xFFFFFFFF  }
0xa5: {  	s5 =	sld [smem:$0x0]  }
0xa6: {  	s6 =	sand.u32 $0xFFFFFFFE, s1  }
0xa7: {  	p0 =	sne.s32 s1, s6  }
0xa8: {  	s6 =	sshll.u32 @p0 s6, $0xE  }
0xa9: {  	s6 =	sadd.s32 @p0 $0x11B8D, s6;
	s7 =	sshll.u32 @p0 s5, $0x11  }
0xaa: {  	s6 =	sor.u32 @p0 s7, s6  }
0xab: {  	[sflag:s6] =	ssyncadd.remote.s32 @p0 $0x1;
	_ =	sdelay $0x1  }
0xac: {  	s6 =	simm.s32 @p0 $0x1B8D  }
0xad: {  	_ =	swait.eq @p0 [sflag:s6], $0x1  }
0xae: {  	[sflag:s6] =	ssyncadd.s32 @p0 $0xFFFFFFFF  }
0xaf: {  	s7 =	sshll.u32 @!p0 s1, $0xE  }
0xb0: {  	s7 =	sor.u32 @!p0 $0x4000, s7;
	s6 =	simm.s32 @!p0 $0x1B8D  }
0xb1: {  	s5 =	sshll.u32 @!p0 s5, $0x11;
	s7 =	sadd.s32 @!p0 $0x11B8D, s7;
	_ =	swait.eq @!p0 [sflag:s6], $0x1  }
0xb2: {  	s5 =	sor.u32 @!p0 s5, s7;
	[sflag:s6] =	ssyncadd.s32 @!p0 $0xFFFFFFFF  }
0xb3: {  	s25 =	simm.s32 $0x1B8E;
	s24 =	sld [smem:$0x3FFE];
	[sflag:s5] =	ssyncadd.remote.s32 @!p0 $0x1  }
0xb4: {  	s26 =	simm.s32 $execute0_lowered;
	[smem:$0x3FD2] =	sst s25  }
0xb5: {  	s6 =	sshll.u32 s26, $0x1;
	_ =	strace $0x8000004F;
	[dreg:$0x1] =	wrdreg $0xFFFFFFFF  }
0xb6: {  	s28 =	simm.s32 $_size_execute0_lowered;
	s4 =	sadd.s32 s4, s6;
	[dreg:$0x0] =	wrdreg $0x0  }
0xb7: {  	s6 =	sshll.u32 s28, $0x1;
	[dreg:$0x2] =	wrdreg s4  }
0xb8: {  	[dreg:$0x3] =	wrdreg s6  }
0xb9: {  	[dreg:$0x4] =	wrdreg $0xC0  }
0xba: {  	_ =	task [dreg:s22], $0x5FFFF  }
0xbb: {  	[dreg:$0x1] =	wrdreg $0xFFFFFFFF  }
0xbc: {  	[dreg:$0x0] =	wrdreg $0x60  }
0xbd: {  	[dreg:$0x2] =	wrdreg s18  }
0xbe: {  	[dreg:$0x3] =	wrdreg s24  }
0xbf: {  	[dreg:$0x4] =	wrdreg $0x9  }
0xc0: {  	_ =	task.clear_ibuf [dreg:s22], $0x5FFFF;
	_ =	strace $0x9000004F  }
0xc1: {  	s29 =	simm.s32 $0x9;
	_ =	strace $0x80000051  }
0xc2: {  	_ =	swait.ge [sflag:s29], $0x1  }
0xc3: {  	[sflag:s29] =	ssyncadd.s32 $0xFFFFFFFF  }
0xc4: {  	_ =	strace $0x90000051  }
0xc5: {  	_ =	sfence  }
0xc6: {  	s30 =	sld [smem:$0x0];
	_ =	sdelay $0x2  }
0xc7: {  	s31 =	sshll.u32 s1, $0xD;
	s1 =	sshrl.u32 s1, $0x2  }
0xc8: {  	s4 =	sand.u32 $0x4000, s31;
	s1 =	sadd.s32 s1, s30  }
0xc9: {  	s0 =	sor.u32 s4, s0;
	s1 =	sshll.u32 s1, $0x11  }
0xca: {  	s0 =	sor.u32 s1, s0  }
0xcb: {  	s0 =	sadd.s32 $0x8F2B, s0  }
0xcc: {  	[sflag:s0] =	ssyncadd.remote.s32 $0x1  }
0xcd: {  	_ =	sfence.sel $0xFFFF  }
0xce: {  	[dreg:$0x0] =	wrdreg $0xFFFFFFFF;
	(pc) =	sbr.abs _section_cstart, $3  }
0xcf: {  	[dreg:$0x1] =	wrdreg $0xFFFFFFFF  }
0xd0: {  	_ =	task.clear_ibuf [dreg:s22], $0x2FFFF;
	_ =	strace $0x9FFFFFFF  }
0xd1: {  	(tm) =	ssettm $0x7FFFFFFF  }
tec
execute0_lowered:
.L_overlay_start_1:
0x0: {  	(tag) =	ssettag $0x1  }
0x1: {  	s2 =	rddreg [dreg:$0x0];
	s1 =	srdreg.scid  }
0x2: {  	s0 =	stileid.u32;
	s4 =	rddreg [dreg:$0x1];
	s3 =	simm.s32 $0x0  }
0x3: {  	s11 =	simm.s32 $0x1000;
	s12 =	simm.s32 $0x7400;
	s13 =	simm.s32 $0xD800  }
0x4: {  	s14 =	simm.s32 $0x13C00;
	s15 =	simm.s32 $0x1;
	s16 =	simm.s32 $0x2  }
0x5: {  	s17 =	simm.s32 $0x400;
	s18 =	simm.s32 $0x3;
	s19 =	simm.s32 $0x4  }
0x6: {  	s20 =	simm.s32 $0x0;
	s5 =	sand.u32 $0x1, s1;
	s1 =	rddreg [dreg:$0x2]  }
0x7: {  	s6 =	sshll.u32 s0, $0x1;
	[smem:$0x7FF] =	sst s3;
	s7 =	smul.u32 $0x1F400, s0  }
0x8: {  	s6 =	sor.u32 s5, s6;
	s8 =	ssub.s32 $0x2, s5;
	s10 =	smul.u32 $0xFA00, s5  }
0x9: {  	s6 =	smul.u32 $0x7D0, s6;
	s9 =	sshrl.u32 s8, $0x1;
	s29 =	sadd.s32 s7, s4  }
0xa: {  	_ =	strace $0x80000050;
	s30 =	ssub.s32 s8, s9;
	s31 =	sadd.s32 s10, s29  }
0xb: {  	s8 =	simm.s32 $0x5;
	s9 =	simm.s32 $0x800;
	s6 =	sshrl.u32 s6, $0x3  }
0xc: {  	s10 =	simm.s32 $0xC8;
	s7 =	sadd.s32 $0x5F3200, s31;
	s28 =	sadd.s32 s6, s4  }
0xd: {  	s6 =	smax.u32 s30, $0x1;
	s4 =	sadd.s32 $0xD200, s28;
	s5 =	sadd.s32 $0xB200, s28  }
.LBB2_1:
0xe: {  	[tilespmem:s3], [sflag:$0x5] =	stream.linear.gather [hbm4b:s4+s3], $0x7D0, $0x38;
	[tilespmem:$0x1A000] =	vst v63  }
0xf: {  	_ =	swait.ge [sflag:s8], $0x7D0  }
0x10: {  	[sflag:s8] =	ssyncset.done $0x0  }
0x11: {  	[sflag:s8] =	ssyncadd.s32 $0xFFFFF830  }
0x12: {  	[tilespmem:s9], [sflag:$0x5] =	stream.linear.gather [hbm4b:s5+s3], $0x7D0, $0x38;
	[tilespmem:$0x1A000] =	vst v63  }
0x13: {  	_ =	swait.ge [sflag:s8], $0x7D0  }
0x14: {  	[sflag:s8] =	ssyncset.done $0x0  }
0x15: {  	s21 =	simm.s32 $0x0;
	[sflag:s8] =	ssyncadd.s32 $0xFFFFF830  }
0x16: {  	[tilespmem:s11], [sflag:$0x1] =	stream.indirect.gather [hbm4b:s2+s10], $0x80, s21, s10, $0xb8;
	[tilespmem:$0x1A000] =	vst v63  }
0x17: {  	s30 =	simm.s32 $0x800  }
0x18: {  	[tilespmem:s12], [sflag:$0x1] =	stream.indirect.gather [hbm4b:s2+s10], $0x80, s30, s10, $0xb8;
	[tilespmem:$0x1A000] =	vst v63  }
0x19: {  	_ = 	snop  }
0x1a: {  	[tilespmem:s13], [sflag:$0x2] =	stream.indirect.gather [hbm4b:s2+s10], $0x80, s10, s10, $0xb8;
	[tilespmem:$0x1A000] =	vst v63  }
0x1b: {  	s21 =	simm.s32 $0x8C8  }
0x1c: {  	[tilespmem:s14], [sflag:$0x2] =	stream.indirect.gather [hbm4b:s2+s10], $0x80, s21, s10, $0xb8;
	[tilespmem:$0x1A000] =	vst v63  }
0x1d: {  	_ =	swait.ge [sflag:s15], $0x6400  }
0x1e: {  	[sflag:s15] =	ssyncset.done $0x0  }
0x1f: {  	[sflag:s15] =	ssyncadd.s32 $0xFFFF9C00  }
0x20: {  	_ =	swait.ge [sflag:s15], $0x6400  }
0x21: {  	[sflag:s15] =	ssyncset.done $0x0  }
0x22: {  	[sflag:s15] =	ssyncadd.s32 $0xFFFF9C00  }
0x23: {  	_ =	swait.ge [sflag:s16], $0x6400  }
0x24: {  	[sflag:s16] =	ssyncset.done $0x0  }
0x25: {  	[sflag:s16] =	ssyncadd.s32 $0xFFFF9C00  }
0x26: {  	_ =	swait.ge [sflag:s16], $0x6400  }
0x27: {  	[sflag:s16] =	ssyncset.done $0x0  }
0x28: {  	s22 =	sadd.s32 $0x0, s7;
	[sflag:s16] =	ssyncadd.s32 $0xFFFF9C00  }
0x29: {  	[hbm4b:s22+s17] =	stream.strided.scatter [tilespmem:s11], [sflag:$0x3], $0x6400, s9, s17, $0x38;
	[tilespmem:$0x1A000] =	vst v63  }
0x2a: {  	s23 =	sadd.s32 $0x80, s22  }
0x2b: {  	[hbm4b:s23+s17] =	stream.strided.scatter [tilespmem:s12], [sflag:$0x3], $0x6400, s9, s17, $0x38;
	[tilespmem:$0x1A000] =	vst v63  }
0x2c: {  	s31 =	sadd.s32 $0x1900, s22  }
0x2d: {  	[hbm4b:s31+s17] =	stream.strided.scatter [tilespmem:s13], [sflag:$0x4], $0x6400, s9, s17, $0x38;
	[tilespmem:$0x1A000] =	vst v63  }
0x2e: {  	s22 =	sadd.s32 $0x1980, s22  }
0x2f: {  	[hbm4b:s22+s17] =	stream.strided.scatter [tilespmem:s14], [sflag:$0x4], $0x6400, s9, s17, $0x38;
	[tilespmem:$0x1A000] =	vst v63  }
0x30: {  	_ =	swait.ge [sflag:s18], $0x6400  }
0x31: {  	[sflag:s18] =	ssyncset.done $0x0  }
0x32: {  	[sflag:s18] =	ssyncadd.s32 $0xFFFF9C00  }
0x33: {  	_ =	swait.ge [sflag:s18], $0x6400  }
0x34: {  	[sflag:s18] =	ssyncset.done $0x0  }
0x35: {  	[sflag:s18] =	ssyncadd.s32 $0xFFFF9C00  }
0x36: {  	_ =	swait.ge [sflag:s19], $0x6400  }
0x37: {  	[sflag:s19] =	ssyncset.done $0x0  }
0x38: {  	[sflag:s19] =	ssyncadd.s32 $0xFFFF9C00  }
0x39: {  	s24 =	simm.s32 $0x6400;
	_ =	swait.ge [sflag:s19], $0x6400  }
0x3a: {  	s23 =	simm.s32 $0x258;
	s22 =	simm.s32 $0x3200;
	[sflag:s19] =	ssyncset.done $0x0  }
.LBB2_2:
0x3b: {  	s25 =	sadd.s32 $0xFFFFFF38, s23  }
0x3c: {  	[sflag:s19] =	ssyncadd.s32 $0xFFFF9C00;
	s21 =	sadd.s32 $0x190, s21;
	s26 =	smov.u32 s24  }
0x3d: {  	[tilespmem:s11], [sflag:$0x1] =	stream.indirect.gather [hbm4b:s2+s10], $0x80, s25, s10, $0xb8;
	[tilespmem:$0x1A000] =	vst v63  }
0x3e: {  	p0 =	sne.s32 s24, $0xC800;
	s24 =	sadd.s32 $0x3200, s24;
	s25 =	sadd.s32 $0xFFFFFF38, s21  }
0x3f: {  	[tilespmem:s12], [sflag:$0x1] =	stream.indirect.gather [hbm4b:s2+s10], $0x80, s25, s10, $0xb8;
	[tilespmem:$0x1A000] =	vst v63  }
0x40: {  	_ = 	snop  }
0x41: {  	[tilespmem:s13], [sflag:$0x2] =	stream.indirect.gather [hbm4b:s2+s10], $0x80, s23, s10, $0xb8;
	[tilespmem:$0x1A000] =	vst v63  }
0x42: {  	_ = 	snop  }
0x43: {  	[tilespmem:s14], [sflag:$0x2] =	stream.indirect.gather [hbm4b:s2+s10], $0x80, s21, s10, $0xb8;
	[tilespmem:$0x1A000] =	vst v63  }
0x44: {  	_ =	swait.ge [sflag:s15], $0x6400  }
0x45: {  	[sflag:s15] =	ssyncset.done $0x0  }
0x46: {  	[sflag:s15] =	ssyncadd.s32 $0xFFFF9C00  }
0x47: {  	_ =	swait.ge [sflag:s15], $0x6400  }
0x48: {  	[sflag:s15] =	ssyncset.done $0x0  }
0x49: {  	[sflag:s15] =	ssyncadd.s32 $0xFFFF9C00  }
0x4a: {  	_ =	swait.ge [sflag:s16], $0x6400  }
0x4b: {  	[sflag:s16] =	ssyncset.done $0x0  }
0x4c: {  	[sflag:s16] =	ssyncadd.s32 $0xFFFF9C00  }
0x4d: {  	_ =	swait.ge [sflag:s16], $0x6400  }
0x4e: {  	[sflag:s16] =	ssyncset.done $0x0  }
0x4f: {  	s25 =	sadd.s32 s22, s7;
	s22 =	smov.u32 s26;
	[sflag:s16] =	ssyncadd.s32 $0xFFFF9C00  }
0x50: {  	[hbm4b:s25+s17] =	stream.strided.scatter [tilespmem:s11], [sflag:$0x3], $0x6400, s9, s17, $0x38;
	[tilespmem:$0x1A000] =	vst v63  }
0x51: {  	s26 =	sadd.s32 $0x80, s25  }
0x52: {  	[hbm4b:s26+s17] =	stream.strided.scatter [tilespmem:s12], [sflag:$0x3], $0x6400, s9, s17, $0x38;
	[tilespmem:$0x1A000] =	vst v63  }
0x53: {  	s26 =	sadd.s32 $0x1900, s25  }
0x54: {  	[hbm4b:s26+s17] =	stream.strided.scatter [tilespmem:s13], [sflag:$0x4], $0x6400, s9, s17, $0x38;
	[tilespmem:$0x1A000] =	vst v63  }
0x55: {  	s25 =	sadd.s32 $0x1980, s25  }
0x56: {  	[hbm4b:s25+s17] =	stream.strided.scatter [tilespmem:s14], [sflag:$0x4], $0x6400, s9, s17, $0x38;
	[tilespmem:$0x1A000] =	vst v63  }
0x57: {  	_ =	swait.ge [sflag:s18], $0x6400  }
0x58: {  	[sflag:s18] =	ssyncset.done $0x0  }
0x59: {  	[sflag:s18] =	ssyncadd.s32 $0xFFFF9C00  }
0x5a: {  	_ =	swait.ge [sflag:s18], $0x6400  }
0x5b: {  	[sflag:s18] =	ssyncset.done $0x0  }
0x5c: {  	[sflag:s18] =	ssyncadd.s32 $0xFFFF9C00  }
.Ltmp0:
0x5d: {  	_ =	swait.ge [sflag:s19], $0x6400;
	(pc) =	sbr.rel @p0 .LBB2_2-.Ltmp0, $4  }
0x5e: {  	[sflag:s19] =	ssyncset.done $0x0  }
0x5f: {  	[sflag:s19] =	ssyncadd.s32 $0xFFFF9C00  }
0x60: {  	_ =	swait.ge [sflag:s19], $0x6400  }
0x61: {  	s23 =	sadd.s32 $0x190, s23;
	[sflag:s19] =	ssyncset.done $0x0  }
0x62: {  	s24 =	sadd.s32 $0xFFFFFF38, s23;
	[sflag:s19] =	ssyncadd.s32 $0xFFFF9C00;
	s21 =	sadd.s32 $0x190, s21  }
0x63: {  	[tilespmem:s11], [sflag:$0x1] =	stream.indirect.gather [hbm4b:s2+s10], $0x80, s24, s10, $0xb8;
	[tilespmem:$0x1A000] =	vst v63  }
0x64: {  	s29 =	sadd.s32 $0xFFFFFF38, s21  }
0x65: {  	[tilespmem:s12], [sflag:$0x1] =	stream.indirect.gather [hbm4b:s2+s10], $0x80, s29, s10, $0xb8;
	[tilespmem:$0x1A000] =	vst v63  }
0x66: {  	_ = 	snop  }
0x67: {  	[tilespmem:s13], [sflag:$0x2] =	stream.indirect.gather [hbm4b:s2+s10], $0x80, s23, s10, $0xb8;
	[tilespmem:$0x1A000] =	vst v63  }
0x68: {  	_ = 	snop  }
0x69: {  	[tilespmem:s14], [sflag:$0x2] =	stream.indirect.gather [hbm4b:s2+s10], $0x80, s21, s10, $0xb8;
	[tilespmem:$0x1A000] =	vst v63  }
0x6a: {  	_ =	swait.ge [sflag:s15], $0x6400  }
0x6b: {  	[sflag:s15] =	ssyncset.done $0x0  }
0x6c: {  	[sflag:s15] =	ssyncadd.s32 $0xFFFF9C00  }
0x6d: {  	_ =	swait.ge [sflag:s15], $0x6400  }
0x6e: {  	[sflag:s15] =	ssyncset.done $0x0  }
0x6f: {  	[sflag:s15] =	ssyncadd.s32 $0xFFFF9C00  }
0x70: {  	_ =	swait.ge [sflag:s16], $0x6400  }
0x71: {  	[sflag:s16] =	ssyncset.done $0x0  }
0x72: {  	[sflag:s16] =	ssyncadd.s32 $0xFFFF9C00  }
0x73: {  	_ =	swait.ge [sflag:s16], $0x6400  }
0x74: {  	[sflag:s16] =	ssyncset.done $0x0  }
0x75: {  	s30 =	sadd.s32 s22, s7;
	[sflag:s16] =	ssyncadd.s32 $0xFFFF9C00  }
0x76: {  	[hbm4b:s30+s17] =	stream.strided.scatter [tilespmem:s11], [sflag:$0x3], $0x6400, s9, s17, $0x38;
	[tilespmem:$0x1A000] =	vst v63  }
0x77: {  	s22 =	sadd.s32 $0x80, s30  }
0x78: {  	[hbm4b:s22+s17] =	stream.strided.scatter [tilespmem:s12], [sflag:$0x3], $0x6400, s9, s17, $0x38;
	[tilespmem:$0x1A000] =	vst v63  }
0x79: {  	s31 =	sadd.s32 $0x1900, s30  }
0x7a: {  	[hbm4b:s31+s17] =	stream.strided.scatter [tilespmem:s13], [sflag:$0x4], $0x6400, s9, s17, $0x38;
	[tilespmem:$0x1A000] =	vst v63  }
0x7b: {  	s21 =	sadd.s32 $0x1980, s30  }
0x7c: {  	[hbm4b:s21+s17] =	stream.strided.scatter [tilespmem:s14], [sflag:$0x4], $0x6400, s9, s17, $0x38;
	[tilespmem:$0x1A000] =	vst v63  }
0x7d: {  	_ =	swait.ge [sflag:s18], $0x6400  }
0x7e: {  	[sflag:s18] =	ssyncset.done $0x0  }
0x7f: {  	[sflag:s18] =	ssyncadd.s32 $0xFFFF9C00  }
0x80: {  	_ =	swait.ge [sflag:s18], $0x6400  }
0x81: {  	[sflag:s18] =	ssyncset.done $0x0  }
0x82: {  	s20 =	sadd.s32 $0x1, s20;
	[sflag:s18] =	ssyncadd.s32 $0xFFFF9C00  }
0x83: {  	p0 =	sne.s32 s20, s6;
	_ =	swait.ge [sflag:s19], $0x6400  }
.Ltmp1:
0x84: {  	[sflag:s19] =	ssyncset.done $0x0;
	(pc) =	sbr.rel @p0 .LBB2_1-.Ltmp1, $4  }
0x85: {  	[sflag:s19] =	ssyncadd.s32 $0xFFFF9C00  }
0x86: {  	_ =	swait.ge [sflag:s19], $0x6400  }
0x87: {  	[sflag:s19] =	ssyncset.done $0x0  }
0x88: {  	[sflag:s19] =	ssyncadd.s32 $0xFFFF9C00  }
0x89: {  	_ =	sfence.sel $0x180000  }
0x8a: {  	[bflag:$0x0] =	sbarrier.arrive $0xFFFF  }
0x8b: {  	p0 =	sne.s32 s0, $0x0;
	_ =	strace $0x90000050  }
0x8c: {  	s0 =	sadd.s32 @!p0 $0x100000, s1;
	[bflag:$0x2] =	sbarrier.arrive $0xFFFF  }
0x8d: {  	[sflag:s0] =	ssyncadd.tile.s32 @!p0 $0x1;
	_ =	shalt  }
.Lfunc_end2:
_tile_overlayer_lowered:
.L_overlay_start_2:
0x8e: {  	(tag) =	ssettag $0x2  }
0x8f: {  	s0 =	rddreg [dreg:$0x0];
	s2 =	stileid.u32  }
0x90: {  	s1 =	rddreg [dreg:$0x1];
	p0 =	sne.s32 s2, $0x0  }
0x91: {  	s3 =	rddreg [dreg:$0x2];
	[bflag:$0x3] =	sbarrier.arrive $0xFFFF;
	s2 =	simm.s32 @!p0 $0x1C05  }
0x92: {  	[timem:s3], [sflag:s2] =	dma.local @!p0 [hbm:s0], s1  }
0x93: {  	s0 =	simm.s32 @!p0 $0x5  }
0x94: {  	_ =	swait.ge @!p0 [sflag:s0], s1  }
0x95: {  	s1 =	ssub.s32 @!p0 $0x0, s1;
	[sflag:s0] =	ssyncset.done @!p0 $0x0  }
0x96: {  	[sflag:s0] =	ssyncadd.s32 @!p0 s1  }
0x97: {  	[bflag:$0x3] =	sbarrier.arrive $0xFFFF  }
0x98: {  	_ =	shalt  }

// kernel: kernel.27.cloned.1.call-start
scs
__scs_entry_jumppad:
0x0: {  	(pc) =	sbr.rel $0x88, $3  }
0x1: {  	(tag) =	ssettag $0x0;
	lr =	simm.s32 $0x1  }
0x2: {  	[smem:$0x3F93] =	sst lr;
	_ =	strace $0xD0000000  }
0x3: {  	_ = 	snop  }
0x4: {  	_ = 	snop  }
0x5: {  	_ = 	snop  }
0x6: {  	_ = 	snop  }
0x7: {  	_ = 	snop  }
__scs_overlays_trampoline_lowered:
0x8: {  	[smem:$0x3FA2] =	sst s0  }
0x9: {  	[smem:$0x3FA3] =	sst s1  }
0xa: {  	[smem:$0x3FA4] =	sst s2  }
0xb: {  	[smem:$0x3FA5] =	sst s3  }
0xc: {  	[smem:$0x3FA6] =	sst s4  }
0xd: {  	[smem:$0x3FA7] =	sst s5  }
0xe: {  	[smem:$0x3FA8] =	sst s6  }
0xf: {  	[smem:$0x3FA9] =	sst s7  }
0x10: {  	[smem:$0x3FAA] =	sst s8  }
0x11: {  	[smem:$0x3FAB] =	sst s9;
	s0 =	simm.s32 @!p0 $0x0  }
0x12: {  	s1 =	sld [smem:$0x3F91];
	s0 =	simm.s32 @p0 $0x1  }
0x13: {  	[smem:$0x3FAC] =	sst s0;
	s0 =	simm.s32 @!p1 $0x0  }
0x14: {  	s2 =	sld [smem:$0x3F90];
	s0 =	simm.s32 @p1 $0x1  }
0x15: {  	[smem:$0x3FAD] =	sst s0;
	s0 =	simm.s32 @!p2 $0x0  }
0x16: {  	s3 =	sld [smem:$0x3FDB];
	s0 =	simm.s32 @p2 $0x1  }
0x17: {  	s4 =	simm.s32 $0x1BF5;
	[smem:$0x3FAF] =	sst s0  }
0x18: {  	s0 =	sld [smem:$0x3F92];
	_ =	swait.ge [sflag:s4], $0x0  }
0x19: {  	s7 =	sld [smem:$0x3F93]  }
0x1a: {  	s8 =	sadd.s32 $0xFFFFE003, lr  }
0x1b: {  	s9 =	sadd.s32 $0xFFFFFEF7, lr;
	s5 =	simm.s32 $0xFFFFFFFF;
	p2 =	slt.u32 s8, $0xFFFFF086  }
0x1c: {  	p1 =	slt.u32 s9, $0xF7A;
	s5 =	simm.s32 @!p2 $0x0  }
0x1d: {  	s5 =	simm.s32 @p1 $0x1;
	p0 =	seq.s32 s7, s2  }
0x1e: {  	s7 =	smul.u32 @!p0 $0xF7A, s2;
	p2 =	seq.s32 @!p0 s5, $0x0  }
0x1f: {  	s9 =	smul.u32 $0xF7A, s1;
	s8 =	simm.s32 @!p0 $0x1BF5;
	p2 =	por !p2, p0  }
0x20: {  	[sflag:s8] =	ssyncset.s32 @!p0 $0xFFFFF086;
	s6 =	sadd.s32 @!p0 s3, s7;
	s7 =	simm.s32 @!p0 $0x108  }
0x21: {  	s3 =	sadd.s32 s3, s9;
	s6 =	sadd.s32 @!p0 $0x88, s6;
	s7 =	simm.s32 @p2 $0x1082  }
0x22: {  	[simem:s7], [sflag:s8] =	dma.local @!p0 [hbm:s6], $0xF7A  }
0x23: {  	s9 =	sor.u32 $0xD0000000, s2;
	s6 =	simm.s32 $0x108;
	_ =	swait.ge @!p0 [sflag:s8], $0x0  }
0x24: {  	s3 =	sadd.s32 $0x88, s3;
	s6 =	simm.s32 @!p1 $0x1082;
	[sflag:s4] =	ssyncset.s32 $0xFFFFF086  }
0x25: {  	[simem:s6], [sflag:s4] =	dma.local [hbm:s3], $0xF7A  }
0x26: {  	[smem:$0x3F93] =	sst s1;
	(tag) =	ssettag s2;
	_ =	strace s9  }
0x27: {  	s1 =	sld [smem:$0x3FA3]  }
0x28: {  	s2 =	sld [smem:$0x3FA4]  }
0x29: {  	s4 =	sld [smem:$0x3FA6]  }
0x2a: {  	p0 =	seq.s32 s5, $0x0;
	s5 =	sld [smem:$0x3FA7]  }
0x2b: {  	s6 =	sld [smem:$0x3FA8]  }
0x2c: {  	s7 =	sld [smem:$0x3FA9]  }
0x2d: {  	s3 =	simm.s32 $0x108;
	s8 =	sld [smem:$0x3FAA]  }
0x2e: {  	s3 =	simm.s32 @!p0 $0x1082;
	s9 =	sld [smem:$0x3FAB]  }
0x2f: {  	lr =	sadd.s32 s0, s3;
	s0 =	sld [smem:$0x3FA2]  }
0x30: {  	s3 =	sld [smem:$0x3FA5]  }
0x31: {  	[smem:$0x3FAE] =	sst s10  }
0x32: {  	s10 =	sld [smem:$0x3FAC];
	_ =	sdelay $0x3  }
0x33: {  	p0 =	seq.s32 s10, $0x1;
	s10 =	sld [smem:$0x3FAE];
	_ =	sdelay $0x3  }
0x34: {  	[smem:$0x3FAE] =	sst s10  }
0x35: {  	s10 =	sld [smem:$0x3FAD];
	_ =	sdelay $0x3  }
0x36: {  	p1 =	seq.s32 s10, $0x1;
	s10 =	sld [smem:$0x3FAE];
	_ =	sdelay $0x3  }
0x37: {  	[smem:$0x3FAE] =	sst s10  }
0x38: {  	s10 =	sld [smem:$0x3FAF]  }
0x39: {  	_ = 	snop;
	(pc) =	sbr.ind lr, $3  }
0x3a: {  	_ = 	snop  }
0x3b: {  	_ = 	snop  }
0x3c: {  	p2 =	seq.s32 s10, $0x1;
	s10 =	sld [smem:$0x3FAE]  }
0x3d: {  	_ =	shalt  }
0x3e: {  	_ =	shalt  }
0x3f: {  	_ =	shalt  }
0x40: {  	_ =	shalt  }
0x41: {  	_ =	shalt  }
0x42: {  	_ =	shalt  }
0x43: {  	_ =	shalt  }
0x44: {  	_ =	shalt  }
0x45: {  	_ =	shalt  }
0x46: {  	_ =	shalt  }
0x47: {  	_ =	shalt  }
0x48: {  	_ =	shalt  }
0x49: {  	_ =	shalt  }
0x4a: {  	_ =	shalt  }
0x4b: {  	_ =	shalt  }
0x4c: {  	_ =	shalt  }
0x4d: {  	_ =	shalt  }
0x4e: {  	_ =	shalt  }
0x4f: {  	_ =	shalt  }
0x50: {  	_ =	shalt  }
0x51: {  	_ =	shalt  }
0x52: {  	_ =	shalt  }
0x53: {  	_ =	shalt  }
0x54: {  	_ =	shalt  }
0x55: {  	_ =	shalt  }
0x56: {  	_ =	shalt  }
0x57: {  	_ =	shalt  }
0x58: {  	_ =	shalt  }
0x59: {  	_ =	shalt  }
0x5a: {  	_ =	shalt  }
0x5b: {  	_ =	shalt  }
0x5c: {  	_ =	shalt  }
0x5d: {  	_ =	shalt  }
0x5e: {  	_ =	shalt  }
0x5f: {  	_ =	shalt  }
0x60: {  	_ =	shalt  }
0x61: {  	_ =	shalt  }
0x62: {  	_ =	shalt  }
0x63: {  	_ =	shalt  }
0x64: {  	_ =	shalt  }
0x65: {  	_ =	shalt  }
0x66: {  	_ =	shalt  }
0x67: {  	_ =	shalt  }
0x68: {  	_ =	shalt  }
0x69: {  	_ =	shalt  }
0x6a: {  	_ =	shalt  }
0x6b: {  	_ =	shalt  }
0x6c: {  	_ =	shalt  }
0x6d: {  	_ =	shalt  }
0x6e: {  	_ =	shalt  }
0x6f: {  	_ =	shalt  }
0x70: {  	_ =	shalt  }
0x71: {  	_ =	shalt  }
0x72: {  	_ =	shalt  }
0x73: {  	_ =	shalt  }
0x74: {  	_ =	shalt  }
0x75: {  	_ =	shalt  }
0x76: {  	_ =	shalt  }
0x77: {  	_ =	shalt  }
0x78: {  	_ =	shalt  }
0x79: {  	_ =	shalt  }
0x7a: {  	_ =	shalt  }
0x7b: {  	_ =	shalt  }
0x7c: {  	_ =	shalt  }
0x7d: {  	_ =	shalt  }
0x7e: {  	_ =	shalt  }
0x7f: {  	_ =	shalt  }
0x80: {  	_ =	shalt  }
0x81: {  	_ =	shalt  }
0x82: {  	_ =	shalt  }
0x83: {  	_ =	shalt  }
0x84: {  	_ =	shalt  }
0x85: {  	_ =	shalt  }
0x86: {  	_ =	shalt  }
0x87: {  	_ =	shalt  }
.Lfunc_end0:
.L_simem_size_0:
called_computation.4_lowered:
.L_overlay_start_0:
0x88: {  	s2 =	sld [smem:$0x3FD9]  }
0x89: {  	s3 =	sld [smem:$0x3FFE];
	_ =	sdelay $0x1  }
0x8a: {  	s1 =	srdreg.scid  }
0x8b: {  	s0 =	sand.u32 $0x1, s1  }
0x8c: {  	s17 =	sshll.u32 s0, $0xA;
	s2 =	sadd.s32 s3, s2  }
0x8d: {  	s2 =	sadd.s32 s2, s17  }
0x8e: {  	[smem:$0x3FBA] =	sst s2  }
0x8f: {  	_ = 	snop  }
0x90: {  	s18 =	sld [smem:$0x3FC9];
	(tm) =	ssettm $0x1  }
0x91: {  	s19 =	sld [smem:$0x3FFB];
	_ =	sdelay $0x3  }
0x92: {  	_ =	strace s19  }
0x93: {  	s2 =	sld [smem:$0x3FFC];
	_ =	sdelay $0x3  }
0x94: {  	_ =	strace s2  }
0x95: {  	s2 =	sld [smem:$0x3FFD];
	_ =	sdelay $0x3  }
0x96: {  	_ =	strace s2  }
0x97: {  	_ =	strace $0x8FFFFFFF  }
0x98: {  	s20 =	sld [smem:$0x3FDB];
	_ =	sdelay $0x1  }
0x99: {  	s4 =	simm.s32 $_scs_section_size  }
0x9a: {  	s5 =	simm.s32 $_size__tile_overlayer_lowered;
	s6 =	simm.s32 $_tile_overlayer_lowered  }
0x9b: {  	s7 =	simm.s32 $0x1BFF;
	s21 =	sshll.u32 s6, $0x1;
	s4 =	sadd.s32 s4, s20  }
0x9c: {  	s22 =	simm.s32 $0x0;
	s5 =	sshll.u32 s5, $0x1;
	s6 =	sadd.s32 s21, s4  }
0x9d: {  	[timem:s22], [sflag:s7] =	dma.local [hbm:s6], s5  }
0x9e: {  	_ =	swait.ge [sflag:s7], s5  }
0x9f: {  	s5 =	ssub.s32 $0x0, s5;
	[sflag:s7] =	ssyncset.done $0x0  }
0xa0: {  	[sflag:s7] =	ssyncadd.s32 s5;
	_ =	sdelay $0x1  }
0xa1: {  	s23 =	simm.s32 $0x1B8B  }
0xa2: {  	_ =	swait.ge [sflag:s23], $0x1  }
0xa3: {  	[sflag:s23] =	ssyncset.done $0x0  }
0xa4: {  	[sflag:s23] =	ssyncadd.s32 $0xFFFFFFFF  }
0xa5: {  	s5 =	sld [smem:$0x0]  }
0xa6: {  	s6 =	sand.u32 $0xFFFFFFFE, s1  }
0xa7: {  	p0 =	sne.s32 s1, s6  }
0xa8: {  	s6 =	sshll.u32 @p0 s6, $0xE  }
0xa9: {  	s6 =	sadd.s32 @p0 $0x11B8D, s6;
	s7 =	sshll.u32 @p0 s5, $0x11  }
0xaa: {  	s6 =	sor.u32 @p0 s7, s6  }
0xab: {  	[sflag:s6] =	ssyncadd.remote.s32 @p0 $0x1;
	_ =	sdelay $0x1  }
0xac: {  	s6 =	simm.s32 @p0 $0x1B8D  }
0xad: {  	_ =	swait.eq @p0 [sflag:s6], $0x1  }
0xae: {  	[sflag:s6] =	ssyncadd.s32 @p0 $0xFFFFFFFF  }
0xaf: {  	s7 =	sshll.u32 @!p0 s1, $0xE  }
0xb0: {  	s7 =	sor.u32 @!p0 $0x4000, s7;
	s6 =	simm.s32 @!p0 $0x1B8D  }
0xb1: {  	s5 =	sshll.u32 @!p0 s5, $0x11;
	s7 =	sadd.s32 @!p0 $0x11B8D, s7;
	_ =	swait.eq @!p0 [sflag:s6], $0x1  }
0xb2: {  	s5 =	sor.u32 @!p0 s5, s7;
	[sflag:s6] =	ssyncadd.s32 @!p0 $0xFFFFFFFF  }
0xb3: {  	s25 =	simm.s32 $0x1B8E;
	s24 =	sld [smem:$0x3FFE];
	[sflag:s5] =	ssyncadd.remote.s32 @!p0 $0x1  }
0xb4: {  	s26 =	simm.s32 $execute0_lowered;
	[smem:$0x3FD2] =	sst s25  }
0xb5: {  	s6 =	sshll.u32 s26, $0x1;
	_ =	strace $0x80000052;
	[dreg:$0x1] =	wrdreg $0xFFFFFFFF  }
0xb6: {  	s28 =	simm.s32 $_size_execute0_lowered;
	s4 =	sadd.s32 s4, s6;
	[dreg:$0x0] =	wrdreg $0x0  }
0xb7: {  	s6 =	sshll.u32 s28, $0x1;
	[dreg:$0x2] =	wrdreg s4  }
0xb8: {  	[dreg:$0x3] =	wrdreg s6  }
0xb9: {  	[dreg:$0x4] =	wrdreg $0xC0  }
0xba: {  	_ =	task [dreg:s22], $0x5FFFF  }
0xbb: {  	[dreg:$0x1] =	wrdreg $0xFFFFFFFF  }
0xbc: {  	[dreg:$0x0] =	wrdreg $0x60  }
0xbd: {  	[dreg:$0x2] =	wrdreg s18  }
0xbe: {  	[dreg:$0x3] =	wrdreg s24  }
0xbf: {  	[dreg:$0x4] =	wrdreg $0xA  }
0xc0: {  	_ =	task.clear_ibuf [dreg:s22], $0x5FFFF;
	_ =	strace $0x90000052  }
0xc1: {  	s29 =	simm.s32 $0xA;
	_ =	strace $0x80000054  }
0xc2: {  	_ =	swait.ge [sflag:s29], $0x1  }
0xc3: {  	[sflag:s29] =	ssyncadd.s32 $0xFFFFFFFF  }
0xc4: {  	_ =	strace $0x90000054  }
0xc5: {  	_ =	sfence  }
0xc6: {  	s30 =	sld [smem:$0x0];
	_ =	sdelay $0x2  }
0xc7: {  	s31 =	sshll.u32 s1, $0xD;
	s1 =	sshrl.u32 s1, $0x2  }
0xc8: {  	s4 =	sand.u32 $0x4000, s31;
	s1 =	sadd.s32 s1, s30  }
0xc9: {  	s0 =	sor.u32 s4, s0;
	s1 =	sshll.u32 s1, $0x11  }
0xca: {  	s0 =	sor.u32 s1, s0  }
0xcb: {  	s0 =	sadd.s32 $0x8F2B, s0  }
0xcc: {  	[sflag:s0] =	ssyncadd.remote.s32 $0x1  }
0xcd: {  	_ =	sfence.sel $0xFFFF  }
0xce: {  	[dreg:$0x0] =	wrdreg $0xFFFFFFFF;
	(pc) =	sbr.abs _section_cstart, $3  }
0xcf: {  	[dreg:$0x1] =	wrdreg $0xFFFFFFFF  }
0xd0: {  	_ =	task.clear_ibuf [dreg:s22], $0x2FFFF;
	_ =	strace $0x9FFFFFFF  }
0xd1: {  	(tm) =	ssettm $0x7FFFFFFF  }
tec
execute0_lowered:
.L_overlay_start_1:
0x0: {  	(tag) =	ssettag $0x1  }
0x1: {  	s2 =	rddreg [dreg:$0x0];
	s1 =	srdreg.scid  }
0x2: {  	s0 =	stileid.u32;
	s4 =	rddreg [dreg:$0x1];
	s3 =	simm.s32 $0x0  }
0x3: {  	s11 =	simm.s32 $0x1000;
	s12 =	simm.s32 $0x7400;
	s13 =	simm.s32 $0xD800  }
0x4: {  	s14 =	simm.s32 $0x13C00;
	s15 =	simm.s32 $0x1;
	s16 =	simm.s32 $0x2  }
0x5: {  	s17 =	simm.s32 $0x400;
	s18 =	simm.s32 $0x3;
	s19 =	simm.s32 $0x4  }
0x6: {  	s20 =	simm.s32 $0x0;
	s5 =	sand.u32 $0x1, s1;
	s1 =	rddreg [dreg:$0x2]  }
0x7: {  	s6 =	sshll.u32 s0, $0x1;
	[smem:$0x7FF] =	sst s3;
	s7 =	smul.u32 $0x1F400, s0  }
0x8: {  	s6 =	sor.u32 s5, s6;
	s8 =	ssub.s32 $0x2, s5;
	s10 =	smul.u32 $0xFA00, s5  }
0x9: {  	s6 =	smul.u32 $0x7D0, s6;
	s9 =	sshrl.u32 s8, $0x1;
	s29 =	sadd.s32 s7, s4  }
0xa: {  	_ =	strace $0x80000053;
	s30 =	ssub.s32 s8, s9;
	s31 =	sadd.s32 s10, s29  }
0xb: {  	s8 =	simm.s32 $0x5;
	s9 =	simm.s32 $0x800;
	s6 =	sshrl.u32 s6, $0x3  }
0xc: {  	s10 =	simm.s32 $0xC8;
	s7 =	sadd.s32 $0x7E7200, s31;
	s28 =	sadd.s32 s6, s4  }
0xd: {  	s6 =	smax.u32 s30, $0x1;
	s4 =	sadd.s32 $0x11200, s28;
	s5 =	sadd.s32 $0xF200, s28  }
.LBB2_1:
0xe: {  	[tilespmem:s3], [sflag:$0x5] =	stream.linear.gather [hbm4b:s4+s3], $0x7D0, $0x38;
	[tilespmem:$0x1A000] =	vst v63  }
0xf: {  	_ =	swait.ge [sflag:s8], $0x7D0  }
0x10: {  	[sflag:s8] =	ssyncset.done $0x0  }
0x11: {  	[sflag:s8] =	ssyncadd.s32 $0xFFFFF830  }
0x12: {  	[tilespmem:s9], [sflag:$0x5] =	stream.linear.gather [hbm4b:s5+s3], $0x7D0, $0x38;
	[tilespmem:$0x1A000] =	vst v63  }
0x13: {  	_ =	swait.ge [sflag:s8], $0x7D0  }
0x14: {  	[sflag:s8] =	ssyncset.done $0x0  }
0x15: {  	s21 =	simm.s32 $0x0;
	[sflag:s8] =	ssyncadd.s32 $0xFFFFF830  }
0x16: {  	[tilespmem:s11], [sflag:$0x1] =	stream.indirect.gather [hbm4b:s2+s10], $0x80, s21, s10, $0xb8;
	[tilespmem:$0x1A000] =	vst v63  }
0x17: {  	s30 =	simm.s32 $0x800  }
0x18: {  	[tilespmem:s12], [sflag:$0x1] =	stream.indirect.gather [hbm4b:s2+s10], $0x80, s30, s10, $0xb8;
	[tilespmem:$0x1A000] =	vst v63  }
0x19: {  	_ = 	snop  }
0x1a: {  	[tilespmem:s13], [sflag:$0x2] =	stream.indirect.gather [hbm4b:s2+s10], $0x80, s10, s10, $0xb8;
	[tilespmem:$0x1A000] =	vst v63  }
0x1b: {  	s21 =	simm.s32 $0x8C8  }
0x1c: {  	[tilespmem:s14], [sflag:$0x2] =	stream.indirect.gather [hbm4b:s2+s10], $0x80, s21, s10, $0xb8;
	[tilespmem:$0x1A000] =	vst v63  }
0x1d: {  	_ =	swait.ge [sflag:s15], $0x6400  }
0x1e: {  	[sflag:s15] =	ssyncset.done $0x0  }
0x1f: {  	[sflag:s15] =	ssyncadd.s32 $0xFFFF9C00  }
0x20: {  	_ =	swait.ge [sflag:s15], $0x6400  }
0x21: {  	[sflag:s15] =	ssyncset.done $0x0  }
0x22: {  	[sflag:s15] =	ssyncadd.s32 $0xFFFF9C00  }
0x23: {  	_ =	swait.ge [sflag:s16], $0x6400  }
0x24: {  	[sflag:s16] =	ssyncset.done $0x0  }
0x25: {  	[sflag:s16] =	ssyncadd.s32 $0xFFFF9C00  }
0x26: {  	_ =	swait.ge [sflag:s16], $0x6400  }
0x27: {  	[sflag:s16] =	ssyncset.done $0x0  }
0x28: {  	s22 =	sadd.s32 $0x0, s7;
	[sflag:s16] =	ssyncadd.s32 $0xFFFF9C00  }
0x29: {  	[hbm4b:s22+s17] =	stream.strided.scatter [tilespmem:s11], [sflag:$0x3], $0x6400, s9, s17, $0x38;
	[tilespmem:$0x1A000] =	vst v63  }
0x2a: {  	s23 =	sadd.s32 $0x80, s22  }
0x2b: {  	[hbm4b:s23+s17] =	stream.strided.scatter [tilespmem:s12], [sflag:$0x3], $0x6400, s9, s17, $0x38;
	[tilespmem:$0x1A000] =	vst v63  }
0x2c: {  	s31 =	sadd.s32 $0x1900, s22  }
0x2d: {  	[hbm4b:s31+s17] =	stream.strided.scatter [tilespmem:s13], [sflag:$0x4], $0x6400, s9, s17, $0x38;
	[tilespmem:$0x1A000] =	vst v63  }
0x2e: {  	s22 =	sadd.s32 $0x1980, s22  }
0x2f: {  	[hbm4b:s22+s17] =	stream.strided.scatter [tilespmem:s14], [sflag:$0x4], $0x6400, s9, s17, $0x38;
	[tilespmem:$0x1A000] =	vst v63  }
0x30: {  	_ =	swait.ge [sflag:s18], $0x6400  }
0x31: {  	[sflag:s18] =	ssyncset.done $0x0  }
0x32: {  	[sflag:s18] =	ssyncadd.s32 $0xFFFF9C00  }
0x33: {  	_ =	swait.ge [sflag:s18], $0x6400  }
0x34: {  	[sflag:s18] =	ssyncset.done $0x0  }
0x35: {  	[sflag:s18] =	ssyncadd.s32 $0xFFFF9C00  }
0x36: {  	_ =	swait.ge [sflag:s19], $0x6400  }
0x37: {  	[sflag:s19] =	ssyncset.done $0x0  }
0x38: {  	[sflag:s19] =	ssyncadd.s32 $0xFFFF9C00  }
0x39: {  	s24 =	simm.s32 $0x6400;
	_ =	swait.ge [sflag:s19], $0x6400  }
0x3a: {  	s23 =	simm.s32 $0x258;
	s22 =	simm.s32 $0x3200;
	[sflag:s19] =	ssyncset.done $0x0  }
.LBB2_2:
0x3b: {  	s25 =	sadd.s32 $0xFFFFFF38, s23  }
0x3c: {  	[sflag:s19] =	ssyncadd.s32 $0xFFFF9C00;
	s21 =	sadd.s32 $0x190, s21;
	s26 =	smov.u32 s24  }
0x3d: {  	[tilespmem:s11], [sflag:$0x1] =	stream.indirect.gather [hbm4b:s2+s10], $0x80, s25, s10, $0xb8;
	[tilespmem:$0x1A000] =	vst v63  }
0x3e: {  	p0 =	sne.s32 s24, $0xC800;
	s24 =	sadd.s32 $0x3200, s24;
	s25 =	sadd.s32 $0xFFFFFF38, s21  }
0x3f: {  	[tilespmem:s12], [sflag:$0x1] =	stream.indirect.gather [hbm4b:s2+s10], $0x80, s25, s10, $0xb8;
	[tilespmem:$0x1A000] =	vst v63  }
0x40: {  	_ = 	snop  }
0x41: {  	[tilespmem:s13], [sflag:$0x2] =	stream.indirect.gather [hbm4b:s2+s10], $0x80, s23, s10, $0xb8;
	[tilespmem:$0x1A000] =	vst v63  }
0x42: {  	_ = 	snop  }
0x43: {  	[tilespmem:s14], [sflag:$0x2] =	stream.indirect.gather [hbm4b:s2+s10], $0x80, s21, s10, $0xb8;
	[tilespmem:$0x1A000] =	vst v63  }
0x44: {  	_ =	swait.ge [sflag:s15], $0x6400  }
0x45: {  	[sflag:s15] =	ssyncset.done $0x0  }
0x46: {  	[sflag:s15] =	ssyncadd.s32 $0xFFFF9C00  }
0x47: {  	_ =	swait.ge [sflag:s15], $0x6400  }
0x48: {  	[sflag:s15] =	ssyncset.done $0x0  }
0x49: {  	[sflag:s15] =	ssyncadd.s32 $0xFFFF9C00  }
0x4a: {  	_ =	swait.ge [sflag:s16], $0x6400  }
0x4b: {  	[sflag:s16] =	ssyncset.done $0x0  }
0x4c: {  	[sflag:s16] =	ssyncadd.s32 $0xFFFF9C00  }
0x4d: {  	_ =	swait.ge [sflag:s16], $0x6400  }
0x4e: {  	[sflag:s16] =	ssyncset.done $0x0  }
0x4f: {  	s25 =	sadd.s32 s22, s7;
	s22 =	smov.u32 s26;
	[sflag:s16] =	ssyncadd.s32 $0xFFFF9C00  }
0x50: {  	[hbm4b:s25+s17] =	stream.strided.scatter [tilespmem:s11], [sflag:$0x3], $0x6400, s9, s17, $0x38;
	[tilespmem:$0x1A000] =	vst v63  }
0x51: {  	s26 =	sadd.s32 $0x80, s25  }
0x52: {  	[hbm4b:s26+s17] =	stream.strided.scatter [tilespmem:s12], [sflag:$0x3], $0x6400, s9, s17, $0x38;
	[tilespmem:$0x1A000] =	vst v63  }
0x53: {  	s26 =	sadd.s32 $0x1900, s25  }
0x54: {  	[hbm4b:s26+s17] =	stream.strided.scatter [tilespmem:s13], [sflag:$0x4], $0x6400, s9, s17, $0x38;
	[tilespmem:$0x1A000] =	vst v63  }
0x55: {  	s25 =	sadd.s32 $0x1980, s25  }
0x56: {  	[hbm4b:s25+s17] =	stream.strided.scatter [tilespmem:s14], [sflag:$0x4], $0x6400, s9, s17, $0x38;
	[tilespmem:$0x1A000] =	vst v63  }
0x57: {  	_ =	swait.ge [sflag:s18], $0x6400  }
0x58: {  	[sflag:s18] =	ssyncset.done $0x0  }
0x59: {  	[sflag:s18] =	ssyncadd.s32 $0xFFFF9C00  }
0x5a: {  	_ =	swait.ge [sflag:s18], $0x6400  }
0x5b: {  	[sflag:s18] =	ssyncset.done $0x0  }
0x5c: {  	[sflag:s18] =	ssyncadd.s32 $0xFFFF9C00  }
.Ltmp0:
0x5d: {  	_ =	swait.ge [sflag:s19], $0x6400;
	(pc) =	sbr.rel @p0 .LBB2_2-.Ltmp0, $4  }
0x5e: {  	[sflag:s19] =	ssyncset.done $0x0  }
0x5f: {  	[sflag:s19] =	ssyncadd.s32 $0xFFFF9C00  }
0x60: {  	_ =	swait.ge [sflag:s19], $0x6400  }
0x61: {  	s23 =	sadd.s32 $0x190, s23;
	[sflag:s19] =	ssyncset.done $0x0  }
0x62: {  	s24 =	sadd.s32 $0xFFFFFF38, s23;
	[sflag:s19] =	ssyncadd.s32 $0xFFFF9C00;
	s21 =	sadd.s32 $0x190, s21  }
0x63: {  	[tilespmem:s11], [sflag:$0x1] =	stream.indirect.gather [hbm4b:s2+s10], $0x80, s24, s10, $0xb8;
	[tilespmem:$0x1A000] =	vst v63  }
0x64: {  	s29 =	sadd.s32 $0xFFFFFF38, s21  }
0x65: {  	[tilespmem:s12], [sflag:$0x1] =	stream.indirect.gather [hbm4b:s2+s10], $0x80, s29, s10, $0xb8;
	[tilespmem:$0x1A000] =	vst v63  }
0x66: {  	_ = 	snop  }
0x67: {  	[tilespmem:s13], [sflag:$0x2] =	stream.indirect.gather [hbm4b:s2+s10], $0x80, s23, s10, $0xb8;
	[tilespmem:$0x1A000] =	vst v63  }
0x68: {  	_ = 	snop  }
0x69: {  	[tilespmem:s14], [sflag:$0x2] =	stream.indirect.gather [hbm4b:s2+s10], $0x80, s21, s10, $0xb8;
	[tilespmem:$0x1A000] =	vst v63  }
0x6a: {  	_ =	swait.ge [sflag:s15], $0x6400  }
0x6b: {  	[sflag:s15] =	ssyncset.done $0x0  }
0x6c: {  	[sflag:s15] =	ssyncadd.s32 $0xFFFF9C00  }
0x6d: {  	_ =	swait.ge [sflag:s15], $0x6400  }
0x6e: {  	[sflag:s15] =	ssyncset.done $0x0  }
0x6f: {  	[sflag:s15] =	ssyncadd.s32 $0xFFFF9C00  }
0x70: {  	_ =	swait.ge [sflag:s16], $0x6400  }
0x71: {  	[sflag:s16] =	ssyncset.done $0x0  }
0x72: {  	[sflag:s16] =	ssyncadd.s32 $0xFFFF9C00  }
0x73: {  	_ =	swait.ge [sflag:s16], $0x6400  }
0x74: {  	[sflag:s16] =	ssyncset.done $0x0  }
0x75: {  	s30 =	sadd.s32 s22, s7;
	[sflag:s16] =	ssyncadd.s32 $0xFFFF9C00  }
0x76: {  	[hbm4b:s30+s17] =	stream.strided.scatter [tilespmem:s11], [sflag:$0x3], $0x6400, s9, s17, $0x38;
	[tilespmem:$0x1A000] =	vst v63  }
0x77: {  	s22 =	sadd.s32 $0x80, s30  }
0x78: {  	[hbm4b:s22+s17] =	stream.strided.scatter [tilespmem:s12], [sflag:$0x3], $0x6400, s9, s17, $0x38;
	[tilespmem:$0x1A000] =	vst v63  }
0x79: {  	s31 =	sadd.s32 $0x1900, s30  }
0x7a: {  	[hbm4b:s31+s17] =	stream.strided.scatter [tilespmem:s13], [sflag:$0x4], $0x6400, s9, s17, $0x38;
	[tilespmem:$0x1A000] =	vst v63  }
0x7b: {  	s21 =	sadd.s32 $0x1980, s30  }
0x7c: {  	[hbm4b:s21+s17] =	stream.strided.scatter [tilespmem:s14], [sflag:$0x4], $0x6400, s9, s17, $0x38;
	[tilespmem:$0x1A000] =	vst v63  }
0x7d: {  	_ =	swait.ge [sflag:s18], $0x6400  }
0x7e: {  	[sflag:s18] =	ssyncset.done $0x0  }
0x7f: {  	[sflag:s18] =	ssyncadd.s32 $0xFFFF9C00  }
0x80: {  	_ =	swait.ge [sflag:s18], $0x6400  }
0x81: {  	[sflag:s18] =	ssyncset.done $0x0  }
0x82: {  	s20 =	sadd.s32 $0x1, s20;
	[sflag:s18] =	ssyncadd.s32 $0xFFFF9C00  }
0x83: {  	p0 =	sne.s32 s20, s6;
	_ =	swait.ge [sflag:s19], $0x6400  }
.Ltmp1:
0x84: {  	[sflag:s19] =	ssyncset.done $0x0;
	(pc) =	sbr.rel @p0 .LBB2_1-.Ltmp1, $4  }
0x85: {  	[sflag:s19] =	ssyncadd.s32 $0xFFFF9C00  }
0x86: {  	_ =	swait.ge [sflag:s19], $0x6400  }
0x87: {  	[sflag:s19] =	ssyncset.done $0x0  }
0x88: {  	[sflag:s19] =	ssyncadd.s32 $0xFFFF9C00  }
0x89: {  	_ =	sfence.sel $0x180000  }
0x8a: {  	[bflag:$0x0] =	sbarrier.arrive $0xFFFF  }
0x8b: {  	p0 =	sne.s32 s0, $0x0;
	_ =	strace $0x90000053  }
0x8c: {  	s0 =	sadd.s32 @!p0 $0x100000, s1;
	[bflag:$0x2] =	sbarrier.arrive $0xFFFF  }
0x8d: {  	[sflag:s0] =	ssyncadd.tile.s32 @!p0 $0x1;
	_ =	shalt  }
.Lfunc_end2:
_tile_overlayer_lowered:
.L_overlay_start_2:
0x8e: {  	(tag) =	ssettag $0x2  }
0x8f: {  	s0 =	rddreg [dreg:$0x0];
	s2 =	stileid.u32  }
0x90: {  	s1 =	rddreg [dreg:$0x1];
	p0 =	sne.s32 s2, $0x0  }
0x91: {  	s3 =	rddreg [dreg:$0x2];
	[bflag:$0x3] =	sbarrier.arrive $0xFFFF;
	s2 =	simm.s32 @!p0 $0x1C05  }
0x92: {  	[timem:s3], [sflag:s2] =	dma.local @!p0 [hbm:s0], s1  }
0x93: {  	s0 =	simm.s32 @!p0 $0x5  }
0x94: {  	_ =	swait.ge @!p0 [sflag:s0], s1  }
0x95: {  	s1 =	ssub.s32 @!p0 $0x0, s1;
	[sflag:s0] =	ssyncset.done @!p0 $0x0  }
0x96: {  	[sflag:s0] =	ssyncadd.s32 @!p0 s1  }
0x97: {  	[bflag:$0x3] =	sbarrier.arrive $0xFFFF  }
0x98: {  	_ =	shalt  }

// kernel: kernel.30.cloned.1.call-start
scs
__scs_entry_jumppad:
0x0: {  	(pc) =	sbr.rel $0x88, $3  }
0x1: {  	(tag) =	ssettag $0x0;
	lr =	simm.s32 $0x1  }
0x2: {  	[smem:$0x3F93] =	sst lr;
	_ =	strace $0xD0000000  }
0x3: {  	_ = 	snop  }
0x4: {  	_ = 	snop  }
0x5: {  	_ = 	snop  }
0x6: {  	_ = 	snop  }
0x7: {  	_ = 	snop  }
__scs_overlays_trampoline_lowered:
0x8: {  	[smem:$0x3FA2] =	sst s0  }
0x9: {  	[smem:$0x3FA3] =	sst s1  }
0xa: {  	[smem:$0x3FA4] =	sst s2  }
0xb: {  	[smem:$0x3FA5] =	sst s3  }
0xc: {  	[smem:$0x3FA6] =	sst s4  }
0xd: {  	[smem:$0x3FA7] =	sst s5  }
0xe: {  	[smem:$0x3FA8] =	sst s6  }
0xf: {  	[smem:$0x3FA9] =	sst s7  }
0x10: {  	[smem:$0x3FAA] =	sst s8  }
0x11: {  	[smem:$0x3FAB] =	sst s9;
	s0 =	simm.s32 @!p0 $0x0  }
0x12: {  	s1 =	sld [smem:$0x3F91];
	s0 =	simm.s32 @p0 $0x1  }
0x13: {  	[smem:$0x3FAC] =	sst s0;
	s0 =	simm.s32 @!p1 $0x0  }
0x14: {  	s2 =	sld [smem:$0x3F90];
	s0 =	simm.s32 @p1 $0x1  }
0x15: {  	[smem:$0x3FAD] =	sst s0;
	s0 =	simm.s32 @!p2 $0x0  }
0x16: {  	s3 =	sld [smem:$0x3FDB];
	s0 =	simm.s32 @p2 $0x1  }
0x17: {  	s4 =	simm.s32 $0x1BF5;
	[smem:$0x3FAF] =	sst s0  }
0x18: {  	s0 =	sld [smem:$0x3F92];
	_ =	swait.ge [sflag:s4], $0x0  }
0x19: {  	s7 =	sld [smem:$0x3F93]  }
0x1a: {  	s8 =	sadd.s32 $0xFFFFE003, lr  }
0x1b: {  	s9 =	sadd.s32 $0xFFFFFEF7, lr;
	s5 =	simm.s32 $0xFFFFFFFF;
	p2 =	slt.u32 s8, $0xFFFFF086  }
0x1c: {  	p1 =	slt.u32 s9, $0xF7A;
	s5 =	simm.s32 @!p2 $0x0  }
0x1d: {  	s5 =	simm.s32 @p1 $0x1;
	p0 =	seq.s32 s7, s2  }
0x1e: {  	s7 =	smul.u32 @!p0 $0xF7A, s2;
	p2 =	seq.s32 @!p0 s5, $0x0  }
0x1f: {  	s9 =	smul.u32 $0xF7A, s1;
	s8 =	simm.s32 @!p0 $0x1BF5;
	p2 =	por !p2, p0  }
0x20: {  	[sflag:s8] =	ssyncset.s32 @!p0 $0xFFFFF086;
	s6 =	sadd.s32 @!p0 s3, s7;
	s7 =	simm.s32 @!p0 $0x108  }
0x21: {  	s3 =	sadd.s32 s3, s9;
	s6 =	sadd.s32 @!p0 $0x88, s6;
	s7 =	simm.s32 @p2 $0x1082  }
0x22: {  	[simem:s7], [sflag:s8] =	dma.local @!p0 [hbm:s6], $0xF7A  }
0x23: {  	s9 =	sor.u32 $0xD0000000, s2;
	s6 =	simm.s32 $0x108;
	_ =	swait.ge @!p0 [sflag:s8], $0x0  }
0x24: {  	s3 =	sadd.s32 $0x88, s3;
	s6 =	simm.s32 @!p1 $0x1082;
	[sflag:s4] =	ssyncset.s32 $0xFFFFF086  }
0x25: {  	[simem:s6], [sflag:s4] =	dma.local [hbm:s3], $0xF7A  }
0x26: {  	[smem:$0x3F93] =	sst s1;
	(tag) =	ssettag s2;
	_ =	strace s9  }
0x27: {  	s1 =	sld [smem:$0x3FA3]  }
0x28: {  	s2 =	sld [smem:$0x3FA4]  }
0x29: {  	s4 =	sld [smem:$0x3FA6]  }
0x2a: {  	p0 =	seq.s32 s5, $0x0;
	s5 =	sld [smem:$0x3FA7]  }
0x2b: {  	s6 =	sld [smem:$0x3FA8]  }
0x2c: {  	s7 =	sld [smem:$0x3FA9]  }
0x2d: {  	s3 =	simm.s32 $0x108;
	s8 =	sld [smem:$0x3FAA]  }
0x2e: {  	s3 =	simm.s32 @!p0 $0x1082;
	s9 =	sld [smem:$0x3FAB]  }
0x2f: {  	lr =	sadd.s32 s0, s3;
	s0 =	sld [smem:$0x3FA2]  }
0x30: {  	s3 =	sld [smem:$0x3FA5]  }
0x31: {  	[smem:$0x3FAE] =	sst s10  }
0x32: {  	s10 =	sld [smem:$0x3FAC];
	_ =	sdelay $0x3  }
0x33: {  	p0 =	seq.s32 s10, $0x1;
	s10 =	sld [smem:$0x3FAE];
	_ =	sdelay $0x3  }
0x34: {  	[smem:$0x3FAE] =	sst s10  }
0x35: {  	s10 =	sld [smem:$0x3FAD];
	_ =	sdelay $0x3  }
0x36: {  	p1 =	seq.s32 s10, $0x1;
	s10 =	sld [smem:$0x3FAE];
	_ =	sdelay $0x3  }
0x37: {  	[smem:$0x3FAE] =	sst s10  }
0x38: {  	s10 =	sld [smem:$0x3FAF]  }
0x39: {  	_ = 	snop;
	(pc) =	sbr.ind lr, $3  }
0x3a: {  	_ = 	snop  }
0x3b: {  	_ = 	snop  }
0x3c: {  	p2 =	seq.s32 s10, $0x1;
	s10 =	sld [smem:$0x3FAE]  }
0x3d: {  	_ =	shalt  }
0x3e: {  	_ =	shalt  }
0x3f: {  	_ =	shalt  }
0x40: {  	_ =	shalt  }
0x41: {  	_ =	shalt  }
0x42: {  	_ =	shalt  }
0x43: {  	_ =	shalt  }
0x44: {  	_ =	shalt  }
0x45: {  	_ =	shalt  }
0x46: {  	_ =	shalt  }
0x47: {  	_ =	shalt  }
0x48: {  	_ =	shalt  }
0x49: {  	_ =	shalt  }
0x4a: {  	_ =	shalt  }
0x4b: {  	_ =	shalt  }
0x4c: {  	_ =	shalt  }
0x4d: {  	_ =	shalt  }
0x4e: {  	_ =	shalt  }
0x4f: {  	_ =	shalt  }
0x50: {  	_ =	shalt  }
0x51: {  	_ =	shalt  }
0x52: {  	_ =	shalt  }
0x53: {  	_ =	shalt  }
0x54: {  	_ =	shalt  }
0x55: {  	_ =	shalt  }
0x56: {  	_ =	shalt  }
0x57: {  	_ =	shalt  }
0x58: {  	_ =	shalt  }
0x59: {  	_ =	shalt  }
0x5a: {  	_ =	shalt  }
0x5b: {  	_ =	shalt  }
0x5c: {  	_ =	shalt  }
0x5d: {  	_ =	shalt  }
0x5e: {  	_ =	shalt  }
0x5f: {  	_ =	shalt  }
0x60: {  	_ =	shalt  }
0x61: {  	_ =	shalt  }
0x62: {  	_ =	shalt  }
0x63: {  	_ =	shalt  }
0x64: {  	_ =	shalt  }
0x65: {  	_ =	shalt  }
0x66: {  	_ =	shalt  }
0x67: {  	_ =	shalt  }
0x68: {  	_ =	shalt  }
0x69: {  	_ =	shalt  }
0x6a: {  	_ =	shalt  }
0x6b: {  	_ =	shalt  }
0x6c: {  	_ =	shalt  }
0x6d: {  	_ =	shalt  }
0x6e: {  	_ =	shalt  }
0x6f: {  	_ =	shalt  }
0x70: {  	_ =	shalt  }
0x71: {  	_ =	shalt  }
0x72: {  	_ =	shalt  }
0x73: {  	_ =	shalt  }
0x74: {  	_ =	shalt  }
0x75: {  	_ =	shalt  }
0x76: {  	_ =	shalt  }
0x77: {  	_ =	shalt  }
0x78: {  	_ =	shalt  }
0x79: {  	_ =	shalt  }
0x7a: {  	_ =	shalt  }
0x7b: {  	_ =	shalt  }
0x7c: {  	_ =	shalt  }
0x7d: {  	_ =	shalt  }
0x7e: {  	_ =	shalt  }
0x7f: {  	_ =	shalt  }
0x80: {  	_ =	shalt  }
0x81: {  	_ =	shalt  }
0x82: {  	_ =	shalt  }
0x83: {  	_ =	shalt  }
0x84: {  	_ =	shalt  }
0x85: {  	_ =	shalt  }
0x86: {  	_ =	shalt  }
0x87: {  	_ =	shalt  }
.Lfunc_end0:
.L_simem_size_0:
called_computation.5_lowered:
.L_overlay_start_0:
0x88: {  	s2 =	sld [smem:$0x3FD9]  }
0x89: {  	s3 =	sld [smem:$0x3FFE];
	_ =	sdelay $0x1  }
0x8a: {  	s1 =	srdreg.scid  }
0x8b: {  	s0 =	sand.u32 $0x1, s1  }
0x8c: {  	s17 =	sshll.u32 s0, $0xA;
	s2 =	sadd.s32 s3, s2  }
0x8d: {  	s2 =	sadd.s32 s2, s17  }
0x8e: {  	[smem:$0x3FBA] =	sst s2  }
0x8f: {  	_ = 	snop  }
0x90: {  	s18 =	sld [smem:$0x3FD0];
	(tm) =	ssettm $0x1  }
0x91: {  	s19 =	sld [smem:$0x3FFB];
	_ =	sdelay $0x3  }
0x92: {  	_ =	strace s19  }
0x93: {  	s2 =	sld [smem:$0x3FFC];
	_ =	sdelay $0x3  }
0x94: {  	_ =	strace s2  }
0x95: {  	s2 =	sld [smem:$0x3FFD];
	_ =	sdelay $0x3  }
0x96: {  	_ =	strace s2  }
0x97: {  	_ =	strace $0x8FFFFFFF  }
0x98: {  	s20 =	sld [smem:$0x3FDB];
	_ =	sdelay $0x1  }
0x99: {  	s4 =	simm.s32 $_scs_section_size  }
0x9a: {  	s5 =	simm.s32 $_size__tile_overlayer_lowered;
	s6 =	simm.s32 $_tile_overlayer_lowered  }
0x9b: {  	s7 =	simm.s32 $0x1BFF;
	s21 =	sshll.u32 s6, $0x1;
	s4 =	sadd.s32 s4, s20  }
0x9c: {  	s22 =	simm.s32 $0x0;
	s5 =	sshll.u32 s5, $0x1;
	s6 =	sadd.s32 s21, s4  }
0x9d: {  	[timem:s22], [sflag:s7] =	dma.local [hbm:s6], s5  }
0x9e: {  	_ =	swait.ge [sflag:s7], s5  }
0x9f: {  	s5 =	ssub.s32 $0x0, s5;
	[sflag:s7] =	ssyncset.done $0x0  }
0xa0: {  	[sflag:s7] =	ssyncadd.s32 s5;
	_ =	sdelay $0x1  }
0xa1: {  	s23 =	simm.s32 $0x1B8B  }
0xa2: {  	_ =	swait.ge [sflag:s23], $0x1  }
0xa3: {  	[sflag:s23] =	ssyncset.done $0x0  }
0xa4: {  	[sflag:s23] =	ssyncadd.s32 $0xFFFFFFFF  }
0xa5: {  	s5 =	sld [smem:$0x0]  }
0xa6: {  	s6 =	sand.u32 $0xFFFFFFFE, s1  }
0xa7: {  	p0 =	sne.s32 s1, s6  }
0xa8: {  	s6 =	sshll.u32 @p0 s6, $0xE  }
0xa9: {  	s6 =	sadd.s32 @p0 $0x11B8D, s6;
	s7 =	sshll.u32 @p0 s5, $0x11  }
0xaa: {  	s6 =	sor.u32 @p0 s7, s6  }
0xab: {  	[sflag:s6] =	ssyncadd.remote.s32 @p0 $0x1;
	_ =	sdelay $0x1  }
0xac: {  	s6 =	simm.s32 @p0 $0x1B8D  }
0xad: {  	_ =	swait.eq @p0 [sflag:s6], $0x1  }
0xae: {  	[sflag:s6] =	ssyncadd.s32 @p0 $0xFFFFFFFF  }
0xaf: {  	s7 =	sshll.u32 @!p0 s1, $0xE  }
0xb0: {  	s7 =	sor.u32 @!p0 $0x4000, s7;
	s6 =	simm.s32 @!p0 $0x1B8D  }
0xb1: {  	s5 =	sshll.u32 @!p0 s5, $0x11;
	s7 =	sadd.s32 @!p0 $0x11B8D, s7;
	_ =	swait.eq @!p0 [sflag:s6], $0x1  }
0xb2: {  	s5 =	sor.u32 @!p0 s5, s7;
	[sflag:s6] =	ssyncadd.s32 @!p0 $0xFFFFFFFF  }
0xb3: {  	s25 =	simm.s32 $0x1B8E;
	s24 =	sld [smem:$0x3FFE];
	[sflag:s5] =	ssyncadd.remote.s32 @!p0 $0x1  }
0xb4: {  	s26 =	simm.s32 $execute0_lowered;
	[smem:$0x3FD2] =	sst s25  }
0xb5: {  	s6 =	sshll.u32 s26, $0x1;
	_ =	strace $0x80000055;
	[dreg:$0x1] =	wrdreg $0xFFFFFFFF  }
0xb6: {  	s28 =	simm.s32 $_size_execute0_lowered;
	s4 =	sadd.s32 s4, s6;
	[dreg:$0x0] =	wrdreg $0x0  }
0xb7: {  	s6 =	sshll.u32 s28, $0x1;
	[dreg:$0x2] =	wrdreg s4  }
0xb8: {  	[dreg:$0x3] =	wrdreg s6  }
0xb9: {  	[dreg:$0x4] =	wrdreg $0xC0  }
0xba: {  	_ =	task [dreg:s22], $0x5FFFF  }
0xbb: {  	[dreg:$0x1] =	wrdreg $0xFFFFFFFF  }
0xbc: {  	[dreg:$0x0] =	wrdreg $0x60  }
0xbd: {  	[dreg:$0x2] =	wrdreg s24  }
0xbe: {  	[dreg:$0x3] =	wrdreg s18  }
0xbf: {  	[dreg:$0x4] =	wrdreg $0x65000  }
0xc0: {  	[dreg:$0x5] =	wrdreg $0xB  }
0xc1: {  	_ =	task.clear_ibuf [dreg:s22], $0x6FFFF;
	_ =	strace $0x90000055  }
0xc2: {  	s29 =	simm.s32 $0xB;
	_ =	strace $0x80000057  }
0xc3: {  	_ =	swait.ge [sflag:s29], $0x1  }
0xc4: {  	[sflag:s29] =	ssyncadd.s32 $0xFFFFFFFF  }
0xc5: {  	_ =	strace $0x90000057  }
0xc6: {  	_ =	sfence  }
0xc7: {  	s30 =	sld [smem:$0x0];
	_ =	sdelay $0x2  }
0xc8: {  	s31 =	sshll.u32 s1, $0xD;
	s1 =	sshrl.u32 s1, $0x2  }
0xc9: {  	s4 =	sand.u32 $0x4000, s31;
	s1 =	sadd.s32 s1, s30  }
0xca: {  	s0 =	sor.u32 s4, s0;
	s1 =	sshll.u32 s1, $0x11  }
0xcb: {  	s0 =	sor.u32 s1, s0  }
0xcc: {  	s0 =	sadd.s32 $0x8F2B, s0  }
0xcd: {  	[sflag:s0] =	ssyncadd.remote.s32 $0x1  }
0xce: {  	_ =	sfence.sel $0xFFFF  }
0xcf: {  	[dreg:$0x0] =	wrdreg $0xFFFFFFFF;
	(pc) =	sbr.abs _section_cstart, $3  }
0xd0: {  	[dreg:$0x1] =	wrdreg $0xFFFFFFFF  }
0xd1: {  	_ =	task.clear_ibuf [dreg:s22], $0x2FFFF;
	_ =	strace $0x9FFFFFFF  }
0xd2: {  	(tm) =	ssettm $0x7FFFFFFF  }
0xd3: {  	_ =	shalt  }
tec
execute0_lowered:
.L_overlay_start_1:
0x0: {  	(tag) =	ssettag $0x1  }
0x1: {  	s5 =	rddreg [dreg:$0x0]  }
0x2: {  	s13 =	rddreg [dreg:$0x1];
	s1 =	stileid.u32  }
0x3: {  	s2 =	rddreg [dreg:$0x2];
	s4 =	smul.u32 $0xFA00, s1  }
0x4: {  	s0 =	rddreg [dreg:$0x3];
	s7 =	smul.u32 $0x2800, s1  }
0x5: {  	s3 =	simm.s32 $0x0;
	s6 =	srdreg.scid;
	s10 =	smul.u32 $0x50000, s1  }
0x6: {  	s17 =	simm.s32 $0x1;
	s6 =	sand.u32 $0x1, s6;
	s12 =	smul.u32 $0xFA0, s1  }
0x7: {  	s18 =	simm.s32 $0xC8;
	s19 =	simm.s32 $0x0;
	s8 =	smul.u32 $0x28000, s6  }
0x8: {  	[smem:$0x7FF] =	sst s3;
	s14 =	sshll.u32 s1, $0x6;
	s11 =	smul.u32 $0x7D00, s6  }
0x9: {  	_ =	strace $0x80000056;
	s24 =	ssub.s32 $0x2, s6;
	s15 =	smul.u32 $0x7D0, s6  }
0xa: {  	s9 =	sadd.s32 s4, s5;
	s4 =	sadd.s32 $0x3200, s5;
	s25 =	sshrl.u32 s24, $0x1  }
0xb: {  	s10 =	sshrl.u32 s10, $0x2;
	s7 =	sadd.s32 s7, s8;
	s8 =	ssub.s32 s24, s25  }
0xc: {  	s16 =	sadd.s32 s10, s2;
	s26 =	sadd.s32 s11, s9;
	s28 =	sadd.s32 s15, s12  }
0xd: {  	s15 =	simm.s32 $0x2;
	s7 =	sadd.s32 s7, s5;
	s5 =	sor.u32 $0x1C02, s14  }
0xe: {  	s29 =	sshrl.u32 s28, $0x3;
	s30 =	sadd.s32 $0xFA00, s28;
	s12 =	sadd.s32 $0x1F400, s28  }
0xf: {  	s10 =	sadd.s32 $0x9DB400, s26;
	s14 =	sshrl.u32 s16, $0x3;
	s16 =	simm.s32 $0x100  }
0x10: {  	s6 =	sadd.s32 $0x207200, s7;
	s7 =	smax.u32 s8, $0x1;
	s8 =	sadd.s32 $0x10D200, s26  }
0x11: {  	s9 =	sadd.s32 s29, s13;
	s11 =	sshrl.u32 s30, $0x3;
	s31 =	sshrl.u32 s12, $0x3  }
0x12: {  	s12 =	sadd.s32 $0x13200, s26;
	s11 =	sadd.s32 s11, s13;
	s13 =	sadd.s32 s31, s13  }
.LBB2_1:
0x13: {  	[spmem:s14], [sflag:s5] =	dma.local [hbm:s4], $0x2800  }
0x14: {  	_ =	swait.ge [sflag:s15], $0x2800  }
0x15: {  	[sflag:s15] =	ssyncset.done $0x0  }
0x16: {  	[sflag:s15] =	ssyncadd.s32 $0xFFFFD800  }
0x17: {  	s20 =	sadd.s32 $0x0, s9;
	[bflag:$0x0] =	sbarrier.arrive $0xFFFF  }
0x18: {  	[tilespmem:s3], [sflag:$0x1] =	stream.linear.gather [hbm4b:s20+s3], $0xC8, $0x38;
	[tilespmem:$0x1A500] =	vst v63  }
0x19: {  	_ = 	snop  }
0x1a: {  	[tilespmem:s16], [sflag:$0x1] =	stream.linear.gather [hbm4b:s8+s3], $0x6400, $0x38;
	[tilespmem:$0x1A500] =	vst v63  }
0x1b: {  	_ =	swait.ge [sflag:s17], $0xC8  }
0x1c: {  	[sflag:s17] =	ssyncset.done $0x0  }
0x1d: {  	[sflag:s17] =	ssyncadd.s32 $0xFFFFFF38  }
0x1e: {  	_ =	swait.ge [sflag:s17], $0x6400  }
0x1f: {  	[sflag:s17] =	ssyncset.done $0x0  }
0x20: {  	[sflag:s17] =	ssyncadd.s32 $0xFFFF9C00  }
0x21: {  	[spmem:s2] =	stream.indirect.scatter.add.f32 [tilespmem:s16], [sflag:$0x2], $0x80, s3, s18, $0xb8;
	[tilespmem:$0x1A500] =	vst v63  }
0x22: {  	s22 =	sadd.s32 $0x19, s9;
	_ =	swait.ge [sflag:s15], $0x6400  }
0x23: {  	s23 =	simm.s32 $0x32;
	s20 =	sadd.s32 $0xC80, s8;
	[sflag:s15] =	ssyncset.done $0x0  }
.LBB2_2:
0x24: {  	s24 =	sadd.s32 s23, s9;
	s21 =	simm.s32 $0x0;
	[sflag:s15] =	ssyncadd.s32 $0xFFFF9C00  }
0x25: {  	[tilespmem:s21], [sflag:$0x1] =	stream.linear.gather [hbm4b:s22+s21], $0xC8, $0x38;
	[tilespmem:$0x1A500] =	vst v63  }
0x26: {  	p0 =	sne.s32 s23, $0xE1;
	s23 =	sadd.s32 $0x19, s23;
	s22 =	smov.u32 s24  }
0x27: {  	[tilespmem:s16], [sflag:$0x1] =	stream.linear.gather [hbm4b:s20+s21], $0x6400, $0x38;
	[tilespmem:$0x1A500] =	vst v63  }
0x28: {  	_ =	swait.ge [sflag:s17], $0xC8  }
0x29: {  	[sflag:s17] =	ssyncset.done $0x0  }
0x2a: {  	[sflag:s17] =	ssyncadd.s32 $0xFFFFFF38  }
0x2b: {  	_ =	swait.ge [sflag:s17], $0x6400  }
.Ltmp0:
0x2c: {  	[sflag:s17] =	ssyncset.done $0x0;
	(pc) =	sbr.rel @p0 .LBB2_2-.Ltmp0, $4  }
0x2d: {  	[sflag:s17] =	ssyncadd.s32 $0xFFFF9C00  }
0x2e: {  	[spmem:s2] =	stream.indirect.scatter.add.f32 [tilespmem:s16], [sflag:$0x2], $0x80, s21, s18, $0xb8;
	[tilespmem:$0x1A500] =	vst v63  }
0x2f: {  	_ =	swait.ge [sflag:s15], $0x6400  }
0x30: {  	s20 =	sadd.s32 $0xC80, s20;
	[sflag:s15] =	ssyncset.done $0x0  }
0x31: {  	[sflag:s15] =	ssyncadd.s32 $0xFFFF9C00  }
0x32: {  	[tilespmem:s21], [sflag:$0x1] =	stream.linear.gather [hbm4b:s22+s21], $0xC8, $0x38;
	[tilespmem:$0x1A500] =	vst v63  }
0x33: {  	_ = 	snop  }
0x34: {  	[tilespmem:s16], [sflag:$0x1] =	stream.linear.gather [hbm4b:s20+s21], $0x6400, $0x38;
	[tilespmem:$0x1A500] =	vst v63  }
0x35: {  	_ =	swait.ge [sflag:s17], $0xC8  }
0x36: {  	[sflag:s17] =	ssyncset.done $0x0  }
0x37: {  	[sflag:s17] =	ssyncadd.s32 $0xFFFFFF38  }
0x38: {  	_ =	swait.ge [sflag:s17], $0x6400  }
0x39: {  	p1 =	por $0x1, $0x1;
	[sflag:s17] =	ssyncset.done $0x0  }
.Ltmp1:
0x3a: {  	[sflag:s17] =	ssyncadd.s32 $0xFFFF9C00;
	(pc) =	sbr.rel @!p1 .LBB2_7-.Ltmp1, $4  }
0x3b: {  	[spmem:s2] =	stream.indirect.scatter.add.f32 [tilespmem:s16], [sflag:$0x2], $0x80, s21, s18, $0xb8;
	[tilespmem:$0x1A500] =	vst v63  }
0x3c: {  	p0 =	por $0x0, $0x0;
	_ =	swait.ge [sflag:s15], $0x6400  }
0x3d: {  	s23 =	simm.s32 $0x0;
	p2 =	por $0x0, $0x0;
	[sflag:s15] =	ssyncset.done $0x0  }
0x3e: {  	s22 =	smov.u32 s10;
	s20 =	simm.s32 $0x19;
	[sflag:s15] =	ssyncadd.s32 $0xFFFF9C00  }
0x3f: {  	s22 =	sadd.s32 $0x0, s11  }
0x40: {  	[tilespmem:s21], [sflag:$0x1] =	stream.linear.gather [hbm4b:s22+s21], $0xC8, $0x38;
	[tilespmem:$0x1A500] =	vst v63  }
0x41: {  	_ = 	snop  }
0x42: {  	[tilespmem:s16], [sflag:$0x1] =	stream.linear.gather [hbm4b:s10+s21], $0x6400, $0x38;
	[tilespmem:$0x1A500] =	vst v63  }
0x43: {  	_ =	swait.ge [sflag:s17], $0xC8  }
0x44: {  	[sflag:s17] =	ssyncset.done $0x0  }
0x45: {  	[sflag:s17] =	ssyncadd.s32 $0xFFFFFF38  }
0x46: {  	p3 =	por $0x1, $0x1;
	_ =	swait.ge [sflag:s17], $0x6400  }
.Ltmp2:
0x47: {  	[sflag:s17] =	ssyncset.done $0x0;
	(pc) =	sbr.rel @!p3 .LBB2_5-.Ltmp2, $4  }
0x48: {  	[sflag:s17] =	ssyncadd.s32 $0xFFFF9C00  }
0x49: {  	[spmem:s2] =	stream.indirect.scatter.add.f32 [tilespmem:s16], [sflag:$0x2], $0x80, s21, s18, $0xb8;
	[tilespmem:$0x1A500] =	vst v63  }
0x4a: {  	s24 =	simm.s32 $0x32;
	p2 =	por $0x1, $0x1;
	_ =	swait.ge [sflag:s15], $0x6400  }
0x4b: {  	s23 =	simm.s32 $0x19;
	s22 =	sadd.s32 $0xC80, s10;
	[sflag:s15] =	ssyncset.done $0x0  }
.LBB2_6:
0x4c: {  	s25 =	sadd.s32 s23, s11  }
0x4d: {  	[sflag:s15] =	ssyncadd.s32 $0xFFFF9C00;
	s23 =	smov.u32 s24;
	s26 =	sadd.s32 $0x19, s24  }
0x4e: {  	[tilespmem:s21], [sflag:$0x1] =	stream.linear.gather [hbm4b:s25+s21], $0xC8, $0x38;
	[tilespmem:$0x1A500] =	vst v63  }
0x4f: {  	p3 =	sne.s32 s24, $0xE1  }
0x50: {  	[tilespmem:s16], [sflag:$0x1] =	stream.linear.gather [hbm4b:s22+s21], $0x6400, $0x38;
	[tilespmem:$0x1A500] =	vst v63  }
0x51: {  	_ =	swait.ge [sflag:s17], $0xC8  }
0x52: {  	[sflag:s17] =	ssyncset.done $0x0  }
0x53: {  	[sflag:s17] =	ssyncadd.s32 $0xFFFFFF38  }
0x54: {  	_ =	swait.ge [sflag:s17], $0x6400  }
.Ltmp3:
0x55: {  	[sflag:s17] =	ssyncset.done $0x0;
	(pc) =	sbr.rel @p3 .LBB2_6-.Ltmp3, $4  }
0x56: {  	[sflag:s17] =	ssyncadd.s32 $0xFFFF9C00  }
0x57: {  	[spmem:s2] =	stream.indirect.scatter.add.f32 [tilespmem:s16], [sflag:$0x2], $0x80, s21, s18, $0xb8;
	[tilespmem:$0x1A500] =	vst v63  }
0x58: {  	_ =	swait.ge [sflag:s15], $0x6400  }
0x59: {  	s24 =	smov.u32 s26;
	s22 =	sadd.s32 $0xC80, s22;
	[sflag:s15] =	ssyncset.done $0x0  }
.LBB2_7:
0x5a: {  	s23 =	sadd.s32 s23, s11;
	[sflag:s15] =	ssyncadd.s32 @p2 $0xFFFF9C00  }
0x5b: {  	[tilespmem:s21], [sflag:$0x1] =	stream.linear.gather [hbm4b:s23+s21], $0xC8, $0x38;
	[tilespmem:$0x1A500] =	vst v63  }
0x5c: {  	_ = 	snop  }
0x5d: {  	[tilespmem:s16], [sflag:$0x1] =	stream.linear.gather [hbm4b:s22+s21], $0x6400, $0x38;
	[tilespmem:$0x1A500] =	vst v63  }
0x5e: {  	_ =	swait.ge [sflag:s17], $0xC8  }
0x5f: {  	[sflag:s17] =	ssyncset.done $0x0  }
0x60: {  	[sflag:s17] =	ssyncadd.s32 $0xFFFFFF38  }
0x61: {  	_ =	swait.ge [sflag:s17], $0x6400  }
0x62: {  	[sflag:s17] =	ssyncset.done $0x0  }
.Ltmp4:
0x63: {  	[sflag:s17] =	ssyncadd.s32 $0xFFFF9C00;
	(pc) =	sbr.rel @!p1 .LBB2_12-.Ltmp4, $4  }
0x64: {  	[spmem:s2] =	stream.indirect.scatter.add.f32 [tilespmem:s16], [sflag:$0x2], $0x80, s21, s18, $0xb8;
	[tilespmem:$0x1A500] =	vst v63  }
0x65: {  	_ =	swait.ge [sflag:s15], $0x6400  }
0x66: {  	[sflag:s15] =	ssyncset.done $0x0  }
0x67: {  	s22 =	smov.u32 s12;
	[sflag:s15] =	ssyncadd.s32 $0xFFFF9C00  }
0x68: {  	s21 =	sadd.s32 $0x0, s13  }
0x69: {  	[tilespmem:s3], [sflag:$0x1] =	stream.linear.gather [hbm4b:s21+s3], $0xC8, $0x38;
	[tilespmem:$0x1A500] =	vst v63  }
0x6a: {  	_ = 	snop  }
0x6b: {  	[tilespmem:s16], [sflag:$0x1] =	stream.linear.gather [hbm4b:s12+s3], $0x6400, $0x38;
	[tilespmem:$0x1A500] =	vst v63  }
0x6c: {  	_ =	swait.ge [sflag:s17], $0xC8  }
0x6d: {  	[sflag:s17] =	ssyncset.done $0x0  }
0x6e: {  	[sflag:s17] =	ssyncadd.s32 $0xFFFFFF38  }
0x6f: {  	p1 =	por $0x1, $0x1;
	_ =	swait.ge [sflag:s17], $0x6400  }
.Ltmp5:
0x70: {  	[sflag:s17] =	ssyncset.done $0x0;
	(pc) =	sbr.rel @!p1 .LBB2_9-.Ltmp5, $4  }
0x71: {  	[sflag:s17] =	ssyncadd.s32 $0xFFFF9C00  }
0x72: {  	[spmem:s2] =	stream.indirect.scatter.add.f32 [tilespmem:s16], [sflag:$0x2], $0x80, s3, s18, $0xb8;
	[tilespmem:$0x1A500] =	vst v63  }
0x73: {  	s22 =	sadd.s32 $0xC80, s12;
	_ =	swait.ge [sflag:s15], $0x6400  }
0x74: {  	p0 =	por $0x1, $0x1;
	s21 =	simm.s32 $0x32;
	[sflag:s15] =	ssyncset.done $0x0  }
.LBB2_10:
0x75: {  	s23 =	sadd.s32 s20, s13  }
0x76: {  	[sflag:s15] =	ssyncadd.s32 $0xFFFF9C00;
	s20 =	smov.u32 s21;
	s24 =	sadd.s32 $0x19, s21  }
0x77: {  	[tilespmem:s3], [sflag:$0x1] =	stream.linear.gather [hbm4b:s23+s3], $0xC8, $0x38;
	[tilespmem:$0x1A500] =	vst v63  }
0x78: {  	p1 =	sne.s32 s21, $0xE1  }
0x79: {  	[tilespmem:s16], [sflag:$0x1] =	stream.linear.gather [hbm4b:s22+s3], $0x6400, $0x38;
	[tilespmem:$0x1A500] =	vst v63  }
0x7a: {  	_ =	swait.ge [sflag:s17], $0xC8  }
0x7b: {  	[sflag:s17] =	ssyncset.done $0x0  }
0x7c: {  	[sflag:s17] =	ssyncadd.s32 $0xFFFFFF38  }
0x7d: {  	_ =	swait.ge [sflag:s17], $0x6400  }
.Ltmp6:
0x7e: {  	[sflag:s17] =	ssyncset.done $0x0;
	(pc) =	sbr.rel @p1 .LBB2_10-.Ltmp6, $4  }
0x7f: {  	[sflag:s17] =	ssyncadd.s32 $0xFFFF9C00  }
0x80: {  	[spmem:s2] =	stream.indirect.scatter.add.f32 [tilespmem:s16], [sflag:$0x2], $0x80, s3, s18, $0xb8;
	[tilespmem:$0x1A500] =	vst v63  }
0x81: {  	_ =	swait.ge [sflag:s15], $0x6400  }
0x82: {  	s21 =	smov.u32 s24;
	s22 =	sadd.s32 $0xC80, s22;
	[sflag:s15] =	ssyncset.done $0x0  }
0x83: {  	s21 =	smov.u32 s20  }
.LBB2_12:
0x84: {  	s20 =	sadd.s32 s21, s13;
	[sflag:s15] =	ssyncadd.s32 @p0 $0xFFFF9C00  }
0x85: {  	[tilespmem:s3], [sflag:$0x1] =	stream.linear.gather [hbm4b:s20+s3], $0xC8, $0x38;
	[tilespmem:$0x1A500] =	vst v63  }
0x86: {  	_ = 	snop  }
0x87: {  	[tilespmem:s16], [sflag:$0x1] =	stream.linear.gather [hbm4b:s22+s3], $0x6400, $0x38;
	[tilespmem:$0x1A500] =	vst v63  }
0x88: {  	_ =	swait.ge [sflag:s17], $0xC8  }
0x89: {  	[sflag:s17] =	ssyncset.done $0x0  }
0x8a: {  	[sflag:s17] =	ssyncadd.s32 $0xFFFFFF38  }
0x8b: {  	_ =	swait.ge [sflag:s17], $0x6400  }
0x8c: {  	[sflag:s17] =	ssyncset.done $0x0  }
0x8d: {  	[sflag:s17] =	ssyncadd.s32 $0xFFFF9C00  }
0x8e: {  	[spmem:s2] =	stream.indirect.scatter.add.f32 [tilespmem:s16], [sflag:$0x2], $0x80, s3, s18, $0xb8;
	[tilespmem:$0x1A500] =	vst v63  }
0x8f: {  	_ =	swait.ge [sflag:s15], $0x6400  }
0x90: {  	[sflag:s15] =	ssyncset.done $0x0  }
0x91: {  	s19 =	sadd.s32 $0x1, s19;
	[sflag:s15] =	ssyncadd.s32 $0xFFFF9C00  }
0x92: {  	p0 =	sne.s32 s19, s7;
	[bflag:$0x0] =	sbarrier.arrive $0xFFFF  }
0x93: {  	[hbm:s6], [sflag:s5] =	dma.local [spmem:s14], $0x2800  }
.Ltmp7:
0x94: {  	_ = 	snop;
	(pc) =	sbr.rel @p0 .LBB2_1-.Ltmp7, $4  }
.Ltmp8:
0x95: {  	_ = 	snop;
	(pc) =	sbr.rel @!p0 .LBB2_13-.Ltmp8, $4  }
0x96: {  	_ =	swait.ge [sflag:s15], $0x2800  }
0x97: {  	[sflag:s15] =	ssyncset.done $0x0  }
0x98: {  	[sflag:s15] =	ssyncadd.s32 $0xFFFFD800  }
0x99: {  	_ = 	snop  }
.LBB2_5:
.Ltmp9:
0x9a: {  	(pc) =	sbr.rel .LBB2_7-.Ltmp9, $2  }
0x9b: {  	_ =	sdelay $0x2  }
0x9c: {  	s23 =	simm.s32 $0x19  }
.LBB2_9:
.Ltmp10:
0x9d: {  	(pc) =	sbr.rel .LBB2_12-.Ltmp10, $2  }
0x9e: {  	_ =	sdelay $0x2  }
0x9f: {  	s21 =	simm.s32 $0x19  }
.LBB2_13:
0xa0: {  	_ =	sfence.sel $0x180000  }
0xa1: {  	[bflag:$0x0] =	sbarrier.arrive $0xFFFF  }
0xa2: {  	p0 =	sne.s32 s1, $0x0;
	_ =	strace $0x90000056  }
0xa3: {  	s0 =	sadd.s32 @!p0 $0x100000, s0;
	[bflag:$0x2] =	sbarrier.arrive $0xFFFF  }
0xa4: {  	[sflag:s0] =	ssyncadd.tile.s32 @!p0 $0x1;
	_ =	shalt  }
.Lfunc_end2:
_tile_overlayer_lowered:
.L_overlay_start_2:
0xa5: {  	(tag) =	ssettag $0x2  }
0xa6: {  	s0 =	rddreg [dreg:$0x0];
	s2 =	stileid.u32  }
0xa7: {  	s1 =	rddreg [dreg:$0x1];
	p0 =	sne.s32 s2, $0x0  }
0xa8: {  	s3 =	rddreg [dreg:$0x2];
	[bflag:$0x3] =	sbarrier.arrive $0xFFFF;
	s2 =	simm.s32 @!p0 $0x1C02  }
0xa9: {  	[timem:s3], [sflag:s2] =	dma.local @!p0 [hbm:s0], s1  }
0xaa: {  	s0 =	simm.s32 @!p0 $0x2  }
0xab: {  	_ =	swait.ge @!p0 [sflag:s0], s1  }
0xac: {  	s1 =	ssub.s32 @!p0 $0x0, s1;
	[sflag:s0] =	ssyncset.done @!p0 $0x0  }
0xad: {  	[sflag:s0] =	ssyncadd.s32 @!p0 s1  }
0xae: {  	[bflag:$0x3] =	sbarrier.arrive $0xFFFF  }
0xaf: {  	_ =	shalt  }

// kernel: kernel.33.cloned.1.call-start
scs
__scs_entry_jumppad:
0x0: {  	(pc) =	sbr.rel $0x88, $3  }
0x1: {  	(tag) =	ssettag $0x0;
	lr =	simm.s32 $0x1  }
0x2: {  	[smem:$0x3F93] =	sst lr;
	_ =	strace $0xD0000000  }
0x3: {  	_ = 	snop  }
0x4: {  	_ = 	snop  }
0x5: {  	_ = 	snop  }
0x6: {  	_ = 	snop  }
0x7: {  	_ = 	snop  }
__scs_overlays_trampoline_lowered:
0x8: {  	[smem:$0x3FA2] =	sst s0  }
0x9: {  	[smem:$0x3FA3] =	sst s1  }
0xa: {  	[smem:$0x3FA4] =	sst s2  }
0xb: {  	[smem:$0x3FA5] =	sst s3  }
0xc: {  	[smem:$0x3FA6] =	sst s4  }
0xd: {  	[smem:$0x3FA7] =	sst s5  }
0xe: {  	[smem:$0x3FA8] =	sst s6  }
0xf: {  	[smem:$0x3FA9] =	sst s7  }
0x10: {  	[smem:$0x3FAA] =	sst s8  }
0x11: {  	[smem:$0x3FAB] =	sst s9;
	s0 =	simm.s32 @!p0 $0x0  }
0x12: {  	s1 =	sld [smem:$0x3F91];
	s0 =	simm.s32 @p0 $0x1  }
0x13: {  	[smem:$0x3FAC] =	sst s0;
	s0 =	simm.s32 @!p1 $0x0  }
0x14: {  	s2 =	sld [smem:$0x3F90];
	s0 =	simm.s32 @p1 $0x1  }
0x15: {  	[smem:$0x3FAD] =	sst s0;
	s0 =	simm.s32 @!p2 $0x0  }
0x16: {  	s3 =	sld [smem:$0x3FDB];
	s0 =	simm.s32 @p2 $0x1  }
0x17: {  	s4 =	simm.s32 $0x1BF5;
	[smem:$0x3FAF] =	sst s0  }
0x18: {  	s0 =	sld [smem:$0x3F92];
	_ =	swait.ge [sflag:s4], $0x0  }
0x19: {  	s7 =	sld [smem:$0x3F93]  }
0x1a: {  	s8 =	sadd.s32 $0xFFFFE003, lr  }
0x1b: {  	s9 =	sadd.s32 $0xFFFFFEF7, lr;
	s5 =	simm.s32 $0xFFFFFFFF;
	p2 =	slt.u32 s8, $0xFFFFF086  }
0x1c: {  	p1 =	slt.u32 s9, $0xF7A;
	s5 =	simm.s32 @!p2 $0x0  }
0x1d: {  	s5 =	simm.s32 @p1 $0x1;
	p0 =	seq.s32 s7, s2  }
0x1e: {  	s7 =	smul.u32 @!p0 $0xF7A, s2;
	p2 =	seq.s32 @!p0 s5, $0x0  }
0x1f: {  	s9 =	smul.u32 $0xF7A, s1;
	s8 =	simm.s32 @!p0 $0x1BF5;
	p2 =	por !p2, p0  }
0x20: {  	[sflag:s8] =	ssyncset.s32 @!p0 $0xFFFFF086;
	s6 =	sadd.s32 @!p0 s3, s7;
	s7 =	simm.s32 @!p0 $0x108  }
0x21: {  	s3 =	sadd.s32 s3, s9;
	s6 =	sadd.s32 @!p0 $0x88, s6;
	s7 =	simm.s32 @p2 $0x1082  }
0x22: {  	[simem:s7], [sflag:s8] =	dma.local @!p0 [hbm:s6], $0xF7A  }
0x23: {  	s9 =	sor.u32 $0xD0000000, s2;
	s6 =	simm.s32 $0x108;
	_ =	swait.ge @!p0 [sflag:s8], $0x0  }
0x24: {  	s3 =	sadd.s32 $0x88, s3;
	s6 =	simm.s32 @!p1 $0x1082;
	[sflag:s4] =	ssyncset.s32 $0xFFFFF086  }
0x25: {  	[simem:s6], [sflag:s4] =	dma.local [hbm:s3], $0xF7A  }
0x26: {  	[smem:$0x3F93] =	sst s1;
	(tag) =	ssettag s2;
	_ =	strace s9  }
0x27: {  	s1 =	sld [smem:$0x3FA3]  }
0x28: {  	s2 =	sld [smem:$0x3FA4]  }
0x29: {  	s4 =	sld [smem:$0x3FA6]  }
0x2a: {  	p0 =	seq.s32 s5, $0x0;
	s5 =	sld [smem:$0x3FA7]  }
0x2b: {  	s6 =	sld [smem:$0x3FA8]  }
0x2c: {  	s7 =	sld [smem:$0x3FA9]  }
0x2d: {  	s3 =	simm.s32 $0x108;
	s8 =	sld [smem:$0x3FAA]  }
0x2e: {  	s3 =	simm.s32 @!p0 $0x1082;
	s9 =	sld [smem:$0x3FAB]  }
0x2f: {  	lr =	sadd.s32 s0, s3;
	s0 =	sld [smem:$0x3FA2]  }
0x30: {  	s3 =	sld [smem:$0x3FA5]  }
0x31: {  	[smem:$0x3FAE] =	sst s10  }
0x32: {  	s10 =	sld [smem:$0x3FAC];
	_ =	sdelay $0x3  }
0x33: {  	p0 =	seq.s32 s10, $0x1;
	s10 =	sld [smem:$0x3FAE];
	_ =	sdelay $0x3  }
0x34: {  	[smem:$0x3FAE] =	sst s10  }
0x35: {  	s10 =	sld [smem:$0x3FAD];
	_ =	sdelay $0x3  }
0x36: {  	p1 =	seq.s32 s10, $0x1;
	s10 =	sld [smem:$0x3FAE];
	_ =	sdelay $0x3  }
0x37: {  	[smem:$0x3FAE] =	sst s10  }
0x38: {  	s10 =	sld [smem:$0x3FAF]  }
0x39: {  	_ = 	snop;
	(pc) =	sbr.ind lr, $3  }
0x3a: {  	_ = 	snop  }
0x3b: {  	_ = 	snop  }
0x3c: {  	p2 =	seq.s32 s10, $0x1;
	s10 =	sld [smem:$0x3FAE]  }
0x3d: {  	_ =	shalt  }
0x3e: {  	_ =	shalt  }
0x3f: {  	_ =	shalt  }
0x40: {  	_ =	shalt  }
0x41: {  	_ =	shalt  }
0x42: {  	_ =	shalt  }
0x43: {  	_ =	shalt  }
0x44: {  	_ =	shalt  }
0x45: {  	_ =	shalt  }
0x46: {  	_ =	shalt  }
0x47: {  	_ =	shalt  }
0x48: {  	_ =	shalt  }
0x49: {  	_ =	shalt  }
0x4a: {  	_ =	shalt  }
0x4b: {  	_ =	shalt  }
0x4c: {  	_ =	shalt  }
0x4d: {  	_ =	shalt  }
0x4e: {  	_ =	shalt  }
0x4f: {  	_ =	shalt  }
0x50: {  	_ =	shalt  }
0x51: {  	_ =	shalt  }
0x52: {  	_ =	shalt  }
0x53: {  	_ =	shalt  }
0x54: {  	_ =	shalt  }
0x55: {  	_ =	shalt  }
0x56: {  	_ =	shalt  }
0x57: {  	_ =	shalt  }
0x58: {  	_ =	shalt  }
0x59: {  	_ =	shalt  }
0x5a: {  	_ =	shalt  }
0x5b: {  	_ =	shalt  }
0x5c: {  	_ =	shalt  }
0x5d: {  	_ =	shalt  }
0x5e: {  	_ =	shalt  }
0x5f: {  	_ =	shalt  }
0x60: {  	_ =	shalt  }
0x61: {  	_ =	shalt  }
0x62: {  	_ =	shalt  }
0x63: {  	_ =	shalt  }
0x64: {  	_ =	shalt  }
0x65: {  	_ =	shalt  }
0x66: {  	_ =	shalt  }
0x67: {  	_ =	shalt  }
0x68: {  	_ =	shalt  }
0x69: {  	_ =	shalt  }
0x6a: {  	_ =	shalt  }
0x6b: {  	_ =	shalt  }
0x6c: {  	_ =	shalt  }
0x6d: {  	_ =	shalt  }
0x6e: {  	_ =	shalt  }
0x6f: {  	_ =	shalt  }
0x70: {  	_ =	shalt  }
0x71: {  	_ =	shalt  }
0x72: {  	_ =	shalt  }
0x73: {  	_ =	shalt  }
0x74: {  	_ =	shalt  }
0x75: {  	_ =	shalt  }
0x76: {  	_ =	shalt  }
0x77: {  	_ =	shalt  }
0x78: {  	_ =	shalt  }
0x79: {  	_ =	shalt  }
0x7a: {  	_ =	shalt  }
0x7b: {  	_ =	shalt  }
0x7c: {  	_ =	shalt  }
0x7d: {  	_ =	shalt  }
0x7e: {  	_ =	shalt  }
0x7f: {  	_ =	shalt  }
0x80: {  	_ =	shalt  }
0x81: {  	_ =	shalt  }
0x82: {  	_ =	shalt  }
0x83: {  	_ =	shalt  }
0x84: {  	_ =	shalt  }
0x85: {  	_ =	shalt  }
0x86: {  	_ =	shalt  }
0x87: {  	_ =	shalt  }
.Lfunc_end0:
.L_simem_size_0:
called_computation.6_lowered:
.L_overlay_start_0:
0x88: {  	s2 =	sld [smem:$0x3FD9]  }
0x89: {  	s3 =	sld [smem:$0x3FFE];
	_ =	sdelay $0x1  }
0x8a: {  	s1 =	srdreg.scid  }
0x8b: {  	s0 =	sand.u32 $0x1, s1  }
0x8c: {  	s17 =	sshll.u32 s0, $0xA;
	s2 =	sadd.s32 s3, s2  }
0x8d: {  	s2 =	sadd.s32 s2, s17  }
0x8e: {  	[smem:$0x3FBA] =	sst s2  }
0x8f: {  	_ = 	snop  }
0x90: {  	s18 =	sld [smem:$0x3FD0];
	(tm) =	ssettm $0x1  }
0x91: {  	s19 =	sld [smem:$0x3FFB];
	_ =	sdelay $0x3  }
0x92: {  	_ =	strace s19  }
0x93: {  	s2 =	sld [smem:$0x3FFC];
	_ =	sdelay $0x3  }
0x94: {  	_ =	strace s2  }
0x95: {  	s2 =	sld [smem:$0x3FFD];
	_ =	sdelay $0x3  }
0x96: {  	_ =	strace s2  }
0x97: {  	_ =	strace $0x8FFFFFFF  }
0x98: {  	s20 =	sld [smem:$0x3FDB];
	_ =	sdelay $0x1  }
0x99: {  	s4 =	simm.s32 $_scs_section_size  }
0x9a: {  	s5 =	simm.s32 $_size__tile_overlayer_lowered;
	s6 =	simm.s32 $_tile_overlayer_lowered  }
0x9b: {  	s7 =	simm.s32 $0x1BFF;
	s21 =	sshll.u32 s6, $0x1;
	s4 =	sadd.s32 s4, s20  }
0x9c: {  	s22 =	simm.s32 $0x0;
	s5 =	sshll.u32 s5, $0x1;
	s6 =	sadd.s32 s21, s4  }
0x9d: {  	[timem:s22], [sflag:s7] =	dma.local [hbm:s6], s5  }
0x9e: {  	_ =	swait.ge [sflag:s7], s5  }
0x9f: {  	s5 =	ssub.s32 $0x0, s5;
	[sflag:s7] =	ssyncset.done $0x0  }
0xa0: {  	[sflag:s7] =	ssyncadd.s32 s5;
	_ =	sdelay $0x1  }
0xa1: {  	s23 =	simm.s32 $0x1B8B  }
0xa2: {  	_ =	swait.ge [sflag:s23], $0x1  }
0xa3: {  	[sflag:s23] =	ssyncset.done $0x0  }
0xa4: {  	[sflag:s23] =	ssyncadd.s32 $0xFFFFFFFF  }
0xa5: {  	s5 =	sld [smem:$0x0]  }
0xa6: {  	s6 =	sand.u32 $0xFFFFFFFE, s1  }
0xa7: {  	p0 =	sne.s32 s1, s6  }
0xa8: {  	s6 =	sshll.u32 @p0 s6, $0xE  }
0xa9: {  	s6 =	sadd.s32 @p0 $0x11B8D, s6;
	s7 =	sshll.u32 @p0 s5, $0x11  }
0xaa: {  	s6 =	sor.u32 @p0 s7, s6  }
0xab: {  	[sflag:s6] =	ssyncadd.remote.s32 @p0 $0x1;
	_ =	sdelay $0x1  }
0xac: {  	s6 =	simm.s32 @p0 $0x1B8D  }
0xad: {  	_ =	swait.eq @p0 [sflag:s6], $0x1  }
0xae: {  	[sflag:s6] =	ssyncadd.s32 @p0 $0xFFFFFFFF  }
0xaf: {  	s7 =	sshll.u32 @!p0 s1, $0xE  }
0xb0: {  	s7 =	sor.u32 @!p0 $0x4000, s7;
	s6 =	simm.s32 @!p0 $0x1B8D  }
0xb1: {  	s5 =	sshll.u32 @!p0 s5, $0x11;
	s7 =	sadd.s32 @!p0 $0x11B8D, s7;
	_ =	swait.eq @!p0 [sflag:s6], $0x1  }
0xb2: {  	s5 =	sor.u32 @!p0 s5, s7;
	[sflag:s6] =	ssyncadd.s32 @!p0 $0xFFFFFFFF  }
0xb3: {  	s25 =	simm.s32 $0x1B8E;
	s24 =	sld [smem:$0x3FFE];
	[sflag:s5] =	ssyncadd.remote.s32 @!p0 $0x1  }
0xb4: {  	s26 =	simm.s32 $execute0_lowered;
	[smem:$0x3FD2] =	sst s25  }
0xb5: {  	s6 =	sshll.u32 s26, $0x1;
	_ =	strace $0x80000058;
	[dreg:$0x1] =	wrdreg $0xFFFFFFFF  }
0xb6: {  	s28 =	simm.s32 $_size_execute0_lowered;
	s4 =	sadd.s32 s4, s6;
	[dreg:$0x0] =	wrdreg $0x0  }
0xb7: {  	s6 =	sshll.u32 s28, $0x1;
	[dreg:$0x2] =	wrdreg s4  }
0xb8: {  	[dreg:$0x3] =	wrdreg s6  }
0xb9: {  	[dreg:$0x4] =	wrdreg $0xC0  }
0xba: {  	_ =	task [dreg:s22], $0x5FFFF  }
0xbb: {  	[dreg:$0x1] =	wrdreg $0xFFFFFFFF  }
0xbc: {  	[dreg:$0x0] =	wrdreg $0x60  }
0xbd: {  	[dreg:$0x2] =	wrdreg s24  }
0xbe: {  	[dreg:$0x3] =	wrdreg s18  }
0xbf: {  	[dreg:$0x4] =	wrdreg $0x65000  }
0xc0: {  	[dreg:$0x5] =	wrdreg $0x9  }
0xc1: {  	_ =	task.clear_ibuf [dreg:s22], $0x6FFFF;
	_ =	strace $0x90000058  }
0xc2: {  	s29 =	simm.s32 $0x9;
	_ =	strace $0x8000005A  }
0xc3: {  	_ =	swait.ge [sflag:s29], $0x1  }
0xc4: {  	[sflag:s29] =	ssyncadd.s32 $0xFFFFFFFF  }
0xc5: {  	_ =	strace $0x9000005A  }
0xc6: {  	_ =	sfence  }
0xc7: {  	s30 =	sld [smem:$0x0];
	_ =	sdelay $0x2  }
0xc8: {  	s31 =	sshll.u32 s1, $0xD;
	s1 =	sshrl.u32 s1, $0x2  }
0xc9: {  	s4 =	sand.u32 $0x4000, s31;
	s1 =	sadd.s32 s1, s30  }
0xca: {  	s0 =	sor.u32 s4, s0;
	s1 =	sshll.u32 s1, $0x11  }
0xcb: {  	s0 =	sor.u32 s1, s0  }
0xcc: {  	s0 =	sadd.s32 $0x8F2B, s0  }
0xcd: {  	[sflag:s0] =	ssyncadd.remote.s32 $0x1  }
0xce: {  	_ =	sfence.sel $0xFFFF  }
0xcf: {  	[dreg:$0x0] =	wrdreg $0xFFFFFFFF;
	(pc) =	sbr.abs _section_cstart, $3  }
0xd0: {  	[dreg:$0x1] =	wrdreg $0xFFFFFFFF  }
0xd1: {  	_ =	task.clear_ibuf [dreg:s22], $0x2FFFF;
	_ =	strace $0x9FFFFFFF  }
0xd2: {  	(tm) =	ssettm $0x7FFFFFFF  }
0xd3: {  	_ =	shalt  }
tec
execute0_lowered:
.L_overlay_start_1:
0x0: {  	(tag) =	ssettag $0x1  }
0x1: {  	s5 =	rddreg [dreg:$0x0]  }
0x2: {  	s11 =	rddreg [dreg:$0x1];
	s1 =	stileid.u32  }
0x3: {  	s2 =	rddreg [dreg:$0x2];
	s4 =	smul.u32 $0xFA00, s1  }
0x4: {  	s0 =	rddreg [dreg:$0x3];
	s7 =	smul.u32 $0x2800, s1  }
0x5: {  	s3 =	simm.s32 $0x0;
	s6 =	srdreg.scid;
	s12 =	smul.u32 $0x50000, s1  }
0x6: {  	s15 =	simm.s32 $0x1;
	s6 =	sand.u32 $0x1, s6;
	s23 =	smul.u32 $0xFA0, s1  }
0x7: {  	s16 =	simm.s32 $0xC8;
	s17 =	simm.s32 $0x0;
	s8 =	smul.u32 $0x28000, s6  }
0x8: {  	[smem:$0x7FF] =	sst s3;
	s25 =	sshll.u32 s1, $0x6;
	s13 =	smul.u32 $0x7D0, s6  }
0x9: {  	_ =	strace $0x80000059;
	s10 =	ssub.s32 $0x2, s6;
	s26 =	smul.u32 $0x7D00, s6  }
0xa: {  	s9 =	sadd.s32 s4, s5;
	s4 =	sadd.s32 $0x3200, s5;
	s22 =	sshrl.u32 s10, $0x1  }
0xb: {  	s24 =	sshrl.u32 s12, $0x2;
	s7 =	sadd.s32 s7, s8;
	s8 =	ssub.s32 s10, s22  }
0xc: {  	s14 =	sadd.s32 s24, s2;
	s28 =	sadd.s32 s13, s23;
	s29 =	sadd.s32 s26, s9  }
0xd: {  	s13 =	simm.s32 $0x2;
	s7 =	sadd.s32 s7, s5;
	s5 =	sor.u32 $0x1C02, s25  }
0xe: {  	s30 =	sadd.s32 $0x2EE00, s28;
	s31 =	sadd.s32 $0x3E800, s28;
	s10 =	sadd.s32 $0x351200, s29  }
0xf: {  	s6 =	sadd.s32 $0x44B200, s7;
	s7 =	smax.u32 s8, $0x1;
	s9 =	sshrl.u32 s30, $0x3  }
0x10: {  	s8 =	sadd.s32 $0x257200, s29;
	s12 =	sshrl.u32 s31, $0x3;
	s9 =	sadd.s32 s9, s11  }
0x11: {  	s11 =	sadd.s32 s12, s11;
	s12 =	sshrl.u32 s14, $0x3;
	s14 =	simm.s32 $0x100  }
.LBB2_1:
0x12: {  	[spmem:s12], [sflag:s5] =	dma.local [hbm:s4], $0x2800  }
0x13: {  	_ =	swait.ge [sflag:s13], $0x2800  }
0x14: {  	[sflag:s13] =	ssyncset.done $0x0  }
0x15: {  	[sflag:s13] =	ssyncadd.s32 $0xFFFFD800  }
0x16: {  	s18 =	sadd.s32 $0x0, s9;
	[bflag:$0x0] =	sbarrier.arrive $0xFFFF  }
0x17: {  	[tilespmem:s3], [sflag:$0x1] =	stream.linear.gather [hbm4b:s18+s3], $0xC8, $0x38;
	[tilespmem:$0x1A500] =	vst v63  }
0x18: {  	_ = 	snop  }
0x19: {  	[tilespmem:s14], [sflag:$0x1] =	stream.linear.gather [hbm4b:s8+s3], $0x6400, $0x38;
	[tilespmem:$0x1A500] =	vst v63  }
0x1a: {  	_ =	swait.ge [sflag:s15], $0xC8  }
0x1b: {  	[sflag:s15] =	ssyncset.done $0x0  }
0x1c: {  	[sflag:s15] =	ssyncadd.s32 $0xFFFFFF38  }
0x1d: {  	_ =	swait.ge [sflag:s15], $0x6400  }
0x1e: {  	[sflag:s15] =	ssyncset.done $0x0  }
0x1f: {  	[sflag:s15] =	ssyncadd.s32 $0xFFFF9C00  }
0x20: {  	[spmem:s2] =	stream.indirect.scatter.add.f32 [tilespmem:s14], [sflag:$0x2], $0x80, s3, s16, $0xb8;
	[tilespmem:$0x1A500] =	vst v63  }
0x21: {  	s20 =	sadd.s32 $0x19, s9;
	_ =	swait.ge [sflag:s13], $0x6400  }
0x22: {  	s21 =	simm.s32 $0x32;
	s18 =	sadd.s32 $0xC80, s8;
	[sflag:s13] =	ssyncset.done $0x0  }
.LBB2_2:
0x23: {  	s22 =	sadd.s32 s21, s9;
	s19 =	simm.s32 $0x0;
	[sflag:s13] =	ssyncadd.s32 $0xFFFF9C00  }
0x24: {  	[tilespmem:s19], [sflag:$0x1] =	stream.linear.gather [hbm4b:s20+s19], $0xC8, $0x38;
	[tilespmem:$0x1A500] =	vst v63  }
0x25: {  	p0 =	sne.s32 s21, $0xE1;
	s21 =	sadd.s32 $0x19, s21;
	s20 =	smov.u32 s22  }
0x26: {  	[tilespmem:s14], [sflag:$0x1] =	stream.linear.gather [hbm4b:s18+s19], $0x6400, $0x38;
	[tilespmem:$0x1A500] =	vst v63  }
0x27: {  	_ =	swait.ge [sflag:s15], $0xC8  }
0x28: {  	[sflag:s15] =	ssyncset.done $0x0  }
0x29: {  	[sflag:s15] =	ssyncadd.s32 $0xFFFFFF38  }
0x2a: {  	_ =	swait.ge [sflag:s15], $0x6400  }
.Ltmp0:
0x2b: {  	[sflag:s15] =	ssyncset.done $0x0;
	(pc) =	sbr.rel @p0 .LBB2_2-.Ltmp0, $4  }
0x2c: {  	[sflag:s15] =	ssyncadd.s32 $0xFFFF9C00  }
0x2d: {  	[spmem:s2] =	stream.indirect.scatter.add.f32 [tilespmem:s14], [sflag:$0x2], $0x80, s19, s16, $0xb8;
	[tilespmem:$0x1A500] =	vst v63  }
0x2e: {  	_ =	swait.ge [sflag:s13], $0x6400  }
0x2f: {  	s18 =	sadd.s32 $0xC80, s18;
	[sflag:s13] =	ssyncset.done $0x0  }
0x30: {  	[sflag:s13] =	ssyncadd.s32 $0xFFFF9C00  }
0x31: {  	[tilespmem:s19], [sflag:$0x1] =	stream.linear.gather [hbm4b:s20+s19], $0xC8, $0x38;
	[tilespmem:$0x1A500] =	vst v63  }
0x32: {  	_ = 	snop  }
0x33: {  	[tilespmem:s14], [sflag:$0x1] =	stream.linear.gather [hbm4b:s18+s19], $0x6400, $0x38;
	[tilespmem:$0x1A500] =	vst v63  }
0x34: {  	_ =	swait.ge [sflag:s15], $0xC8  }
0x35: {  	[sflag:s15] =	ssyncset.done $0x0  }
0x36: {  	[sflag:s15] =	ssyncadd.s32 $0xFFFFFF38  }
0x37: {  	_ =	swait.ge [sflag:s15], $0x6400  }
0x38: {  	p1 =	por $0x1, $0x1;
	[sflag:s15] =	ssyncset.done $0x0  }
.Ltmp1:
0x39: {  	[sflag:s15] =	ssyncadd.s32 $0xFFFF9C00;
	(pc) =	sbr.rel @!p1 .LBB2_8-.Ltmp1, $4  }
0x3a: {  	[spmem:s2] =	stream.indirect.scatter.add.f32 [tilespmem:s14], [sflag:$0x2], $0x80, s19, s16, $0xb8;
	[tilespmem:$0x1A500] =	vst v63  }
0x3b: {  	_ =	swait.ge [sflag:s13], $0x6400  }
0x3c: {  	p0 =	por $0x0, $0x0;
	[sflag:s13] =	ssyncset.done $0x0  }
0x3d: {  	s20 =	smov.u32 s10;
	s18 =	simm.s32 $0x19;
	[sflag:s13] =	ssyncadd.s32 $0xFFFF9C00  }
0x3e: {  	s19 =	sadd.s32 $0x0, s11  }
0x3f: {  	[tilespmem:s3], [sflag:$0x1] =	stream.linear.gather [hbm4b:s19+s3], $0xC8, $0x38;
	[tilespmem:$0x1A500] =	vst v63  }
0x40: {  	_ = 	snop  }
0x41: {  	[tilespmem:s14], [sflag:$0x1] =	stream.linear.gather [hbm4b:s10+s3], $0x6400, $0x38;
	[tilespmem:$0x1A500] =	vst v63  }
0x42: {  	_ =	swait.ge [sflag:s15], $0xC8  }
0x43: {  	[sflag:s15] =	ssyncset.done $0x0  }
0x44: {  	[sflag:s15] =	ssyncadd.s32 $0xFFFFFF38  }
0x45: {  	p1 =	por $0x1, $0x1;
	_ =	swait.ge [sflag:s15], $0x6400  }
.Ltmp2:
0x46: {  	[sflag:s15] =	ssyncset.done $0x0;
	(pc) =	sbr.rel @!p1 .LBB2_5-.Ltmp2, $4  }
0x47: {  	[sflag:s15] =	ssyncadd.s32 $0xFFFF9C00  }
0x48: {  	[spmem:s2] =	stream.indirect.scatter.add.f32 [tilespmem:s14], [sflag:$0x2], $0x80, s3, s16, $0xb8;
	[tilespmem:$0x1A500] =	vst v63  }
0x49: {  	s20 =	sadd.s32 $0xC80, s10;
	_ =	swait.ge [sflag:s13], $0x6400  }
0x4a: {  	p0 =	por $0x1, $0x1;
	s19 =	simm.s32 $0x32;
	[sflag:s13] =	ssyncset.done $0x0  }
.LBB2_6:
0x4b: {  	s21 =	sadd.s32 s18, s11  }
0x4c: {  	[sflag:s13] =	ssyncadd.s32 $0xFFFF9C00;
	s18 =	smov.u32 s19;
	s22 =	sadd.s32 $0x19, s19  }
0x4d: {  	[tilespmem:s3], [sflag:$0x1] =	stream.linear.gather [hbm4b:s21+s3], $0xC8, $0x38;
	[tilespmem:$0x1A500] =	vst v63  }
0x4e: {  	p1 =	sne.s32 s19, $0xE1  }
0x4f: {  	[tilespmem:s14], [sflag:$0x1] =	stream.linear.gather [hbm4b:s20+s3], $0x6400, $0x38;
	[tilespmem:$0x1A500] =	vst v63  }
0x50: {  	_ =	swait.ge [sflag:s15], $0xC8  }
0x51: {  	[sflag:s15] =	ssyncset.done $0x0  }
0x52: {  	[sflag:s15] =	ssyncadd.s32 $0xFFFFFF38  }
0x53: {  	_ =	swait.ge [sflag:s15], $0x6400  }
.Ltmp3:
0x54: {  	[sflag:s15] =	ssyncset.done $0x0;
	(pc) =	sbr.rel @p1 .LBB2_6-.Ltmp3, $4  }
0x55: {  	[sflag:s15] =	ssyncadd.s32 $0xFFFF9C00  }
0x56: {  	[spmem:s2] =	stream.indirect.scatter.add.f32 [tilespmem:s14], [sflag:$0x2], $0x80, s3, s16, $0xb8;
	[tilespmem:$0x1A500] =	vst v63  }
0x57: {  	_ =	swait.ge [sflag:s13], $0x6400  }
0x58: {  	s19 =	smov.u32 s22;
	s20 =	sadd.s32 $0xC80, s20;
	[sflag:s13] =	ssyncset.done $0x0  }
0x59: {  	s19 =	smov.u32 s18  }
.LBB2_8:
0x5a: {  	s18 =	sadd.s32 s19, s11;
	[sflag:s13] =	ssyncadd.s32 @p0 $0xFFFF9C00  }
0x5b: {  	[tilespmem:s3], [sflag:$0x1] =	stream.linear.gather [hbm4b:s18+s3], $0xC8, $0x38;
	[tilespmem:$0x1A500] =	vst v63  }
0x5c: {  	_ = 	snop  }
0x5d: {  	[tilespmem:s14], [sflag:$0x1] =	stream.linear.gather [hbm4b:s20+s3], $0x6400, $0x38;
	[tilespmem:$0x1A500] =	vst v63  }
0x5e: {  	_ =	swait.ge [sflag:s15], $0xC8  }
0x5f: {  	[sflag:s15] =	ssyncset.done $0x0  }
0x60: {  	[sflag:s15] =	ssyncadd.s32 $0xFFFFFF38  }
0x61: {  	_ =	swait.ge [sflag:s15], $0x6400  }
0x62: {  	[sflag:s15] =	ssyncset.done $0x0  }
0x63: {  	[sflag:s15] =	ssyncadd.s32 $0xFFFF9C00  }
0x64: {  	[spmem:s2] =	stream.indirect.scatter.add.f32 [tilespmem:s14], [sflag:$0x2], $0x80, s3, s16, $0xb8;
	[tilespmem:$0x1A500] =	vst v63  }
0x65: {  	_ =	swait.ge [sflag:s13], $0x6400  }
0x66: {  	[sflag:s13] =	ssyncset.done $0x0  }
0x67: {  	s17 =	sadd.s32 $0x1, s17;
	[sflag:s13] =	ssyncadd.s32 $0xFFFF9C00  }
0x68: {  	p0 =	sne.s32 s17, s7;
	[bflag:$0x0] =	sbarrier.arrive $0xFFFF  }
0x69: {  	[hbm:s6], [sflag:s5] =	dma.local [spmem:s12], $0x2800  }
.Ltmp4:
0x6a: {  	_ = 	snop;
	(pc) =	sbr.rel @p0 .LBB2_1-.Ltmp4, $4  }
.Ltmp5:
0x6b: {  	_ = 	snop;
	(pc) =	sbr.rel @!p0 .LBB2_9-.Ltmp5, $4  }
0x6c: {  	_ =	swait.ge [sflag:s13], $0x2800  }
0x6d: {  	[sflag:s13] =	ssyncset.done $0x0  }
0x6e: {  	[sflag:s13] =	ssyncadd.s32 $0xFFFFD800  }
0x6f: {  	_ = 	snop  }
.LBB2_5:
.Ltmp6:
0x70: {  	(pc) =	sbr.rel .LBB2_8-.Ltmp6, $2  }
0x71: {  	_ =	sdelay $0x2  }
0x72: {  	s19 =	simm.s32 $0x19  }
.LBB2_9:
0x73: {  	_ =	sfence.sel $0x180000  }
0x74: {  	[bflag:$0x0] =	sbarrier.arrive $0xFFFF  }
0x75: {  	p0 =	sne.s32 s1, $0x0;
	_ =	strace $0x90000059  }
0x76: {  	s0 =	sadd.s32 @!p0 $0x100000, s0;
	[bflag:$0x2] =	sbarrier.arrive $0xFFFF  }
0x77: {  	[sflag:s0] =	ssyncadd.tile.s32 @!p0 $0x1;
	_ =	shalt  }
.Lfunc_end2:
_tile_overlayer_lowered:
.L_overlay_start_2:
0x78: {  	(tag) =	ssettag $0x2  }
0x79: {  	s0 =	rddreg [dreg:$0x0];
	s2 =	stileid.u32  }
0x7a: {  	s1 =	rddreg [dreg:$0x1];
	p0 =	sne.s32 s2, $0x0  }
0x7b: {  	s3 =	rddreg [dreg:$0x2];
	[bflag:$0x3] =	sbarrier.arrive $0xFFFF;
	s2 =	simm.s32 @!p0 $0x1C02  }
0x7c: {  	[timem:s3], [sflag:s2] =	dma.local @!p0 [hbm:s0], s1  }
0x7d: {  	s0 =	simm.s32 @!p0 $0x2  }
0x7e: {  	_ =	swait.ge @!p0 [sflag:s0], s1  }
0x7f: {  	s1 =	ssub.s32 @!p0 $0x0, s1;
	[sflag:s0] =	ssyncset.done @!p0 $0x0  }
0x80: {  	[sflag:s0] =	ssyncadd.s32 @!p0 s1  }
0x81: {  	[bflag:$0x3] =	sbarrier.arrive $0xFFFF  }
0x82: {  	_ =	shalt  }

</sc_bundles>
